<compile_context>
chip_gen: v7x
topology: tpu7x:2x2x1
jax: 0.10.2.dev20260603
libtpu: 0.0.44.dev20260713+nightly
codegen_flags: <defaults>
</compile_context>

<pallas_src>
import functools

import jax
import jax.numpy as jnp
from jax import lax
from jax.experimental import pallas as pl
from jax.experimental.pallas import tpu as pltpu
from jax.experimental.pallas import tpu_sc as plsc

N = 10000
H = 128
G = 128
NC = 2
NS = 16
NW = NC * NS
EC = 128
N_ACC = 10112
RPT = N_ACC // NS
BLK = 2000



def _sc_agg(h, src_w, dst_w, zrows):
    C = src_w.shape[1]
    NST = 2
    CH = C // NST
    NB = 2

    @functools.partial(
        pl.kernel,
        out_type=jax.ShapeDtypeStruct((NC, N_ACC, H), jnp.float32),
        mesh=plsc.VectorSubcoreMesh(core_axis_name="c", subcore_axis_name="s"),
        scratch_types=[
            pltpu.VMEM_SHARED((N_ACC, H), jnp.float32),
            pltpu.VMEM((CH, EC), jnp.int32),
            pltpu.VMEM((CH, EC), jnp.int32),
            [pltpu.VMEM((EC, H), jnp.float32) for _ in range(NB)],
            [pltpu.SemaphoreType.DMA for _ in range(NB)],
            pltpu.SemaphoreType.DMA,
            pltpu.SemaphoreType.DMA,
        ],
    )
    def k(h_hbm, src_hbm, dst_hbm, z_hbm, out_hbm,
          acc, src_v, dst_v, bufs, gsems, zsem, isem):
        cid = lax.axis_index("c")
        sid = lax.axis_index("s")
        wid = cid * NS + sid

        def gather(c, j):
            pltpu.async_copy(h_hbm.at[src_v.at[c]], bufs[j], gsems[j])

        def gather_wait(c, j):
            pltpu.make_async_copy(h_hbm.at[src_v.at[c]], bufs[j], gsems[j]).wait()

        with jax.named_scope("zinit"):
            zcp = pltpu.async_copy(z_hbm, acc.at[pl.ds(sid * RPT, RPT)], zsem)
            pltpu.async_copy(src_hbm.at[wid].at[pl.ds(0, CH)], src_v, isem)
            icp = pltpu.async_copy(dst_hbm.at[wid].at[pl.ds(0, CH)], dst_v, isem)
            icp.wait()
            pltpu.make_async_copy(src_hbm.at[wid].at[pl.ds(0, CH)],
                                  src_v, isem).wait()
            gather(0, 0)
            gather(1, 1)
            zcp.wait()
            plsc.subcore_barrier()

        for stage in range(NST):
            base = stage * CH
            if stage > 0:
                with jax.named_scope("idx"):
                    pltpu.sync_copy(src_hbm.at[wid].at[pl.ds(base, CH)], src_v)
                    pltpu.sync_copy(dst_hbm.at[wid].at[pl.ds(base, CH)], dst_v)

            with jax.named_scope("gsloop"):
                if stage > 0:
                    gather(0, 0)
                    gather(1, 1)

                @pl.loop(0, CH // NB)
                def _(r):
                    for j in range(NB):
                        c = r * NB + j
                        gather_wait(c, j)
                        pltpu.sync_copy(bufs[j], acc.at[dst_v.at[c]], add=True)

                        @pl.when(c + NB < CH)
                        def _():
                            gather(c + NB, j)

        plsc.subcore_barrier()
        with jax.named_scope("wout"):
            r = sid * RPT
            pltpu.sync_copy(acc.at[pl.ds(r, RPT)],
                            out_hbm.at[cid].at[pl.ds(r, RPT)])

    return k(h, src_w, dst_w, zrows)



def _tc_pad_edges(srcr, dstr, C):
    ER = srcr.shape[0]
    PR = NW * C * EC // 128

    def body(s_ref, d_ref, os_ref, od_ref):
        os_ref[0:ER, :] = s_ref[...]
        od_ref[0:ER, :] = d_ref[...]
        rows = lax.broadcasted_iota(jnp.int32, (PR - ER, 128), 0)
        lanes = lax.broadcasted_iota(jnp.int32, (PR - ER, 128), 1)
        p = rows * 128 + lanes
        os_ref[ER:PR, :] = p % N
        od_ref[ER:PR, :] = N + p % (N_ACC - N)

    return pl.pallas_call(
        body,
        out_shape=[jax.ShapeDtypeStruct((PR, 128), jnp.int32),
                   jax.ShapeDtypeStruct((PR, 128), jnp.int32)],
    )(srcr, dstr)


def _eps_spec():
    return pl.BlockSpec(memory_space=pltpu.SMEM)


def _wspec():
    return pl.BlockSpec((H, H), lambda i: (0, 0))


def _bspec():
    return pl.BlockSpec((1, H), lambda i: (0, 0))


def _rowspec():
    return pl.BlockSpec((BLK, H), lambda i: (i, 0))


def _pspec():
    return pl.BlockSpec((2, BLK, H), lambda i: (0, i, 0))


def _sspec():
    return pl.BlockSpec((8, H), lambda i: (0, 0))


def _tc_conv1(eps, x, p, W1, b1, W2, b2):
    def body(eps_ref, x_ref, p_ref, w1_ref, b1_ref, w2_ref, b2_ref, o_ref):
        a = (1.0 + eps_ref[0, 0]) * x_ref[...] + p_ref[0] + p_ref[1]
        t = jnp.dot(a, w1_ref[...], preferred_element_type=jnp.float32)
        t = jnp.maximum(t + b1_ref[...], 0.0)
        t = jnp.dot(t, w2_ref[...], preferred_element_type=jnp.float32)
        o_ref[...] = jnp.maximum(t + b2_ref[...], 0.0)

    return pl.pallas_call(
        body,
        grid=(N // BLK,),
        in_specs=[_eps_spec(), _rowspec(), _pspec(),
                  _wspec(), _bspec(), _wspec(), _bspec()],
        out_specs=_rowspec(),
        out_shape=jax.ShapeDtypeStruct((N, H), jnp.float32),
    )(eps, x, p, W1, b1, W2, b2)


def _tc_conv_bn(eps, hin, p, W1, b1, g1, be1, W2, b2, g2, be2):
    nb = N // BLK

    def stats_update(s_ref, z, first):
        @pl.when(first)
        def _():
            s_ref[...] = jnp.zeros_like(s_ref)

        su = jnp.sum(z, axis=0, keepdims=True)
        sq = jnp.sum(z * z, axis=0, keepdims=True)
        s_ref[...] += jnp.concatenate(
            [su, sq, jnp.zeros((6, H), jnp.float32)], axis=0)

    def bn(z, s_ref, g_ref, be_ref):
        m = s_ref[0:1, :] * (1.0 / N)
        v = s_ref[1:2, :] * (1.0 / N) - m * m
        inv = lax.rsqrt(v + 1e-5)
        return (z - m) * inv * g_ref[...] + be_ref[...]

    def body(eps_ref, h_ref, p_ref, w1_ref, b1_ref, g1_ref, be1_ref,
             w2_ref, b2_ref, g2_ref, be2_ref, o_ref, z1s, z2s, s1, s2):
        i = pl.program_id(0)

        @pl.when(i < nb)
        def _():
            a = (1.0 + eps_ref[0, 0]) * h_ref[...] + p_ref[0] + p_ref[1]
            z = jnp.dot(a, w1_ref[...], preferred_element_type=jnp.float32)
            z = z + b1_ref[...]
            z1s[pl.ds(pl.multiple_of(i * BLK, BLK), BLK), :] = z
            stats_update(s1, z, i == 0)

        @pl.when(jnp.logical_and(i >= nb, i < 2 * nb))
        def _():
            ib = pl.multiple_of((i - nb) * BLK, BLK)
            z = z1s[pl.ds(ib, BLK), :]
            hmid = jnp.maximum(bn(z, s1, g1_ref, be1_ref), 0.0)
            z2 = jnp.dot(hmid, w2_ref[...], preferred_element_type=jnp.float32)
            z2 = z2 + b2_ref[...]
            z2s[pl.ds(ib, BLK), :] = z2
            stats_update(s2, z2, i == nb)

        @pl.when(i >= 2 * nb)
        def _():
            ib = pl.multiple_of((i - 2 * nb) * BLK, BLK)
            z2 = z2s[pl.ds(ib, BLK), :]
            o_ref[...] = jnp.maximum(bn(z2, s2, g2_ref, be2_ref), 0.0)

    def clamp_row(i):
        return (jnp.minimum(i, nb - 1), 0)

    def clamp_p(i):
        return (0, jnp.minimum(i, nb - 1), 0)

    return pl.pallas_call(
        body,
        grid=(3 * nb,),
        in_specs=[_eps_spec(),
                  pl.BlockSpec((BLK, H), clamp_row),
                  pl.BlockSpec((2, BLK, H), clamp_p),
                  _wspec(), _bspec(), _bspec(), _bspec(),
                  _wspec(), _bspec(), _bspec(), _bspec()],
        out_specs=pl.BlockSpec((BLK, H),
                               lambda i: (jnp.maximum(i - 2 * nb, 0), 0)),
        out_shape=jax.ShapeDtypeStruct((N, H), jnp.float32),
        scratch_shapes=[pltpu.VMEM((N, H), jnp.float32),
                        pltpu.VMEM((N, H), jnp.float32),
                        pltpu.VMEM((8, H), jnp.float32),
                        pltpu.VMEM((8, H), jnp.float32)],
    )(eps, hin, p, W1, b1, g1, be1, W2, b2, g2, be2)


def _tc_lin_stats(eps, hin, p, W, b):
    nb = N // BLK

    def body(eps_ref, h_ref, p_ref, w_ref, b_ref, z_ref, s_ref):
        i = pl.program_id(0)
        a = (1.0 + eps_ref[0, 0]) * h_ref[...] + p_ref[0] + p_ref[1]
        z = jnp.dot(a, w_ref[...], preferred_element_type=jnp.float32) + b_ref[...]
        z_ref[...] = z

        @pl.when(i == 0)
        def _():
            s_ref[...] = jnp.zeros_like(s_ref)

        su = jnp.sum(z, axis=0, keepdims=True)
        sq = jnp.sum(z * z, axis=0, keepdims=True)
        s_ref[...] += jnp.concatenate(
            [su, sq, jnp.zeros((6, H), jnp.float32)], axis=0)

    return pl.pallas_call(
        body,
        grid=(nb,),
        in_specs=[_eps_spec(), _rowspec(), _pspec(), _wspec(), _bspec()],
        out_specs=[_rowspec(), _sspec()],
        out_shape=[jax.ShapeDtypeStruct((N, H), jnp.float32),
                   jax.ShapeDtypeStruct((8, H), jnp.float32)],
    )(eps, hin, p, W, b)


def _tc_bn_lin_stats(z, s, g, be, W, b):
    nb = N // BLK

    def body(z_ref, s_ref, g_ref, be_ref, w_ref, b_ref, z2_ref, s2_ref):
        i = pl.program_id(0)
        m = s_ref[0:1, :] * (1.0 / N)
        v = s_ref[1:2, :] * (1.0 / N) - m * m
        inv = lax.rsqrt(v + 1e-5)
        hmid = jnp.maximum((z_ref[...] - m) * inv * g_ref[...] + be_ref[...], 0.0)
        z2 = jnp.dot(hmid, w_ref[...], preferred_element_type=jnp.float32) + b_ref[...]
        z2_ref[...] = z2

        @pl.when(i == 0)
        def _():
            s2_ref[...] = jnp.zeros_like(s2_ref)

        su = jnp.sum(z2, axis=0, keepdims=True)
        sq = jnp.sum(z2 * z2, axis=0, keepdims=True)
        s2_ref[...] += jnp.concatenate(
            [su, sq, jnp.zeros((6, H), jnp.float32)], axis=0)

    return pl.pallas_call(
        body,
        grid=(nb,),
        in_specs=[_rowspec(), _sspec(), _bspec(), _bspec(), _wspec(), _bspec()],
        out_specs=[_rowspec(), _sspec()],
        out_shape=[jax.ShapeDtypeStruct((N, H), jnp.float32),
                   jax.ShapeDtypeStruct((8, H), jnp.float32)],
    )(z, s, g, be, W, b)


def _tc_bn_relu(z, s, g, be):
    def body(z_ref, s_ref, g_ref, be_ref, o_ref):
        m = s_ref[0:1, :] * (1.0 / N)
        v = s_ref[1:2, :] * (1.0 / N) - m * m
        inv = lax.rsqrt(v + 1e-5)
        o_ref[...] = jnp.maximum(
            (z_ref[...] - m) * inv * g_ref[...] + be_ref[...], 0.0)

    return pl.pallas_call(
        body,
        grid=(N // BLK,),
        in_specs=[_rowspec(), _sspec(), _bspec(), _bspec()],
        out_specs=_rowspec(),
        out_shape=jax.ShapeDtypeStruct((N, H), jnp.float32),
    )(z, s, g, be)


def _tc_head(h1, h2, h3, batch2, Wa, Wb, Wc, b, pW, pb):
    nb = N // BLK

    def body(h1_ref, h2_ref, h3_ref, bt_ref, wa_ref, wb_ref, wc_ref, b_ref,
             pw_ref, pb_ref, out_ref, s_ref, c_ref):
        i = pl.program_id(0)
        hl = (jnp.dot(h1_ref[...], wa_ref[...], preferred_element_type=jnp.float32)
              + jnp.dot(h2_ref[...], wb_ref[...], preferred_element_type=jnp.float32)
              + jnp.dot(h3_ref[...], wc_ref[...], preferred_element_type=jnp.float32)
              + b_ref[...])
        hl = jnp.maximum(hl, 0.0)
        gids = lax.broadcasted_iota(jnp.int32, (G, BLK), 0)
        oh = (bt_ref[0] == gids).astype(jnp.float32)
        ps = jnp.dot(oh, hl, preferred_element_type=jnp.float32)
        cs = jnp.dot(oh, jnp.ones((BLK, H), jnp.float32),
                     preferred_element_type=jnp.float32)

        @pl.when(i == 0)
        def _():
            s_ref[...] = jnp.zeros_like(s_ref)
            c_ref[...] = jnp.zeros_like(c_ref)

        s_ref[...] += ps
        c_ref[...] += cs

        @pl.when(i == nb - 1)
        def _():
            pooled = s_ref[...] / jnp.maximum(c_ref[...], 1.0)
            o = jnp.dot(pooled, pw_ref[...], preferred_element_type=jnp.float32)
            out_ref[...] = jnp.maximum(o + pb_ref[...], 0.0)

    out, _, _ = pl.pallas_call(
        body,
        grid=(nb,),
        in_specs=[_rowspec(), _rowspec(), _rowspec(),
                  pl.BlockSpec((1, 1, BLK), lambda i: (i, 0, 0)),
                  _wspec(), _wspec(), _wspec(), _bspec(), _wspec(), _bspec()],
        out_specs=[pl.BlockSpec((G, H), lambda i: (0, 0)),
                   pl.BlockSpec((G, H), lambda i: (0, 0)),
                   pl.BlockSpec((G, H), lambda i: (0, 0))],
        out_shape=[jax.ShapeDtypeStruct((G, H), jnp.float32),
                   jax.ShapeDtypeStruct((G, H), jnp.float32),
                   jax.ShapeDtypeStruct((G, H), jnp.float32)],
    )(h1, h2, h3, batch2, Wa, Wb, Wc, b, pW, pb)
    return out



def kernel(x, edge_index, batch, params):
    p = params
    src = edge_index[0]
    dst = edge_index[1]
    E = src.shape[0]
    C = -(-E // (NW * EC))
    C = -(-C // 16) * 16
    src_p, dst_p = _tc_pad_edges(src.reshape(E // 128, 128),
                                 dst.reshape(E // 128, 128), C)
    src_w = src_p.reshape(NW, C, EC)
    dst_w = dst_p.reshape(NW, C, EC)
    zrows = jnp.zeros((RPT, H), jnp.float32)
    batch2 = batch.reshape(N // BLK, 1, BLK)

    def r2(a):
        return a.reshape(1, H)

    eps1 = p['eps1'].reshape(1, 1)
    eps2 = p['eps2'].reshape(1, 1)
    eps3 = p['eps3'].reshape(1, 1)

    pr = _sc_agg(x, src_w, dst_w, zrows)
    h1 = _tc_conv1(eps1, x, pr, p['c1_W1'], r2(p['c1_b1']),
                   p['c1_W2'], r2(p['c1_b2']))

    pr = _sc_agg(h1, src_w, dst_w, zrows)
    h2 = _tc_conv_bn(eps2, h1, pr, p['c2_W1'], r2(p['c2_b1']),
                     r2(p['c2_g1']), r2(p['c2_be1']),
                     p['c2_W2'], r2(p['c2_b2']),
                     r2(p['c2_g2']), r2(p['c2_be2']))

    pr = _sc_agg(h2, src_w, dst_w, zrows)
    h3 = _tc_conv_bn(eps3, h2, pr, p['c3_W1'], r2(p['c3_b1']),
                     r2(p['c3_g1']), r2(p['c3_be1']),
                     p['c3_W2'], r2(p['c3_b2']),
                     r2(p['c3_g2']), r2(p['c3_be2']))

    W = p['lin1_W']
    out = _tc_head(h1, h2, h3, batch2,
                   W[0:H], W[H:2 * H], W[2 * H:3 * H], r2(p['lin1_b']),
                   p['pred_W'], r2(p['pred_b']))
    return out

# --- scband reference (transcript-rebuilt; emitter-appended) ---
"""Pipeline reference for scband-gin-47940424958475 (READ-ONLY COPY).

The authoritative reference and input builder live on the scoring server;
editing this copy changes nothing except your own understanding.
"""

import jax, jax.numpy as jnp
import numpy as np

N = 10000
E = 320000
F = 128
H = 128
G = 128  # number of graphs in the batch


def _bn(h, g, b):
    m = h.mean(axis=0)
    v = h.var(axis=0)
    return (h - m) / jnp.sqrt(v + 1e-5) * g + b


def setup_inputs(seed: int = 0) -> dict:
    key = jax.random.key(seed)
    ks = jax.random.split(key, 40)
    x = jax.random.normal(ks[0], (N, F), dtype=jnp.float32)
    edge_index = jax.random.randint(ks[1], (2, E), 0, N, dtype=jnp.int32)
    batch = jnp.sort(jax.random.randint(ks[2], (N,), 0, G, dtype=jnp.int32))

    def lin(k, fan_in, fan_out):
        return jax.random.normal(k, (fan_in, fan_out), dtype=jnp.float32) * (1.0 / np.sqrt(fan_in))

    params = {}
    # conv1: MLP = Linear(F,H), ReLU, Linear(H,H), ReLU ; trainable eps
    params['eps1'] = jnp.float32(0.0)
    params['c1_W1'] = lin(ks[3], F, H); params['c1_b1'] = jnp.zeros((H,), jnp.float32)
    params['c1_W2'] = lin(ks[4], H, H); params['c1_b2'] = jnp.zeros((H,), jnp.float32)
    # conv2, conv3: MLP = Linear, BN, ReLU, Linear, BN, ReLU ; trainable eps
    ki = 5
    for i in (2, 3):
        params[f'eps{i}'] = jnp.float32(0.0)
        params[f'c{i}_W1'] = lin(ks[ki], H, H); ki += 1
        params[f'c{i}_b1'] = jnp.zeros((H,), jnp.float32)
        params[f'c{i}_g1'] = jnp.ones((H,), jnp.float32)
        params[f'c{i}_be1'] = jnp.zeros((H,), jnp.float32)
        params[f'c{i}_W2'] = lin(ks[ki], H, H); ki += 1
        params[f'c{i}_b2'] = jnp.zeros((H,), jnp.float32)
        params[f'c{i}_g2'] = jnp.ones((H,), jnp.float32)
        params[f'c{i}_be2'] = jnp.zeros((H,), jnp.float32)
    # lin1: Linear(3*H, H)
    params['lin1_W'] = lin(ks[ki], 3 * H, H); ki += 1
    params['lin1_b'] = jnp.zeros((H,), jnp.float32)
    # pred_layer: Linear(H, H), ReLU
    params['pred_W'] = lin(ks[ki], H, H); ki += 1
    params['pred_b'] = jnp.zeros((H,), jnp.float32)
    return {'x': x, 'edge_index': edge_index, 'batch': batch, 'params': params}


def reference(x, edge_index, batch, params):
    p = params
    src = edge_index[0]
    dst = edge_index[1]

    # conv1 (GINConv, train_eps=True): MLP((1+eps)*x + sum_{j in N(i)} x_j)
    agg = jnp.zeros_like(x).at[dst].add(x[src])
    h = (1.0 + p['eps1']) * x + agg
    h = jax.nn.relu(h @ p['c1_W1'] + p['c1_b1'])
    h = jax.nn.relu(h @ p['c1_W2'] + p['c1_b2'])
    xs = [h]

    for i in (2, 3):
        agg = jnp.zeros_like(h).at[dst].add(h[src])
        z = (1.0 + p[f'eps{i}']) * h + agg
        z = z @ p[f'c{i}_W1'] + p[f'c{i}_b1']
        z = jax.nn.relu(_bn(z, p[f'c{i}_g1'], p[f'c{i}_be1']))
        z = z @ p[f'c{i}_W2'] + p[f'c{i}_b2']
        z = jax.nn.relu(_bn(z, p[f'c{i}_g2'], p[f'c{i}_be2']))
        h = z
        xs.append(h)

    hcat = jnp.concatenate(xs, axis=1)
    hl = jax.nn.relu(hcat @ p['lin1_W'] + p['lin1_b'])

    # global mean pool over graphs
    sums = jax.ops.segment_sum(hl, batch, num_segments=G)
    counts = jax.ops.segment_sum(jnp.ones((N, 1), jnp.float32), batch, num_segments=G)
    pooled = sums / jnp.maximum(counts, 1.0)

    out = jax.nn.relu(pooled @ p['pred_W'] + p['pred_b'])
    return out

if __name__ == "__main__":
    import jax
    _d = setup_inputs()
    print(jax.jit(kernel)(*tuple(_d.values())))

</pallas_src>

<mosaic_0001>
#map = affine_map<(d0, d1) -> (0, 0)>
#map1 = affine_map<(d0, d1) -> (0, 0, 0)>
module attributes {stable_mosaic.version = 14 : i64} {
  func.func @k(%arg0: i32, %arg1: i32, %arg2: memref<10000x128xf32, #tpu.memory_space<hbm>>, %arg3: memref<32x80x128xi32, #tpu.memory_space<hbm>>, %arg4: memref<32x80x128xi32, #tpu.memory_space<hbm>>, %arg5: memref<632x128xf32, #tpu.memory_space<hbm>>, %arg6: memref<2x10112x128xf32, #tpu.memory_space<hbm>>, %arg7: memref<10112x128xf32, #tpu.memory_space<vmem_shared>>, %arg8: memref<40x128xi32, #tpu.memory_space<vmem>>, %arg9: memref<40x128xi32, #tpu.memory_space<vmem>>, %arg10: memref<128x128xf32, #tpu.memory_space<vmem>>, %arg11: memref<128x128xf32, #tpu.memory_space<vmem>>, %arg12: memref<!tpu.dma_semaphore, #tpu.memory_space<semaphore_mem>>, %arg13: memref<!tpu.dma_semaphore, #tpu.memory_space<semaphore_mem>>, %arg14: memref<!tpu.dma_semaphore, #tpu.memory_space<semaphore_mem>>, %arg15: memref<!tpu.dma_semaphore, #tpu.memory_space<semaphore_mem>>) attributes {dimension_semantics = [#tpu.dimension_semantics<core_parallel>, #tpu.dimension_semantics<subcore_parallel>], iteration_bounds = array<i64: 2, 16>, scalar_prefetch = 0 : i64, scratch_operands = 9 : i64, tpu.core_type = #tpu.core_type<sc_vector_subcore>, window_params = [{transform_indices = #map}, {transform_indices = #map1}, {transform_indices = #map1}, {transform_indices = #map}, {transform_indices = #map1}]} {
    %mul3A = arith.constant 16 : i32
    %mul3A_0 = arith.muli %arg0, %mul3A : i32
    %add3A = arith.addi %mul3A_0, %arg1 : i32
    "tpu.trace_start"() <{level = 10 : i32, message = "zinit"}> : () -> ()
    %mul3A_1 = arith.constant 632 : i32
    %mul3A_2 = arith.muli %arg1, %mul3A_1 : i32
    %dma_start3A = arith.constant 0 : i32
    %dma_start3A_3 = tpu.memref_slice %arg7[%mul3A_2, %dma_start3A] : memref<10112x128xf32, #tpu.memory_space<vmem_shared>> -> memref<632x128xf32, #tpu.memory_space<vmem_shared>>
    tpu.enqueue_dma source(%arg5 : memref<632x128xf32, #tpu.memory_space<hbm>>) target(%dma_start3A_3 : memref<632x128xf32, #tpu.memory_space<vmem_shared>>) target_semaphore(%arg14 : memref<!tpu.dma_semaphore, #tpu.memory_space<semaphore_mem>>)
    %dma_start3A_4 = arith.constant 0 : i32
    %dma_start3A_5 = arith.constant 0 : i32
    %dma_start3A_6 = tpu.memref_slice %arg3[%add3A, %dma_start3A_4, %dma_start3A_5] : memref<32x80x128xi32, #tpu.memory_space<hbm>> -> memref<1x80x128xi32, #tpu.memory_space<hbm>>
    %dma_start3A_7 = tpu.memref_squeeze %dma_start3A_6 : memref<1x80x128xi32, #tpu.memory_space<hbm>> -> memref<80x128xi32, #tpu.memory_space<hbm>>
    %dma_start3A_8 = arith.constant 0 : i32
    %dma_start3A_9 = arith.constant 0 : i32
    %dma_start3A_10 = tpu.memref_slice %dma_start3A_7[%dma_start3A_8, %dma_start3A_9] : memref<80x128xi32, #tpu.memory_space<hbm>> -> memref<40x128xi32, #tpu.memory_space<hbm>>
    %dma_start3A_11 = arith.constant 0 : i32
    %dma_start3A_12 = arith.constant 0 : i32
    %dma_start3A_13 = tpu.memref_slice %arg3[%add3A, %dma_start3A_11, %dma_start3A_12] : memref<32x80x128xi32, #tpu.memory_space<hbm>> -> memref<1x80x128xi32, #tpu.memory_space<hbm>>
    %dma_start3A_14 = tpu.memref_squeeze %dma_start3A_13 : memref<1x80x128xi32, #tpu.memory_space<hbm>> -> memref<80x128xi32, #tpu.memory_space<hbm>>
    %dma_start3A_15 = arith.constant 0 : i32
    %dma_start3A_16 = arith.constant 0 : i32
    %dma_start3A_17 = tpu.memref_slice %dma_start3A_14[%dma_start3A_15, %dma_start3A_16] : memref<80x128xi32, #tpu.memory_space<hbm>> -> memref<40x128xi32, #tpu.memory_space<hbm>>
    tpu.enqueue_dma source(%dma_start3A_17 : memref<40x128xi32, #tpu.memory_space<hbm>>) target(%arg8 : memref<40x128xi32, #tpu.memory_space<vmem>>) target_semaphore(%arg15 : memref<!tpu.dma_semaphore, #tpu.memory_space<semaphore_mem>>)
    %dma_start3A_18 = arith.constant 0 : i32
    %dma_start3A_19 = arith.constant 0 : i32
    %dma_start3A_20 = tpu.memref_slice %arg4[%add3A, %dma_start3A_18, %dma_start3A_19] : memref<32x80x128xi32, #tpu.memory_space<hbm>> -> memref<1x80x128xi32, #tpu.memory_space<hbm>>
    %dma_start3A_21 = tpu.memref_squeeze %dma_start3A_20 : memref<1x80x128xi32, #tpu.memory_space<hbm>> -> memref<80x128xi32, #tpu.memory_space<hbm>>
    %dma_start3A_22 = arith.constant 0 : i32
    %dma_start3A_23 = arith.constant 0 : i32
    %dma_start3A_24 = tpu.memref_slice %dma_start3A_21[%dma_start3A_22, %dma_start3A_23] : memref<80x128xi32, #tpu.memory_space<hbm>> -> memref<40x128xi32, #tpu.memory_space<hbm>>
    %dma_start3A_25 = arith.constant 0 : i32
    %dma_start3A_26 = arith.constant 0 : i32
    %dma_start3A_27 = tpu.memref_slice %arg4[%add3A, %dma_start3A_25, %dma_start3A_26] : memref<32x80x128xi32, #tpu.memory_space<hbm>> -> memref<1x80x128xi32, #tpu.memory_space<hbm>>
    %dma_start3A_28 = tpu.memref_squeeze %dma_start3A_27 : memref<1x80x128xi32, #tpu.memory_space<hbm>> -> memref<80x128xi32, #tpu.memory_space<hbm>>
    %dma_start3A_29 = arith.constant 0 : i32
    %dma_start3A_30 = arith.constant 0 : i32
    %dma_start3A_31 = tpu.memref_slice %dma_start3A_28[%dma_start3A_29, %dma_start3A_30] : memref<80x128xi32, #tpu.memory_space<hbm>> -> memref<40x128xi32, #tpu.memory_space<hbm>>
    tpu.enqueue_dma source(%dma_start3A_31 : memref<40x128xi32, #tpu.memory_space<hbm>>) target(%arg9 : memref<40x128xi32, #tpu.memory_space<vmem>>) target_semaphore(%arg15 : memref<!tpu.dma_semaphore, #tpu.memory_space<semaphore_mem>>)
    %dma_wait3A = arith.constant 0 : i32
    %dma_wait3A_32 = arith.constant 0 : i32
    %dma_wait3A_33 = tpu.memref_slice %arg4[%add3A, %dma_wait3A, %dma_wait3A_32] : memref<32x80x128xi32, #tpu.memory_space<hbm>> -> memref<1x80x128xi32, #tpu.memory_space<hbm>>
    %dma_wait3A_34 = tpu.memref_squeeze %dma_wait3A_33 : memref<1x80x128xi32, #tpu.memory_space<hbm>> -> memref<80x128xi32, #tpu.memory_space<hbm>>
    %dma_wait3A_35 = arith.constant 0 : i32
    %dma_wait3A_36 = arith.constant 0 : i32
    %dma_wait3A_37 = tpu.memref_slice %dma_wait3A_34[%dma_wait3A_35, %dma_wait3A_36] : memref<80x128xi32, #tpu.memory_space<hbm>> -> memref<40x128xi32, #tpu.memory_space<hbm>>
    %dma_wait3A_38 = arith.constant 0 : i32
    %dma_wait3A_39 = arith.constant 0 : i32
    %dma_wait3A_40 = tpu.memref_slice %arg4[%add3A, %dma_wait3A_38, %dma_wait3A_39] : memref<32x80x128xi32, #tpu.memory_space<hbm>> -> memref<1x80x128xi32, #tpu.memory_space<hbm>>
    %dma_wait3A_41 = tpu.memref_squeeze %dma_wait3A_40 : memref<1x80x128xi32, #tpu.memory_space<hbm>> -> memref<80x128xi32, #tpu.memory_space<hbm>>
    %dma_wait3A_42 = arith.constant 0 : i32
    %dma_wait3A_43 = arith.constant 0 : i32
    %dma_wait3A_44 = tpu.memref_slice %dma_wait3A_41[%dma_wait3A_42, %dma_wait3A_43] : memref<80x128xi32, #tpu.memory_space<hbm>> -> memref<40x128xi32, #tpu.memory_space<hbm>>
    tpu.wait_dma2 semaphore(%arg15 : memref<!tpu.dma_semaphore, #tpu.memory_space<semaphore_mem>>) src(%dma_wait3A_44 : memref<40x128xi32, #tpu.memory_space<hbm>>) dst(%arg9 : memref<40x128xi32, #tpu.memory_space<vmem>>)
    %dma_wait3A_45 = arith.constant 0 : i32
    %dma_wait3A_46 = arith.constant 0 : i32
    %dma_wait3A_47 = tpu.memref_slice %arg3[%add3A, %dma_wait3A_45, %dma_wait3A_46] : memref<32x80x128xi32, #tpu.memory_space<hbm>> -> memref<1x80x128xi32, #tpu.memory_space<hbm>>
    %dma_wait3A_48 = tpu.memref_squeeze %dma_wait3A_47 : memref<1x80x128xi32, #tpu.memory_space<hbm>> -> memref<80x128xi32, #tpu.memory_space<hbm>>
    %dma_wait3A_49 = arith.constant 0 : i32
    %dma_wait3A_50 = arith.constant 0 : i32
    %dma_wait3A_51 = tpu.memref_slice %dma_wait3A_48[%dma_wait3A_49, %dma_wait3A_50] : memref<80x128xi32, #tpu.memory_space<hbm>> -> memref<40x128xi32, #tpu.memory_space<hbm>>
    %dma_wait3A_52 = arith.constant 0 : i32
    %dma_wait3A_53 = arith.constant 0 : i32
    %dma_wait3A_54 = tpu.memref_slice %arg3[%add3A, %dma_wait3A_52, %dma_wait3A_53] : memref<32x80x128xi32, #tpu.memory_space<hbm>> -> memref<1x80x128xi32, #tpu.memory_space<hbm>>
    %dma_wait3A_55 = tpu.memref_squeeze %dma_wait3A_54 : memref<1x80x128xi32, #tpu.memory_space<hbm>> -> memref<80x128xi32, #tpu.memory_space<hbm>>
    %dma_wait3A_56 = arith.constant 0 : i32
    %dma_wait3A_57 = arith.constant 0 : i32
    %dma_wait3A_58 = tpu.memref_slice %dma_wait3A_55[%dma_wait3A_56, %dma_wait3A_57] : memref<80x128xi32, #tpu.memory_space<hbm>> -> memref<40x128xi32, #tpu.memory_space<hbm>>
    tpu.wait_dma2 semaphore(%arg15 : memref<!tpu.dma_semaphore, #tpu.memory_space<semaphore_mem>>) src(%dma_wait3A_58 : memref<40x128xi32, #tpu.memory_space<hbm>>) dst(%arg8 : memref<40x128xi32, #tpu.memory_space<vmem>>)
    %dma_start3A_59 = arith.constant 0 : i32
    %dma_start3A_60 = arith.constant 0 : i32
    %dma_start3A_61 = tpu.memref_slice %arg8[%dma_start3A_59, %dma_start3A_60] : memref<40x128xi32, #tpu.memory_space<vmem>> -> memref<1x128xi32, #tpu.memory_space<vmem>>
    %dma_start3A_62 = tpu.memref_squeeze %dma_start3A_61 : memref<1x128xi32, #tpu.memory_space<vmem>> -> memref<128xi32, #tpu.memory_space<vmem>>
    %dma_start3A_63 = arith.constant 0 : i32
    %dma_start3A_64 = arith.constant 0 : i32
    %dma_start3A_65 = tpu.memref_slice %arg2[%dma_start3A_63, %dma_start3A_64] : memref<10000x128xf32, #tpu.memory_space<hbm>> -> memref<10000x128xf32, #tpu.memory_space<hbm>>
    tpu.enqueue_indirect_dma source(%dma_start3A_65 : memref<10000x128xf32, #tpu.memory_space<hbm>>) target(%arg10 : memref<128x128xf32, #tpu.memory_space<vmem>>) offsets(%dma_start3A_62 : memref<128xi32, #tpu.memory_space<vmem>>) semaphore(%arg12 : memref<!tpu.dma_semaphore, #tpu.memory_space<semaphore_mem>>)
    %dma_start3A_66 = arith.constant 1 : i32
    %dma_start3A_67 = arith.constant 0 : i32
    %dma_start3A_68 = tpu.memref_slice %arg8[%dma_start3A_66, %dma_start3A_67] : memref<40x128xi32, #tpu.memory_space<vmem>> -> memref<1x128xi32, #tpu.memory_space<vmem>>
    %dma_start3A_69 = tpu.memref_squeeze %dma_start3A_68 : memref<1x128xi32, #tpu.memory_space<vmem>> -> memref<128xi32, #tpu.memory_space<vmem>>
    %dma_start3A_70 = arith.constant 0 : i32
    %dma_start3A_71 = arith.constant 0 : i32
    %dma_start3A_72 = tpu.memref_slice %arg2[%dma_start3A_70, %dma_start3A_71] : memref<10000x128xf32, #tpu.memory_space<hbm>> -> memref<10000x128xf32, #tpu.memory_space<hbm>>
    tpu.enqueue_indirect_dma source(%dma_start3A_72 : memref<10000x128xf32, #tpu.memory_space<hbm>>) target(%arg11 : memref<128x128xf32, #tpu.memory_space<vmem>>) offsets(%dma_start3A_69 : memref<128xi32, #tpu.memory_space<vmem>>) semaphore(%arg13 : memref<!tpu.dma_semaphore, #tpu.memory_space<semaphore_mem>>)
    %dma_wait3A_73 = arith.constant 0 : i32
    %dma_wait3A_74 = tpu.memref_slice %arg7[%mul3A_2, %dma_wait3A_73] : memref<10112x128xf32, #tpu.memory_space<vmem_shared>> -> memref<632x128xf32, #tpu.memory_space<vmem_shared>>
    tpu.wait_dma2 semaphore(%arg14 : memref<!tpu.dma_semaphore, #tpu.memory_space<semaphore_mem>>) src(%arg5 : memref<632x128xf32, #tpu.memory_space<hbm>>) dst(%dma_wait3A_74 : memref<632x128xf32, #tpu.memory_space<vmem_shared>>)
    %barrier3A = arith.constant 0 : index
    tpu.barrier barrier_id(%barrier3A)
    "tpu.trace_stop"() : () -> ()
    "tpu.trace_start"() <{level = 10 : i32, message = "gsloop"}> : () -> ()
    %scan3A = arith.constant 0 : i32
    %scan3A_75 = arith.constant 20 : i32
    %scan3A_76 = arith.addi %scan3A, %scan3A_75 : i32
    %scan3A_77 = arith.constant 1 : i32
    scf.for %scan3A_101 = %scan3A to %scan3A_76 step %scan3A_77  : i32 {
      %mul3A_102 = arith.constant 1 : i32
      %mul3A_103 = arith.muli %scan3A_101, %mul3A_102 : i32
      %add3A_104 = arith.constant 0 : i32
      %add3A_105 = arith.addi %add3A_104, %mul3A_103 : i32
      %mul3A_106 = arith.constant 2 : i32
      %mul3A_107 = arith.muli %add3A_105, %mul3A_106 : i32
      %add3A_108 = arith.constant 0 : i32
      %add3A_109 = arith.addi %mul3A_107, %add3A_108 : i32
      %dma_wait3A_110 = arith.constant 0 : i32
      %dma_wait3A_111 = tpu.memref_slice %arg8[%add3A_109, %dma_wait3A_110] : memref<40x128xi32, #tpu.memory_space<vmem>> -> memref<1x128xi32, #tpu.memory_space<vmem>>
      %dma_wait3A_112 = tpu.memref_squeeze %dma_wait3A_111 : memref<1x128xi32, #tpu.memory_space<vmem>> -> memref<128xi32, #tpu.memory_space<vmem>>
      %dma_wait3A_113 = arith.constant 0 : i32
      %dma_wait3A_114 = arith.constant 0 : i32
      %dma_wait3A_115 = tpu.memref_slice %arg2[%dma_wait3A_113, %dma_wait3A_114] : memref<10000x128xf32, #tpu.memory_space<hbm>> -> memref<10000x128xf32, #tpu.memory_space<hbm>>
      tpu.wait_indirect_dma semaphore(%arg12 : memref<!tpu.dma_semaphore, #tpu.memory_space<semaphore_mem>>) src(%dma_wait3A_115 : memref<10000x128xf32, #tpu.memory_space<hbm>>) dst(%arg10 : memref<128x128xf32, #tpu.memory_space<vmem>>)
      "tpu.region"() ({
        %run_scoped3A = tpu.sem_alloc : memref<!tpu.dma_semaphore, #tpu.memory_space<semaphore_mem>>
        %dma_start3A_137 = arith.constant 0 : i32
        %dma_start3A_138 = tpu.memref_slice %arg9[%add3A_109, %dma_start3A_137] : memref<40x128xi32, #tpu.memory_space<vmem>> -> memref<1x128xi32, #tpu.memory_space<vmem>>
        %dma_start3A_139 = tpu.memref_squeeze %dma_start3A_138 : memref<1x128xi32, #tpu.memory_space<vmem>> -> memref<128xi32, #tpu.memory_space<vmem>>
        %dma_start3A_140 = arith.constant 0 : i32
        %dma_start3A_141 = arith.constant 0 : i32
        %dma_start3A_142 = tpu.memref_slice %arg7[%dma_start3A_140, %dma_start3A_141] : memref<10112x128xf32, #tpu.memory_space<vmem_shared>> -> memref<10112x128xf32, #tpu.memory_space<vmem_shared>>
        tpu.enqueue_indirect_dma source(%arg10 : memref<128x128xf32, #tpu.memory_space<vmem>>) target(%dma_start3A_142 : memref<10112x128xf32, #tpu.memory_space<vmem_shared>>) offsets(%dma_start3A_139 : memref<128xi32, #tpu.memory_space<vmem>>) semaphore(%run_scoped3A : memref<!tpu.dma_semaphore, #tpu.memory_space<semaphore_mem>>) {add = true}
        %dma_wait3A_143 = arith.constant 0 : i32
        %dma_wait3A_144 = tpu.memref_slice %arg9[%add3A_109, %dma_wait3A_143] : memref<40x128xi32, #tpu.memory_space<vmem>> -> memref<1x128xi32, #tpu.memory_space<vmem>>
        %dma_wait3A_145 = tpu.memref_squeeze %dma_wait3A_144 : memref<1x128xi32, #tpu.memory_space<vmem>> -> memref<128xi32, #tpu.memory_space<vmem>>
        %dma_wait3A_146 = arith.constant 0 : i32
        %dma_wait3A_147 = arith.constant 0 : i32
        %dma_wait3A_148 = tpu.memref_slice %arg7[%dma_wait3A_146, %dma_wait3A_147] : memref<10112x128xf32, #tpu.memory_space<vmem_shared>> -> memref<10112x128xf32, #tpu.memory_space<vmem_shared>>
        tpu.wait_indirect_dma semaphore(%run_scoped3A : memref<!tpu.dma_semaphore, #tpu.memory_space<semaphore_mem>>) src(%arg10 : memref<128x128xf32, #tpu.memory_space<vmem>>) dst(%dma_wait3A_148 : memref<10112x128xf32, #tpu.memory_space<vmem_shared>>)
        tpu.yield
      }) : () -> ()
      %add3A_116 = arith.constant 2 : i32
      %add3A_117 = arith.addi %add3A_109, %add3A_116 : i32
      %lt3A = arith.constant 40 : i32
      %lt3A_118 = arith.cmpi slt, %add3A_117, %lt3A : i32
      %convert_element_type3A = arith.extui %lt3A_118 : i1 to i32
      %cond3A = arith.constant 0 : i32
      %cond3A_119 = arith.cmpi ne, %convert_element_type3A, %cond3A : i32
      scf.if %cond3A_119 {
        %add3A_137 = arith.constant 2 : i32
        %add3A_138 = arith.addi %add3A_109, %add3A_137 : i32
        %dma_start3A_139 = arith.constant 0 : i32
        %dma_start3A_140 = tpu.memref_slice %arg8[%add3A_138, %dma_start3A_139] : memref<40x128xi32, #tpu.memory_space<vmem>> -> memref<1x128xi32, #tpu.memory_space<vmem>>
        %dma_start3A_141 = tpu.memref_squeeze %dma_start3A_140 : memref<1x128xi32, #tpu.memory_space<vmem>> -> memref<128xi32, #tpu.memory_space<vmem>>
        %dma_start3A_142 = arith.constant 0 : i32
        %dma_start3A_143 = arith.constant 0 : i32
        %dma_start3A_144 = tpu.memref_slice %arg2[%dma_start3A_142, %dma_start3A_143] : memref<10000x128xf32, #tpu.memory_space<hbm>> -> memref<10000x128xf32, #tpu.memory_space<hbm>>
        tpu.enqueue_indirect_dma source(%dma_start3A_144 : memref<10000x128xf32, #tpu.memory_space<hbm>>) target(%arg10 : memref<128x128xf32, #tpu.memory_space<vmem>>) offsets(%dma_start3A_141 : memref<128xi32, #tpu.memory_space<vmem>>) semaphore(%arg12 : memref<!tpu.dma_semaphore, #tpu.memory_space<semaphore_mem>>)
      } else {
      }
      %mul3A_120 = arith.constant 2 : i32
      %mul3A_121 = arith.muli %add3A_105, %mul3A_120 : i32
      %add3A_122 = arith.constant 1 : i32
      %add3A_123 = arith.addi %mul3A_121, %add3A_122 : i32
      %dma_wait3A_124 = arith.constant 0 : i32
      %dma_wait3A_125 = tpu.memref_slice %arg8[%add3A_123, %dma_wait3A_124] : memref<40x128xi32, #tpu.memory_space<vmem>> -> memref<1x128xi32, #tpu.memory_space<vmem>>
      %dma_wait3A_126 = tpu.memref_squeeze %dma_wait3A_125 : memref<1x128xi32, #tpu.memory_space<vmem>> -> memref<128xi32, #tpu.memory_space<vmem>>
      %dma_wait3A_127 = arith.constant 0 : i32
      %dma_wait3A_128 = arith.constant 0 : i32
      %dma_wait3A_129 = tpu.memref_slice %arg2[%dma_wait3A_127, %dma_wait3A_128] : memref<10000x128xf32, #tpu.memory_space<hbm>> -> memref<10000x128xf32, #tpu.memory_space<hbm>>
      tpu.wait_indirect_dma semaphore(%arg13 : memref<!tpu.dma_semaphore, #tpu.memory_space<semaphore_mem>>) src(%dma_wait3A_129 : memref<10000x128xf32, #tpu.memory_space<hbm>>) dst(%arg11 : memref<128x128xf32, #tpu.memory_space<vmem>>)
      "tpu.region"() ({
        %run_scoped3A = tpu.sem_alloc : memref<!tpu.dma_semaphore, #tpu.memory_space<semaphore_mem>>
        %dma_start3A_137 = arith.constant 0 : i32
        %dma_start3A_138 = tpu.memref_slice %arg9[%add3A_123, %dma_start3A_137] : memref<40x128xi32, #tpu.memory_space<vmem>> -> memref<1x128xi32, #tpu.memory_space<vmem>>
        %dma_start3A_139 = tpu.memref_squeeze %dma_start3A_138 : memref<1x128xi32, #tpu.memory_space<vmem>> -> memref<128xi32, #tpu.memory_space<vmem>>
        %dma_start3A_140 = arith.constant 0 : i32
        %dma_start3A_141 = arith.constant 0 : i32
        %dma_start3A_142 = tpu.memref_slice %arg7[%dma_start3A_140, %dma_start3A_141] : memref<10112x128xf32, #tpu.memory_space<vmem_shared>> -> memref<10112x128xf32, #tpu.memory_space<vmem_shared>>
        tpu.enqueue_indirect_dma source(%arg11 : memref<128x128xf32, #tpu.memory_space<vmem>>) target(%dma_start3A_142 : memref<10112x128xf32, #tpu.memory_space<vmem_shared>>) offsets(%dma_start3A_139 : memref<128xi32, #tpu.memory_space<vmem>>) semaphore(%run_scoped3A : memref<!tpu.dma_semaphore, #tpu.memory_space<semaphore_mem>>) {add = true}
        %dma_wait3A_143 = arith.constant 0 : i32
        %dma_wait3A_144 = tpu.memref_slice %arg9[%add3A_123, %dma_wait3A_143] : memref<40x128xi32, #tpu.memory_space<vmem>> -> memref<1x128xi32, #tpu.memory_space<vmem>>
        %dma_wait3A_145 = tpu.memref_squeeze %dma_wait3A_144 : memref<1x128xi32, #tpu.memory_space<vmem>> -> memref<128xi32, #tpu.memory_space<vmem>>
        %dma_wait3A_146 = arith.constant 0 : i32
        %dma_wait3A_147 = arith.constant 0 : i32
        %dma_wait3A_148 = tpu.memref_slice %arg7[%dma_wait3A_146, %dma_wait3A_147] : memref<10112x128xf32, #tpu.memory_space<vmem_shared>> -> memref<10112x128xf32, #tpu.memory_space<vmem_shared>>
        tpu.wait_indirect_dma semaphore(%run_scoped3A : memref<!tpu.dma_semaphore, #tpu.memory_space<semaphore_mem>>) src(%arg11 : memref<128x128xf32, #tpu.memory_space<vmem>>) dst(%dma_wait3A_148 : memref<10112x128xf32, #tpu.memory_space<vmem_shared>>)
        tpu.yield
      }) : () -> ()
      %add3A_130 = arith.constant 2 : i32
      %add3A_131 = arith.addi %add3A_123, %add3A_130 : i32
      %lt3A_132 = arith.constant 40 : i32
      %lt3A_133 = arith.cmpi slt, %add3A_131, %lt3A_132 : i32
      %convert_element_type3A_134 = arith.extui %lt3A_133 : i1 to i32
      %cond3A_135 = arith.constant 0 : i32
      %cond3A_136 = arith.cmpi ne, %convert_element_type3A_134, %cond3A_135 : i32
      scf.if %cond3A_136 {
        %add3A_137 = arith.constant 2 : i32
        %add3A_138 = arith.addi %add3A_123, %add3A_137 : i32
        %dma_start3A_139 = arith.constant 0 : i32
        %dma_start3A_140 = tpu.memref_slice %arg8[%add3A_138, %dma_start3A_139] : memref<40x128xi32, #tpu.memory_space<vmem>> -> memref<1x128xi32, #tpu.memory_space<vmem>>
        %dma_start3A_141 = tpu.memref_squeeze %dma_start3A_140 : memref<1x128xi32, #tpu.memory_space<vmem>> -> memref<128xi32, #tpu.memory_space<vmem>>
        %dma_start3A_142 = arith.constant 0 : i32
        %dma_start3A_143 = arith.constant 0 : i32
        %dma_start3A_144 = tpu.memref_slice %arg2[%dma_start3A_142, %dma_start3A_143] : memref<10000x128xf32, #tpu.memory_space<hbm>> -> memref<10000x128xf32, #tpu.memory_space<hbm>>
        tpu.enqueue_indirect_dma source(%dma_start3A_144 : memref<10000x128xf32, #tpu.memory_space<hbm>>) target(%arg11 : memref<128x128xf32, #tpu.memory_space<vmem>>) offsets(%dma_start3A_141 : memref<128xi32, #tpu.memory_space<vmem>>) semaphore(%arg13 : memref<!tpu.dma_semaphore, #tpu.memory_space<semaphore_mem>>)
      } else {
      }
    }
    %scan3A_78 = arith.constant 20 : i32
    "tpu.trace_stop"() : () -> ()
    "tpu.trace_start"() <{level = 10 : i32, message = "idx"}> : () -> ()
    "tpu.region"() ({
      %run_scoped3A = tpu.sem_alloc : memref<!tpu.dma_semaphore, #tpu.memory_space<semaphore_mem>>
      %dma_start3A_101 = arith.constant 0 : i32
      %dma_start3A_102 = arith.constant 0 : i32
      %dma_start3A_103 = tpu.memref_slice %arg3[%add3A, %dma_start3A_101, %dma_start3A_102] : memref<32x80x128xi32, #tpu.memory_space<hbm>> -> memref<1x80x128xi32, #tpu.memory_space<hbm>>
      %dma_start3A_104 = tpu.memref_squeeze %dma_start3A_103 : memref<1x80x128xi32, #tpu.memory_space<hbm>> -> memref<80x128xi32, #tpu.memory_space<hbm>>
      %dma_start3A_105 = arith.constant 40 : i32
      %dma_start3A_106 = arith.constant 0 : i32
      %dma_start3A_107 = tpu.memref_slice %dma_start3A_104[%dma_start3A_105, %dma_start3A_106] : memref<80x128xi32, #tpu.memory_space<hbm>> -> memref<40x128xi32, #tpu.memory_space<hbm>>
      %dma_start3A_108 = arith.constant 0 : i32
      %dma_start3A_109 = arith.constant 0 : i32
      %dma_start3A_110 = tpu.memref_slice %arg3[%add3A, %dma_start3A_108, %dma_start3A_109] : memref<32x80x128xi32, #tpu.memory_space<hbm>> -> memref<1x80x128xi32, #tpu.memory_space<hbm>>
      %dma_start3A_111 = tpu.memref_squeeze %dma_start3A_110 : memref<1x80x128xi32, #tpu.memory_space<hbm>> -> memref<80x128xi32, #tpu.memory_space<hbm>>
      %dma_start3A_112 = arith.constant 40 : i32
      %dma_start3A_113 = arith.constant 0 : i32
      %dma_start3A_114 = tpu.memref_slice %dma_start3A_111[%dma_start3A_112, %dma_start3A_113] : memref<80x128xi32, #tpu.memory_space<hbm>> -> memref<40x128xi32, #tpu.memory_space<hbm>>
      tpu.enqueue_dma source(%dma_start3A_114 : memref<40x128xi32, #tpu.memory_space<hbm>>) target(%arg8 : memref<40x128xi32, #tpu.memory_space<vmem>>) target_semaphore(%run_scoped3A : memref<!tpu.dma_semaphore, #tpu.memory_space<semaphore_mem>>)
      %dma_wait3A_115 = arith.constant 0 : i32
      %dma_wait3A_116 = arith.constant 0 : i32
      %dma_wait3A_117 = tpu.memref_slice %arg3[%add3A, %dma_wait3A_115, %dma_wait3A_116] : memref<32x80x128xi32, #tpu.memory_space<hbm>> -> memref<1x80x128xi32, #tpu.memory_space<hbm>>
      %dma_wait3A_118 = tpu.memref_squeeze %dma_wait3A_117 : memref<1x80x128xi32, #tpu.memory_space<hbm>> -> memref<80x128xi32, #tpu.memory_space<hbm>>
      %dma_wait3A_119 = arith.constant 40 : i32
      %dma_wait3A_120 = arith.constant 0 : i32
      %dma_wait3A_121 = tpu.memref_slice %dma_wait3A_118[%dma_wait3A_119, %dma_wait3A_120] : memref<80x128xi32, #tpu.memory_space<hbm>> -> memref<40x128xi32, #tpu.memory_space<hbm>>
      %dma_wait3A_122 = arith.constant 0 : i32
      %dma_wait3A_123 = arith.constant 0 : i32
      %dma_wait3A_124 = tpu.memref_slice %arg3[%add3A, %dma_wait3A_122, %dma_wait3A_123] : memref<32x80x128xi32, #tpu.memory_space<hbm>> -> memref<1x80x128xi32, #tpu.memory_space<hbm>>
      %dma_wait3A_125 = tpu.memref_squeeze %dma_wait3A_124 : memref<1x80x128xi32, #tpu.memory_space<hbm>> -> memref<80x128xi32, #tpu.memory_space<hbm>>
      %dma_wait3A_126 = arith.constant 40 : i32
      %dma_wait3A_127 = arith.constant 0 : i32
      %dma_wait3A_128 = tpu.memref_slice %dma_wait3A_125[%dma_wait3A_126, %dma_wait3A_127] : memref<80x128xi32, #tpu.memory_space<hbm>> -> memref<40x128xi32, #tpu.memory_space<hbm>>
      tpu.wait_dma2 semaphore(%run_scoped3A : memref<!tpu.dma_semaphore, #tpu.memory_space<semaphore_mem>>) src(%dma_wait3A_128 : memref<40x128xi32, #tpu.memory_space<hbm>>) dst(%arg8 : memref<40x128xi32, #tpu.memory_space<vmem>>)
      tpu.yield
    }) : () -> ()
    "tpu.region"() ({
      %run_scoped3A = tpu.sem_alloc : memref<!tpu.dma_semaphore, #tpu.memory_space<semaphore_mem>>
      %dma_start3A_101 = arith.constant 0 : i32
      %dma_start3A_102 = arith.constant 0 : i32
      %dma_start3A_103 = tpu.memref_slice %arg4[%add3A, %dma_start3A_101, %dma_start3A_102] : memref<32x80x128xi32, #tpu.memory_space<hbm>> -> memref<1x80x128xi32, #tpu.memory_space<hbm>>
      %dma_start3A_104 = tpu.memref_squeeze %dma_start3A_103 : memref<1x80x128xi32, #tpu.memory_space<hbm>> -> memref<80x128xi32, #tpu.memory_space<hbm>>
      %dma_start3A_105 = arith.constant 40 : i32
      %dma_start3A_106 = arith.constant 0 : i32
      %dma_start3A_107 = tpu.memref_slice %dma_start3A_104[%dma_start3A_105, %dma_start3A_106] : memref<80x128xi32, #tpu.memory_space<hbm>> -> memref<40x128xi32, #tpu.memory_space<hbm>>
      %dma_start3A_108 = arith.constant 0 : i32
      %dma_start3A_109 = arith.constant 0 : i32
      %dma_start3A_110 = tpu.memref_slice %arg4[%add3A, %dma_start3A_108, %dma_start3A_109] : memref<32x80x128xi32, #tpu.memory_space<hbm>> -> memref<1x80x128xi32, #tpu.memory_space<hbm>>
      %dma_start3A_111 = tpu.memref_squeeze %dma_start3A_110 : memref<1x80x128xi32, #tpu.memory_space<hbm>> -> memref<80x128xi32, #tpu.memory_space<hbm>>
      %dma_start3A_112 = arith.constant 40 : i32
      %dma_start3A_113 = arith.constant 0 : i32
      %dma_start3A_114 = tpu.memref_slice %dma_start3A_111[%dma_start3A_112, %dma_start3A_113] : memref<80x128xi32, #tpu.memory_space<hbm>> -> memref<40x128xi32, #tpu.memory_space<hbm>>
      tpu.enqueue_dma source(%dma_start3A_114 : memref<40x128xi32, #tpu.memory_space<hbm>>) target(%arg9 : memref<40x128xi32, #tpu.memory_space<vmem>>) target_semaphore(%run_scoped3A : memref<!tpu.dma_semaphore, #tpu.memory_space<semaphore_mem>>)
      %dma_wait3A_115 = arith.constant 0 : i32
      %dma_wait3A_116 = arith.constant 0 : i32
      %dma_wait3A_117 = tpu.memref_slice %arg4[%add3A, %dma_wait3A_115, %dma_wait3A_116] : memref<32x80x128xi32, #tpu.memory_space<hbm>> -> memref<1x80x128xi32, #tpu.memory_space<hbm>>
      %dma_wait3A_118 = tpu.memref_squeeze %dma_wait3A_117 : memref<1x80x128xi32, #tpu.memory_space<hbm>> -> memref<80x128xi32, #tpu.memory_space<hbm>>
      %dma_wait3A_119 = arith.constant 40 : i32
      %dma_wait3A_120 = arith.constant 0 : i32
      %dma_wait3A_121 = tpu.memref_slice %dma_wait3A_118[%dma_wait3A_119, %dma_wait3A_120] : memref<80x128xi32, #tpu.memory_space<hbm>> -> memref<40x128xi32, #tpu.memory_space<hbm>>
      %dma_wait3A_122 = arith.constant 0 : i32
      %dma_wait3A_123 = arith.constant 0 : i32
      %dma_wait3A_124 = tpu.memref_slice %arg4[%add3A, %dma_wait3A_122, %dma_wait3A_123] : memref<32x80x128xi32, #tpu.memory_space<hbm>> -> memref<1x80x128xi32, #tpu.memory_space<hbm>>
      %dma_wait3A_125 = tpu.memref_squeeze %dma_wait3A_124 : memref<1x80x128xi32, #tpu.memory_space<hbm>> -> memref<80x128xi32, #tpu.memory_space<hbm>>
      %dma_wait3A_126 = arith.constant 40 : i32
      %dma_wait3A_127 = arith.constant 0 : i32
      %dma_wait3A_128 = tpu.memref_slice %dma_wait3A_125[%dma_wait3A_126, %dma_wait3A_127] : memref<80x128xi32, #tpu.memory_space<hbm>> -> memref<40x128xi32, #tpu.memory_space<hbm>>
      tpu.wait_dma2 semaphore(%run_scoped3A : memref<!tpu.dma_semaphore, #tpu.memory_space<semaphore_mem>>) src(%dma_wait3A_128 : memref<40x128xi32, #tpu.memory_space<hbm>>) dst(%arg9 : memref<40x128xi32, #tpu.memory_space<vmem>>)
      tpu.yield
    }) : () -> ()
    %dma_start3A_79 = arith.constant 0 : i32
    "tpu.trace_stop"() : () -> ()
    "tpu.trace_start"() <{level = 10 : i32, message = "gsloop"}> : () -> ()
    %dma_start3A_80 = arith.constant 0 : i32
    %dma_start3A_81 = tpu.memref_slice %arg8[%dma_start3A_79, %dma_start3A_80] : memref<40x128xi32, #tpu.memory_space<vmem>> -> memref<1x128xi32, #tpu.memory_space<vmem>>
    %dma_start3A_82 = tpu.memref_squeeze %dma_start3A_81 : memref<1x128xi32, #tpu.memory_space<vmem>> -> memref<128xi32, #tpu.memory_space<vmem>>
    %dma_start3A_83 = arith.constant 0 : i32
    %dma_start3A_84 = arith.constant 0 : i32
    %dma_start3A_85 = tpu.memref_slice %arg2[%dma_start3A_83, %dma_start3A_84] : memref<10000x128xf32, #tpu.memory_space<hbm>> -> memref<10000x128xf32, #tpu.memory_space<hbm>>
    tpu.enqueue_indirect_dma source(%dma_start3A_85 : memref<10000x128xf32, #tpu.memory_space<hbm>>) target(%arg10 : memref<128x128xf32, #tpu.memory_space<vmem>>) offsets(%dma_start3A_82 : memref<128xi32, #tpu.memory_space<vmem>>) semaphore(%arg12 : memref<!tpu.dma_semaphore, #tpu.memory_space<semaphore_mem>>)
    %dma_start3A_86 = arith.constant 1 : i32
    %dma_start3A_87 = arith.constant 0 : i32
    %dma_start3A_88 = tpu.memref_slice %arg8[%dma_start3A_86, %dma_start3A_87] : memref<40x128xi32, #tpu.memory_space<vmem>> -> memref<1x128xi32, #tpu.memory_space<vmem>>
    %dma_start3A_89 = tpu.memref_squeeze %dma_start3A_88 : memref<1x128xi32, #tpu.memory_space<vmem>> -> memref<128xi32, #tpu.memory_space<vmem>>
    %dma_start3A_90 = arith.constant 0 : i32
    %dma_start3A_91 = arith.constant 0 : i32
    %dma_start3A_92 = tpu.memref_slice %arg2[%dma_start3A_90, %dma_start3A_91] : memref<10000x128xf32, #tpu.memory_space<hbm>> -> memref<10000x128xf32, #tpu.memory_space<hbm>>
    tpu.enqueue_indirect_dma source(%dma_start3A_92 : memref<10000x128xf32, #tpu.memory_space<hbm>>) target(%arg11 : memref<128x128xf32, #tpu.memory_space<vmem>>) offsets(%dma_start3A_89 : memref<128xi32, #tpu.memory_space<vmem>>) semaphore(%arg13 : memref<!tpu.dma_semaphore, #tpu.memory_space<semaphore_mem>>)
    %scan3A_93 = arith.constant 0 : i32
    %scan3A_94 = arith.constant 20 : i32
    %scan3A_95 = arith.addi %scan3A_93, %scan3A_94 : i32
    %scan3A_96 = arith.constant 1 : i32
    scf.for %scan3A_101 = %scan3A_93 to %scan3A_95 step %scan3A_96  : i32 {
      %mul3A_102 = arith.constant 1 : i32
      %mul3A_103 = arith.muli %scan3A_101, %mul3A_102 : i32
      %add3A_104 = arith.constant 0 : i32
      %add3A_105 = arith.addi %add3A_104, %mul3A_103 : i32
      %mul3A_106 = arith.constant 2 : i32
      %mul3A_107 = arith.muli %add3A_105, %mul3A_106 : i32
      %add3A_108 = arith.constant 0 : i32
      %add3A_109 = arith.addi %mul3A_107, %add3A_108 : i32
      %dma_wait3A_110 = arith.constant 0 : i32
      %dma_wait3A_111 = tpu.memref_slice %arg8[%add3A_109, %dma_wait3A_110] : memref<40x128xi32, #tpu.memory_space<vmem>> -> memref<1x128xi32, #tpu.memory_space<vmem>>
      %dma_wait3A_112 = tpu.memref_squeeze %dma_wait3A_111 : memref<1x128xi32, #tpu.memory_space<vmem>> -> memref<128xi32, #tpu.memory_space<vmem>>
      %dma_wait3A_113 = arith.constant 0 : i32
      %dma_wait3A_114 = arith.constant 0 : i32
      %dma_wait3A_115 = tpu.memref_slice %arg2[%dma_wait3A_113, %dma_wait3A_114] : memref<10000x128xf32, #tpu.memory_space<hbm>> -> memref<10000x128xf32, #tpu.memory_space<hbm>>
      tpu.wait_indirect_dma semaphore(%arg12 : memref<!tpu.dma_semaphore, #tpu.memory_space<semaphore_mem>>) src(%dma_wait3A_115 : memref<10000x128xf32, #tpu.memory_space<hbm>>) dst(%arg10 : memref<128x128xf32, #tpu.memory_space<vmem>>)
      "tpu.region"() ({
        %run_scoped3A = tpu.sem_alloc : memref<!tpu.dma_semaphore, #tpu.memory_space<semaphore_mem>>
        %dma_start3A_137 = arith.constant 0 : i32
        %dma_start3A_138 = tpu.memref_slice %arg9[%add3A_109, %dma_start3A_137] : memref<40x128xi32, #tpu.memory_space<vmem>> -> memref<1x128xi32, #tpu.memory_space<vmem>>
        %dma_start3A_139 = tpu.memref_squeeze %dma_start3A_138 : memref<1x128xi32, #tpu.memory_space<vmem>> -> memref<128xi32, #tpu.memory_space<vmem>>
        %dma_start3A_140 = arith.constant 0 : i32
        %dma_start3A_141 = arith.constant 0 : i32
        %dma_start3A_142 = tpu.memref_slice %arg7[%dma_start3A_140, %dma_start3A_141] : memref<10112x128xf32, #tpu.memory_space<vmem_shared>> -> memref<10112x128xf32, #tpu.memory_space<vmem_shared>>
        tpu.enqueue_indirect_dma source(%arg10 : memref<128x128xf32, #tpu.memory_space<vmem>>) target(%dma_start3A_142 : memref<10112x128xf32, #tpu.memory_space<vmem_shared>>) offsets(%dma_start3A_139 : memref<128xi32, #tpu.memory_space<vmem>>) semaphore(%run_scoped3A : memref<!tpu.dma_semaphore, #tpu.memory_space<semaphore_mem>>) {add = true}
        %dma_wait3A_143 = arith.constant 0 : i32
        %dma_wait3A_144 = tpu.memref_slice %arg9[%add3A_109, %dma_wait3A_143] : memref<40x128xi32, #tpu.memory_space<vmem>> -> memref<1x128xi32, #tpu.memory_space<vmem>>
        %dma_wait3A_145 = tpu.memref_squeeze %dma_wait3A_144 : memref<1x128xi32, #tpu.memory_space<vmem>> -> memref<128xi32, #tpu.memory_space<vmem>>
        %dma_wait3A_146 = arith.constant 0 : i32
        %dma_wait3A_147 = arith.constant 0 : i32
        %dma_wait3A_148 = tpu.memref_slice %arg7[%dma_wait3A_146, %dma_wait3A_147] : memref<10112x128xf32, #tpu.memory_space<vmem_shared>> -> memref<10112x128xf32, #tpu.memory_space<vmem_shared>>
        tpu.wait_indirect_dma semaphore(%run_scoped3A : memref<!tpu.dma_semaphore, #tpu.memory_space<semaphore_mem>>) src(%arg10 : memref<128x128xf32, #tpu.memory_space<vmem>>) dst(%dma_wait3A_148 : memref<10112x128xf32, #tpu.memory_space<vmem_shared>>)
        tpu.yield
      }) : () -> ()
      %add3A_116 = arith.constant 2 : i32
      %add3A_117 = arith.addi %add3A_109, %add3A_116 : i32
      %lt3A = arith.constant 40 : i32
      %lt3A_118 = arith.cmpi slt, %add3A_117, %lt3A : i32
      %convert_element_type3A = arith.extui %lt3A_118 : i1 to i32
      %cond3A = arith.constant 0 : i32
      %cond3A_119 = arith.cmpi ne, %convert_element_type3A, %cond3A : i32
      scf.if %cond3A_119 {
        %add3A_137 = arith.constant 2 : i32
        %add3A_138 = arith.addi %add3A_109, %add3A_137 : i32
        %dma_start3A_139 = arith.constant 0 : i32
        %dma_start3A_140 = tpu.memref_slice %arg8[%add3A_138, %dma_start3A_139] : memref<40x128xi32, #tpu.memory_space<vmem>> -> memref<1x128xi32, #tpu.memory_space<vmem>>
        %dma_start3A_141 = tpu.memref_squeeze %dma_start3A_140 : memref<1x128xi32, #tpu.memory_space<vmem>> -> memref<128xi32, #tpu.memory_space<vmem>>
        %dma_start3A_142 = arith.constant 0 : i32
        %dma_start3A_143 = arith.constant 0 : i32
        %dma_start3A_144 = tpu.memref_slice %arg2[%dma_start3A_142, %dma_start3A_143] : memref<10000x128xf32, #tpu.memory_space<hbm>> -> memref<10000x128xf32, #tpu.memory_space<hbm>>
        tpu.enqueue_indirect_dma source(%dma_start3A_144 : memref<10000x128xf32, #tpu.memory_space<hbm>>) target(%arg10 : memref<128x128xf32, #tpu.memory_space<vmem>>) offsets(%dma_start3A_141 : memref<128xi32, #tpu.memory_space<vmem>>) semaphore(%arg12 : memref<!tpu.dma_semaphore, #tpu.memory_space<semaphore_mem>>)
      } else {
      }
      %mul3A_120 = arith.constant 2 : i32
      %mul3A_121 = arith.muli %add3A_105, %mul3A_120 : i32
      %add3A_122 = arith.constant 1 : i32
      %add3A_123 = arith.addi %mul3A_121, %add3A_122 : i32
      %dma_wait3A_124 = arith.constant 0 : i32
      %dma_wait3A_125 = tpu.memref_slice %arg8[%add3A_123, %dma_wait3A_124] : memref<40x128xi32, #tpu.memory_space<vmem>> -> memref<1x128xi32, #tpu.memory_space<vmem>>
      %dma_wait3A_126 = tpu.memref_squeeze %dma_wait3A_125 : memref<1x128xi32, #tpu.memory_space<vmem>> -> memref<128xi32, #tpu.memory_space<vmem>>
      %dma_wait3A_127 = arith.constant 0 : i32
      %dma_wait3A_128 = arith.constant 0 : i32
      %dma_wait3A_129 = tpu.memref_slice %arg2[%dma_wait3A_127, %dma_wait3A_128] : memref<10000x128xf32, #tpu.memory_space<hbm>> -> memref<10000x128xf32, #tpu.memory_space<hbm>>
      tpu.wait_indirect_dma semaphore(%arg13 : memref<!tpu.dma_semaphore, #tpu.memory_space<semaphore_mem>>) src(%dma_wait3A_129 : memref<10000x128xf32, #tpu.memory_space<hbm>>) dst(%arg11 : memref<128x128xf32, #tpu.memory_space<vmem>>)
      "tpu.region"() ({
        %run_scoped3A = tpu.sem_alloc : memref<!tpu.dma_semaphore, #tpu.memory_space<semaphore_mem>>
        %dma_start3A_137 = arith.constant 0 : i32
        %dma_start3A_138 = tpu.memref_slice %arg9[%add3A_123, %dma_start3A_137] : memref<40x128xi32, #tpu.memory_space<vmem>> -> memref<1x128xi32, #tpu.memory_space<vmem>>
        %dma_start3A_139 = tpu.memref_squeeze %dma_start3A_138 : memref<1x128xi32, #tpu.memory_space<vmem>> -> memref<128xi32, #tpu.memory_space<vmem>>
        %dma_start3A_140 = arith.constant 0 : i32
        %dma_start3A_141 = arith.constant 0 : i32
        %dma_start3A_142 = tpu.memref_slice %arg7[%dma_start3A_140, %dma_start3A_141] : memref<10112x128xf32, #tpu.memory_space<vmem_shared>> -> memref<10112x128xf32, #tpu.memory_space<vmem_shared>>
        tpu.enqueue_indirect_dma source(%arg11 : memref<128x128xf32, #tpu.memory_space<vmem>>) target(%dma_start3A_142 : memref<10112x128xf32, #tpu.memory_space<vmem_shared>>) offsets(%dma_start3A_139 : memref<128xi32, #tpu.memory_space<vmem>>) semaphore(%run_scoped3A : memref<!tpu.dma_semaphore, #tpu.memory_space<semaphore_mem>>) {add = true}
        %dma_wait3A_143 = arith.constant 0 : i32
        %dma_wait3A_144 = tpu.memref_slice %arg9[%add3A_123, %dma_wait3A_143] : memref<40x128xi32, #tpu.memory_space<vmem>> -> memref<1x128xi32, #tpu.memory_space<vmem>>
        %dma_wait3A_145 = tpu.memref_squeeze %dma_wait3A_144 : memref<1x128xi32, #tpu.memory_space<vmem>> -> memref<128xi32, #tpu.memory_space<vmem>>
        %dma_wait3A_146 = arith.constant 0 : i32
        %dma_wait3A_147 = arith.constant 0 : i32
        %dma_wait3A_148 = tpu.memref_slice %arg7[%dma_wait3A_146, %dma_wait3A_147] : memref<10112x128xf32, #tpu.memory_space<vmem_shared>> -> memref<10112x128xf32, #tpu.memory_space<vmem_shared>>
        tpu.wait_indirect_dma semaphore(%run_scoped3A : memref<!tpu.dma_semaphore, #tpu.memory_space<semaphore_mem>>) src(%arg11 : memref<128x128xf32, #tpu.memory_space<vmem>>) dst(%dma_wait3A_148 : memref<10112x128xf32, #tpu.memory_space<vmem_shared>>)
        tpu.yield
      }) : () -> ()
      %add3A_130 = arith.constant 2 : i32
      %add3A_131 = arith.addi %add3A_123, %add3A_130 : i32
      %lt3A_132 = arith.constant 40 : i32
      %lt3A_133 = arith.cmpi slt, %add3A_131, %lt3A_132 : i32
      %convert_element_type3A_134 = arith.extui %lt3A_133 : i1 to i32
      %cond3A_135 = arith.constant 0 : i32
      %cond3A_136 = arith.cmpi ne, %convert_element_type3A_134, %cond3A_135 : i32
      scf.if %cond3A_136 {
        %add3A_137 = arith.constant 2 : i32
        %add3A_138 = arith.addi %add3A_123, %add3A_137 : i32
        %dma_start3A_139 = arith.constant 0 : i32
        %dma_start3A_140 = tpu.memref_slice %arg8[%add3A_138, %dma_start3A_139] : memref<40x128xi32, #tpu.memory_space<vmem>> -> memref<1x128xi32, #tpu.memory_space<vmem>>
        %dma_start3A_141 = tpu.memref_squeeze %dma_start3A_140 : memref<1x128xi32, #tpu.memory_space<vmem>> -> memref<128xi32, #tpu.memory_space<vmem>>
        %dma_start3A_142 = arith.constant 0 : i32
        %dma_start3A_143 = arith.constant 0 : i32
        %dma_start3A_144 = tpu.memref_slice %arg2[%dma_start3A_142, %dma_start3A_143] : memref<10000x128xf32, #tpu.memory_space<hbm>> -> memref<10000x128xf32, #tpu.memory_space<hbm>>
        tpu.enqueue_indirect_dma source(%dma_start3A_144 : memref<10000x128xf32, #tpu.memory_space<hbm>>) target(%arg11 : memref<128x128xf32, #tpu.memory_space<vmem>>) offsets(%dma_start3A_141 : memref<128xi32, #tpu.memory_space<vmem>>) semaphore(%arg13 : memref<!tpu.dma_semaphore, #tpu.memory_space<semaphore_mem>>)
      } else {
      }
    }
    %scan3A_97 = arith.constant 20 : i32
    "tpu.trace_stop"() : () -> ()
    %barrier3A_98 = arith.constant 0 : index
    tpu.barrier barrier_id(%barrier3A_98)
    "tpu.trace_start"() <{level = 10 : i32, message = "wout"}> : () -> ()
    %mul3A_99 = arith.constant 632 : i32
    %mul3A_100 = arith.muli %arg1, %mul3A_99 : i32
    "tpu.region"() ({
      %run_scoped3A = tpu.sem_alloc : memref<!tpu.dma_semaphore, #tpu.memory_space<semaphore_mem>>
      %dma_start3A_101 = arith.constant 0 : i32
      %dma_start3A_102 = arith.constant 0 : i32
      %dma_start3A_103 = tpu.memref_slice %arg6[%arg0, %dma_start3A_101, %dma_start3A_102] : memref<2x10112x128xf32, #tpu.memory_space<hbm>> -> memref<1x10112x128xf32, #tpu.memory_space<hbm>>
      %dma_start3A_104 = tpu.memref_squeeze %dma_start3A_103 : memref<1x10112x128xf32, #tpu.memory_space<hbm>> -> memref<10112x128xf32, #tpu.memory_space<hbm>>
      %dma_start3A_105 = arith.constant 0 : i32
      %dma_start3A_106 = tpu.memref_slice %dma_start3A_104[%mul3A_100, %dma_start3A_105] : memref<10112x128xf32, #tpu.memory_space<hbm>> -> memref<632x128xf32, #tpu.memory_space<hbm>>
      %dma_start3A_107 = arith.constant 0 : i32
      %dma_start3A_108 = tpu.memref_slice %arg7[%mul3A_100, %dma_start3A_107] : memref<10112x128xf32, #tpu.memory_space<vmem_shared>> -> memref<632x128xf32, #tpu.memory_space<vmem_shared>>
      tpu.enqueue_dma source(%dma_start3A_108 : memref<632x128xf32, #tpu.memory_space<vmem_shared>>) target(%dma_start3A_106 : memref<632x128xf32, #tpu.memory_space<hbm>>) target_semaphore(%run_scoped3A : memref<!tpu.dma_semaphore, #tpu.memory_space<semaphore_mem>>)
      %dma_wait3A_109 = arith.constant 0 : i32
      %dma_wait3A_110 = arith.constant 0 : i32
      %dma_wait3A_111 = tpu.memref_slice %arg6[%arg0, %dma_wait3A_109, %dma_wait3A_110] : memref<2x10112x128xf32, #tpu.memory_space<hbm>> -> memref<1x10112x128xf32, #tpu.memory_space<hbm>>
      %dma_wait3A_112 = tpu.memref_squeeze %dma_wait3A_111 : memref<1x10112x128xf32, #tpu.memory_space<hbm>> -> memref<10112x128xf32, #tpu.memory_space<hbm>>
      %dma_wait3A_113 = arith.constant 0 : i32
      %dma_wait3A_114 = tpu.memref_slice %dma_wait3A_112[%mul3A_100, %dma_wait3A_113] : memref<10112x128xf32, #tpu.memory_space<hbm>> -> memref<632x128xf32, #tpu.memory_space<hbm>>
      %dma_wait3A_115 = arith.constant 0 : i32
      %dma_wait3A_116 = tpu.memref_slice %arg7[%mul3A_100, %dma_wait3A_115] : memref<10112x128xf32, #tpu.memory_space<vmem_shared>> -> memref<632x128xf32, #tpu.memory_space<vmem_shared>>
      tpu.wait_dma2 semaphore(%run_scoped3A : memref<!tpu.dma_semaphore, #tpu.memory_space<semaphore_mem>>) src(%dma_wait3A_116 : memref<632x128xf32, #tpu.memory_space<vmem_shared>>) dst(%dma_wait3A_114 : memref<632x128xf32, #tpu.memory_space<hbm>>)
      tpu.yield
    }) : () -> ()
    "tpu.trace_stop"() : () -> ()
    return
  }
}

#map = affine_map<(d0, d1) -> (0, 0)>
#map1 = affine_map<(d0, d1) -> (0, 0, 0)>
module attributes {stable_mosaic.version = 14 : i64} {
  func.func @k(%arg0: i32, %arg1: i32, %arg2: memref<10000x128xf32, #tpu.memory_space<hbm>>, %arg3: memref<32x80x128xi32, #tpu.memory_space<hbm>>, %arg4: memref<32x80x128xi32, #tpu.memory_space<hbm>>, %arg5: memref<632x128xf32, #tpu.memory_space<hbm>>, %arg6: memref<2x10112x128xf32, #tpu.memory_space<hbm>>, %arg7: memref<10112x128xf32, #tpu.memory_space<vmem_shared>>, %arg8: memref<40x128xi32, #tpu.memory_space<vmem>>, %arg9: memref<40x128xi32, #tpu.memory_space<vmem>>, %arg10: memref<128x128xf32, #tpu.memory_space<vmem>>, %arg11: memref<128x128xf32, #tpu.memory_space<vmem>>, %arg12: memref<!tpu.dma_semaphore, #tpu.memory_space<semaphore_mem>>, %arg13: memref<!tpu.dma_semaphore, #tpu.memory_space<semaphore_mem>>, %arg14: memref<!tpu.dma_semaphore, #tpu.memory_space<semaphore_mem>>, %arg15: memref<!tpu.dma_semaphore, #tpu.memory_space<semaphore_mem>>) attributes {dimension_semantics = [#tpu.dimension_semantics<core_parallel>, #tpu.dimension_semantics<subcore_parallel>], iteration_bounds = array<i64: 2, 16>, scalar_prefetch = 0 : i64, scratch_operands = 9 : i64, tpu.core_type = #tpu.core_type<sc_vector_subcore>, window_params = [{transform_indices = #map}, {transform_indices = #map1}, {transform_indices = #map1}, {transform_indices = #map}, {transform_indices = #map1}]} {
    %mul3A = arith.constant 16 : i32
    %mul3A_0 = arith.muli %arg0, %mul3A : i32
    %add3A = arith.addi %mul3A_0, %arg1 : i32
    "tpu.trace_start"() <{level = 10 : i32, message = "zinit"}> : () -> ()
    %mul3A_1 = arith.constant 632 : i32
    %mul3A_2 = arith.muli %arg1, %mul3A_1 : i32
    %dma_start3A = arith.constant 0 : i32
    %dma_start3A_3 = tpu.memref_slice %arg7[%mul3A_2, %dma_start3A] : memref<10112x128xf32, #tpu.memory_space<vmem_shared>> -> memref<632x128xf32, #tpu.memory_space<vmem_shared>>
    tpu.enqueue_dma source(%arg5 : memref<632x128xf32, #tpu.memory_space<hbm>>) target(%dma_start3A_3 : memref<632x128xf32, #tpu.memory_space<vmem_shared>>) target_semaphore(%arg14 : memref<!tpu.dma_semaphore, #tpu.memory_space<semaphore_mem>>)
    %dma_start3A_4 = arith.constant 0 : i32
    %dma_start3A_5 = arith.constant 0 : i32
    %dma_start3A_6 = tpu.memref_slice %arg3[%add3A, %dma_start3A_4, %dma_start3A_5] : memref<32x80x128xi32, #tpu.memory_space<hbm>> -> memref<1x80x128xi32, #tpu.memory_space<hbm>>
    %dma_start3A_7 = tpu.memref_squeeze %dma_start3A_6 : memref<1x80x128xi32, #tpu.memory_space<hbm>> -> memref<80x128xi32, #tpu.memory_space<hbm>>
    %dma_start3A_8 = arith.constant 0 : i32
    %dma_start3A_9 = arith.constant 0 : i32
    %dma_start3A_10 = tpu.memref_slice %dma_start3A_7[%dma_start3A_8, %dma_start3A_9] : memref<80x128xi32, #tpu.memory_space<hbm>> -> memref<40x128xi32, #tpu.memory_space<hbm>>
    %dma_start3A_11 = arith.constant 0 : i32
    %dma_start3A_12 = arith.constant 0 : i32
    %dma_start3A_13 = tpu.memref_slice %arg3[%add3A, %dma_start3A_11, %dma_start3A_12] : memref<32x80x128xi32, #tpu.memory_space<hbm>> -> memref<1x80x128xi32, #tpu.memory_space<hbm>>
    %dma_start3A_14 = tpu.memref_squeeze %dma_start3A_13 : memref<1x80x128xi32, #tpu.memory_space<hbm>> -> memref<80x128xi32, #tpu.memory_space<hbm>>
    %dma_start3A_15 = arith.constant 0 : i32
    %dma_start3A_16 = arith.constant 0 : i32
    %dma_start3A_17 = tpu.memref_slice %dma_start3A_14[%dma_start3A_15, %dma_start3A_16] : memref<80x128xi32, #tpu.memory_space<hbm>> -> memref<40x128xi32, #tpu.memory_space<hbm>>
    tpu.enqueue_dma source(%dma_start3A_17 : memref<40x128xi32, #tpu.memory_space<hbm>>) target(%arg8 : memref<40x128xi32, #tpu.memory_space<vmem>>) target_semaphore(%arg15 : memref<!tpu.dma_semaphore, #tpu.memory_space<semaphore_mem>>)
    %dma_start3A_18 = arith.constant 0 : i32
    %dma_start3A_19 = arith.constant 0 : i32
    %dma_start3A_20 = tpu.memref_slice %arg4[%add3A, %dma_start3A_18, %dma_start3A_19] : memref<32x80x128xi32, #tpu.memory_space<hbm>> -> memref<1x80x128xi32, #tpu.memory_space<hbm>>
    %dma_start3A_21 = tpu.memref_squeeze %dma_start3A_20 : memref<1x80x128xi32, #tpu.memory_space<hbm>> -> memref<80x128xi32, #tpu.memory_space<hbm>>
    %dma_start3A_22 = arith.constant 0 : i32
    %dma_start3A_23 = arith.constant 0 : i32
    %dma_start3A_24 = tpu.memref_slice %dma_start3A_21[%dma_start3A_22, %dma_start3A_23] : memref<80x128xi32, #tpu.memory_space<hbm>> -> memref<40x128xi32, #tpu.memory_space<hbm>>
    %dma_start3A_25 = arith.constant 0 : i32
    %dma_start3A_26 = arith.constant 0 : i32
    %dma_start3A_27 = tpu.memref_slice %arg4[%add3A, %dma_start3A_25, %dma_start3A_26] : memref<32x80x128xi32, #tpu.memory_space<hbm>> -> memref<1x80x128xi32, #tpu.memory_space<hbm>>
    %dma_start3A_28 = tpu.memref_squeeze %dma_start3A_27 : memref<1x80x128xi32, #tpu.memory_space<hbm>> -> memref<80x128xi32, #tpu.memory_space<hbm>>
    %dma_start3A_29 = arith.constant 0 : i32
    %dma_start3A_30 = arith.constant 0 : i32
    %dma_start3A_31 = tpu.memref_slice %dma_start3A_28[%dma_start3A_29, %dma_start3A_30] : memref<80x128xi32, #tpu.memory_space<hbm>> -> memref<40x128xi32, #tpu.memory_space<hbm>>
    tpu.enqueue_dma source(%dma_start3A_31 : memref<40x128xi32, #tpu.memory_space<hbm>>) target(%arg9 : memref<40x128xi32, #tpu.memory_space<vmem>>) target_semaphore(%arg15 : memref<!tpu.dma_semaphore, #tpu.memory_space<semaphore_mem>>)
    %dma_wait3A = arith.constant 0 : i32
    %dma_wait3A_32 = arith.constant 0 : i32
    %dma_wait3A_33 = tpu.memref_slice %arg4[%add3A, %dma_wait3A, %dma_wait3A_32] : memref<32x80x128xi32, #tpu.memory_space<hbm>> -> memref<1x80x128xi32, #tpu.memory_space<hbm>>
    %dma_wait3A_34 = tpu.memref_squeeze %dma_wait3A_33 : memref<1x80x128xi32, #tpu.memory_space<hbm>> -> memref<80x128xi32, #tpu.memory_space<hbm>>
    %dma_wait3A_35 = arith.constant 0 : i32
    %dma_wait3A_36 = arith.constant 0 : i32
    %dma_wait3A_37 = tpu.memref_slice %dma_wait3A_34[%dma_wait3A_35, %dma_wait3A_36] : memref<80x128xi32, #tpu.memory_space<hbm>> -> memref<40x128xi32, #tpu.memory_space<hbm>>
    %dma_wait3A_38 = arith.constant 0 : i32
    %dma_wait3A_39 = arith.constant 0 : i32
    %dma_wait3A_40 = tpu.memref_slice %arg4[%add3A, %dma_wait3A_38, %dma_wait3A_39] : memref<32x80x128xi32, #tpu.memory_space<hbm>> -> memref<1x80x128xi32, #tpu.memory_space<hbm>>
    %dma_wait3A_41 = tpu.memref_squeeze %dma_wait3A_40 : memref<1x80x128xi32, #tpu.memory_space<hbm>> -> memref<80x128xi32, #tpu.memory_space<hbm>>
    %dma_wait3A_42 = arith.constant 0 : i32
    %dma_wait3A_43 = arith.constant 0 : i32
    %dma_wait3A_44 = tpu.memref_slice %dma_wait3A_41[%dma_wait3A_42, %dma_wait3A_43] : memref<80x128xi32, #tpu.memory_space<hbm>> -> memref<40x128xi32, #tpu.memory_space<hbm>>
    tpu.wait_dma2 semaphore(%arg15 : memref<!tpu.dma_semaphore, #tpu.memory_space<semaphore_mem>>) src(%dma_wait3A_44 : memref<40x128xi32, #tpu.memory_space<hbm>>) dst(%arg9 : memref<40x128xi32, #tpu.memory_space<vmem>>)
    %dma_wait3A_45 = arith.constant 0 : i32
    %dma_wait3A_46 = arith.constant 0 : i32
    %dma_wait3A_47 = tpu.memref_slice %arg3[%add3A, %dma_wait3A_45, %dma_wait3A_46] : memref<32x80x128xi32, #tpu.memory_space<hbm>> -> memref<1x80x128xi32, #tpu.memory_space<hbm>>
    %dma_wait3A_48 = tpu.memref_squeeze %dma_wait3A_47 : memref<1x80x128xi32, #tpu.memory_space<hbm>> -> memref<80x128xi32, #tpu.memory_space<hbm>>
    %dma_wait3A_49 = arith.constant 0 : i32
    %dma_wait3A_50 = arith.constant 0 : i32
    %dma_wait3A_51 = tpu.memref_slice %dma_wait3A_48[%dma_wait3A_49, %dma_wait3A_50] : memref<80x128xi32, #tpu.memory_space<hbm>> -> memref<40x128xi32, #tpu.memory_space<hbm>>
    %dma_wait3A_52 = arith.constant 0 : i32
    %dma_wait3A_53 = arith.constant 0 : i32
    %dma_wait3A_54 = tpu.memref_slice %arg3[%add3A, %dma_wait3A_52, %dma_wait3A_53] : memref<32x80x128xi32, #tpu.memory_space<hbm>> -> memref<1x80x128xi32, #tpu.memory_space<hbm>>
    %dma_wait3A_55 = tpu.memref_squeeze %dma_wait3A_54 : memref<1x80x128xi32, #tpu.memory_space<hbm>> -> memref<80x128xi32, #tpu.memory_space<hbm>>
    %dma_wait3A_56 = arith.constant 0 : i32
    %dma_wait3A_57 = arith.constant 0 : i32
    %dma_wait3A_58 = tpu.memref_slice %dma_wait3A_55[%dma_wait3A_56, %dma_wait3A_57] : memref<80x128xi32, #tpu.memory_space<hbm>> -> memref<40x128xi32, #tpu.memory_space<hbm>>
    tpu.wait_dma2 semaphore(%arg15 : memref<!tpu.dma_semaphore, #tpu.memory_space<semaphore_mem>>) src(%dma_wait3A_58 : memref<40x128xi32, #tpu.memory_space<hbm>>) dst(%arg8 : memref<40x128xi32, #tpu.memory_space<vmem>>)
    %dma_start3A_59 = arith.constant 0 : i32
    %dma_start3A_60 = arith.constant 0 : i32
    %dma_start3A_61 = tpu.memref_slice %arg8[%dma_start3A_59, %dma_start3A_60] : memref<40x128xi32, #tpu.memory_space<vmem>> -> memref<1x128xi32, #tpu.memory_space<vmem>>
    %dma_start3A_62 = tpu.memref_squeeze %dma_start3A_61 : memref<1x128xi32, #tpu.memory_space<vmem>> -> memref<128xi32, #tpu.memory_space<vmem>>
    %dma_start3A_63 = arith.constant 0 : i32
    %dma_start3A_64 = arith.constant 0 : i32
    %dma_start3A_65 = tpu.memref_slice %arg2[%dma_start3A_63, %dma_start3A_64] : memref<10000x128xf32, #tpu.memory_space<hbm>> -> memref<10000x128xf32, #tpu.memory_space<hbm>>
    tpu.enqueue_indirect_dma source(%dma_start3A_65 : memref<10000x128xf32, #tpu.memory_space<hbm>>) target(%arg10 : memref<128x128xf32, #tpu.memory_space<vmem>>) offsets(%dma_start3A_62 : memref<128xi32, #tpu.memory_space<vmem>>) semaphore(%arg12 : memref<!tpu.dma_semaphore, #tpu.memory_space<semaphore_mem>>)
    %dma_start3A_66 = arith.constant 1 : i32
    %dma_start3A_67 = arith.constant 0 : i32
    %dma_start3A_68 = tpu.memref_slice %arg8[%dma_start3A_66, %dma_start3A_67] : memref<40x128xi32, #tpu.memory_space<vmem>> -> memref<1x128xi32, #tpu.memory_space<vmem>>
    %dma_start3A_69 = tpu.memref_squeeze %dma_start3A_68 : memref<1x128xi32, #tpu.memory_space<vmem>> -> memref<128xi32, #tpu.memory_space<vmem>>
    %dma_start3A_70 = arith.constant 0 : i32
    %dma_start3A_71 = arith.constant 0 : i32
    %dma_start3A_72 = tpu.memref_slice %arg2[%dma_start3A_70, %dma_start3A_71] : memref<10000x128xf32, #tpu.memory_space<hbm>> -> memref<10000x128xf32, #tpu.memory_space<hbm>>
    tpu.enqueue_indirect_dma source(%dma_start3A_72 : memref<10000x128xf32, #tpu.memory_space<hbm>>) target(%arg11 : memref<128x128xf32, #tpu.memory_space<vmem>>) offsets(%dma_start3A_69 : memref<128xi32, #tpu.memory_space<vmem>>) semaphore(%arg13 : memref<!tpu.dma_semaphore, #tpu.memory_space<semaphore_mem>>)
    %dma_wait3A_73 = arith.constant 0 : i32
    %dma_wait3A_74 = tpu.memref_slice %arg7[%mul3A_2, %dma_wait3A_73] : memref<10112x128xf32, #tpu.memory_space<vmem_shared>> -> memref<632x128xf32, #tpu.memory_space<vmem_shared>>
    tpu.wait_dma2 semaphore(%arg14 : memref<!tpu.dma_semaphore, #tpu.memory_space<semaphore_mem>>) src(%arg5 : memref<632x128xf32, #tpu.memory_space<hbm>>) dst(%dma_wait3A_74 : memref<632x128xf32, #tpu.memory_space<vmem_shared>>)
    %barrier3A = arith.constant 0 : index
    tpu.barrier barrier_id(%barrier3A)
    "tpu.trace_stop"() : () -> ()
    "tpu.trace_start"() <{level = 10 : i32, message = "gsloop"}> : () -> ()
    %scan3A = arith.constant 0 : i32
    %scan3A_75 = arith.constant 20 : i32
    %scan3A_76 = arith.addi %scan3A, %scan3A_75 : i32
    %scan3A_77 = arith.constant 1 : i32
    scf.for %scan3A_101 = %scan3A to %scan3A_76 step %scan3A_77  : i32 {
      %mul3A_102 = arith.constant 1 : i32
      %mul3A_103 = arith.muli %scan3A_101, %mul3A_102 : i32
      %add3A_104 = arith.constant 0 : i32
      %add3A_105 = arith.addi %add3A_104, %mul3A_103 : i32
      %mul3A_106 = arith.constant 2 : i32
      %mul3A_107 = arith.muli %add3A_105, %mul3A_106 : i32
      %add3A_108 = arith.constant 0 : i32
      %add3A_109 = arith.addi %mul3A_107, %add3A_108 : i32
      %dma_wait3A_110 = arith.constant 0 : i32
      %dma_wait3A_111 = tpu.memref_slice %arg8[%add3A_109, %dma_wait3A_110] : memref<40x128xi32, #tpu.memory_space<vmem>> -> memref<1x128xi32, #tpu.memory_space<vmem>>
      %dma_wait3A_112 = tpu.memref_squeeze %dma_wait3A_111 : memref<1x128xi32, #tpu.memory_space<vmem>> -> memref<128xi32, #tpu.memory_space<vmem>>
      %dma_wait3A_113 = arith.constant 0 : i32
      %dma_wait3A_114 = arith.constant 0 : i32
      %dma_wait3A_115 = tpu.memref_slice %arg2[%dma_wait3A_113, %dma_wait3A_114] : memref<10000x128xf32, #tpu.memory_space<hbm>> -> memref<10000x128xf32, #tpu.memory_space<hbm>>
      tpu.wait_indirect_dma semaphore(%arg12 : memref<!tpu.dma_semaphore, #tpu.memory_space<semaphore_mem>>) src(%dma_wait3A_115 : memref<10000x128xf32, #tpu.memory_space<hbm>>) dst(%arg10 : memref<128x128xf32, #tpu.memory_space<vmem>>)
      "tpu.region"() ({
        %run_scoped3A = tpu.sem_alloc : memref<!tpu.dma_semaphore, #tpu.memory_space<semaphore_mem>>
        %dma_start3A_137 = arith.constant 0 : i32
        %dma_start3A_138 = tpu.memref_slice %arg9[%add3A_109, %dma_start3A_137] : memref<40x128xi32, #tpu.memory_space<vmem>> -> memref<1x128xi32, #tpu.memory_space<vmem>>
        %dma_start3A_139 = tpu.memref_squeeze %dma_start3A_138 : memref<1x128xi32, #tpu.memory_space<vmem>> -> memref<128xi32, #tpu.memory_space<vmem>>
        %dma_start3A_140 = arith.constant 0 : i32
        %dma_start3A_141 = arith.constant 0 : i32
        %dma_start3A_142 = tpu.memref_slice %arg7[%dma_start3A_140, %dma_start3A_141] : memref<10112x128xf32, #tpu.memory_space<vmem_shared>> -> memref<10112x128xf32, #tpu.memory_space<vmem_shared>>
        tpu.enqueue_indirect_dma source(%arg10 : memref<128x128xf32, #tpu.memory_space<vmem>>) target(%dma_start3A_142 : memref<10112x128xf32, #tpu.memory_space<vmem_shared>>) offsets(%dma_start3A_139 : memref<128xi32, #tpu.memory_space<vmem>>) semaphore(%run_scoped3A : memref<!tpu.dma_semaphore, #tpu.memory_space<semaphore_mem>>) {add = true}
        %dma_wait3A_143 = arith.constant 0 : i32
        %dma_wait3A_144 = tpu.memref_slice %arg9[%add3A_109, %dma_wait3A_143] : memref<40x128xi32, #tpu.memory_space<vmem>> -> memref<1x128xi32, #tpu.memory_space<vmem>>
        %dma_wait3A_145 = tpu.memref_squeeze %dma_wait3A_144 : memref<1x128xi32, #tpu.memory_space<vmem>> -> memref<128xi32, #tpu.memory_space<vmem>>
        %dma_wait3A_146 = arith.constant 0 : i32
        %dma_wait3A_147 = arith.constant 0 : i32
        %dma_wait3A_148 = tpu.memref_slice %arg7[%dma_wait3A_146, %dma_wait3A_147] : memref<10112x128xf32, #tpu.memory_space<vmem_shared>> -> memref<10112x128xf32, #tpu.memory_space<vmem_shared>>
        tpu.wait_indirect_dma semaphore(%run_scoped3A : memref<!tpu.dma_semaphore, #tpu.memory_space<semaphore_mem>>) src(%arg10 : memref<128x128xf32, #tpu.memory_space<vmem>>) dst(%dma_wait3A_148 : memref<10112x128xf32, #tpu.memory_space<vmem_shared>>)
        tpu.yield
      }) : () -> ()
      %add3A_116 = arith.constant 2 : i32
      %add3A_117 = arith.addi %add3A_109, %add3A_116 : i32
      %lt3A = arith.constant 40 : i32
      %lt3A_118 = arith.cmpi slt, %add3A_117, %lt3A : i32
      %convert_element_type3A = arith.extui %lt3A_118 : i1 to i32
      %cond3A = arith.constant 0 : i32
      %cond3A_119 = arith.cmpi ne, %convert_element_type3A, %cond3A : i32
      scf.if %cond3A_119 {
        %add3A_137 = arith.constant 2 : i32
        %add3A_138 = arith.addi %add3A_109, %add3A_137 : i32
        %dma_start3A_139 = arith.constant 0 : i32
        %dma_start3A_140 = tpu.memref_slice %arg8[%add3A_138, %dma_start3A_139] : memref<40x128xi32, #tpu.memory_space<vmem>> -> memref<1x128xi32, #tpu.memory_space<vmem>>
        %dma_start3A_141 = tpu.memref_squeeze %dma_start3A_140 : memref<1x128xi32, #tpu.memory_space<vmem>> -> memref<128xi32, #tpu.memory_space<vmem>>
        %dma_start3A_142 = arith.constant 0 : i32
        %dma_start3A_143 = arith.constant 0 : i32
        %dma_start3A_144 = tpu.memref_slice %arg2[%dma_start3A_142, %dma_start3A_143] : memref<10000x128xf32, #tpu.memory_space<hbm>> -> memref<10000x128xf32, #tpu.memory_space<hbm>>
        tpu.enqueue_indirect_dma source(%dma_start3A_144 : memref<10000x128xf32, #tpu.memory_space<hbm>>) target(%arg10 : memref<128x128xf32, #tpu.memory_space<vmem>>) offsets(%dma_start3A_141 : memref<128xi32, #tpu.memory_space<vmem>>) semaphore(%arg12 : memref<!tpu.dma_semaphore, #tpu.memory_space<semaphore_mem>>)
      } else {
      }
      %mul3A_120 = arith.constant 2 : i32
      %mul3A_121 = arith.muli %add3A_105, %mul3A_120 : i32
      %add3A_122 = arith.constant 1 : i32
      %add3A_123 = arith.addi %mul3A_121, %add3A_122 : i32
      %dma_wait3A_124 = arith.constant 0 : i32
      %dma_wait3A_125 = tpu.memref_slice %arg8[%add3A_123, %dma_wait3A_124] : memref<40x128xi32, #tpu.memory_space<vmem>> -> memref<1x128xi32, #tpu.memory_space<vmem>>
      %dma_wait3A_126 = tpu.memref_squeeze %dma_wait3A_125 : memref<1x128xi32, #tpu.memory_space<vmem>> -> memref<128xi32, #tpu.memory_space<vmem>>
      %dma_wait3A_127 = arith.constant 0 : i32
      %dma_wait3A_128 = arith.constant 0 : i32
      %dma_wait3A_129 = tpu.memref_slice %arg2[%dma_wait3A_127, %dma_wait3A_128] : memref<10000x128xf32, #tpu.memory_space<hbm>> -> memref<10000x128xf32, #tpu.memory_space<hbm>>
      tpu.wait_indirect_dma semaphore(%arg13 : memref<!tpu.dma_semaphore, #tpu.memory_space<semaphore_mem>>) src(%dma_wait3A_129 : memref<10000x128xf32, #tpu.memory_space<hbm>>) dst(%arg11 : memref<128x128xf32, #tpu.memory_space<vmem>>)
      "tpu.region"() ({
        %run_scoped3A = tpu.sem_alloc : memref<!tpu.dma_semaphore, #tpu.memory_space<semaphore_mem>>
        %dma_start3A_137 = arith.constant 0 : i32
        %dma_start3A_138 = tpu.memref_slice %arg9[%add3A_123, %dma_start3A_137] : memref<40x128xi32, #tpu.memory_space<vmem>> -> memref<1x128xi32, #tpu.memory_space<vmem>>
        %dma_start3A_139 = tpu.memref_squeeze %dma_start3A_138 : memref<1x128xi32, #tpu.memory_space<vmem>> -> memref<128xi32, #tpu.memory_space<vmem>>
        %dma_start3A_140 = arith.constant 0 : i32
        %dma_start3A_141 = arith.constant 0 : i32
        %dma_start3A_142 = tpu.memref_slice %arg7[%dma_start3A_140, %dma_start3A_141] : memref<10112x128xf32, #tpu.memory_space<vmem_shared>> -> memref<10112x128xf32, #tpu.memory_space<vmem_shared>>
        tpu.enqueue_indirect_dma source(%arg11 : memref<128x128xf32, #tpu.memory_space<vmem>>) target(%dma_start3A_142 : memref<10112x128xf32, #tpu.memory_space<vmem_shared>>) offsets(%dma_start3A_139 : memref<128xi32, #tpu.memory_space<vmem>>) semaphore(%run_scoped3A : memref<!tpu.dma_semaphore, #tpu.memory_space<semaphore_mem>>) {add = true}
        %dma_wait3A_143 = arith.constant 0 : i32
        %dma_wait3A_144 = tpu.memref_slice %arg9[%add3A_123, %dma_wait3A_143] : memref<40x128xi32, #tpu.memory_space<vmem>> -> memref<1x128xi32, #tpu.memory_space<vmem>>
        %dma_wait3A_145 = tpu.memref_squeeze %dma_wait3A_144 : memref<1x128xi32, #tpu.memory_space<vmem>> -> memref<128xi32, #tpu.memory_space<vmem>>
        %dma_wait3A_146 = arith.constant 0 : i32
        %dma_wait3A_147 = arith.constant 0 : i32
        %dma_wait3A_148 = tpu.memref_slice %arg7[%dma_wait3A_146, %dma_wait3A_147] : memref<10112x128xf32, #tpu.memory_space<vmem_shared>> -> memref<10112x128xf32, #tpu.memory_space<vmem_shared>>
        tpu.wait_indirect_dma semaphore(%run_scoped3A : memref<!tpu.dma_semaphore, #tpu.memory_space<semaphore_mem>>) src(%arg11 : memref<128x128xf32, #tpu.memory_space<vmem>>) dst(%dma_wait3A_148 : memref<10112x128xf32, #tpu.memory_space<vmem_shared>>)
        tpu.yield
      }) : () -> ()
      %add3A_130 = arith.constant 2 : i32
      %add3A_131 = arith.addi %add3A_123, %add3A_130 : i32
      %lt3A_132 = arith.constant 40 : i32
      %lt3A_133 = arith.cmpi slt, %add3A_131, %lt3A_132 : i32
      %convert_element_type3A_134 = arith.extui %lt3A_133 : i1 to i32
      %cond3A_135 = arith.constant 0 : i32
      %cond3A_136 = arith.cmpi ne, %convert_element_type3A_134, %cond3A_135 : i32
      scf.if %cond3A_136 {
        %add3A_137 = arith.constant 2 : i32
        %add3A_138 = arith.addi %add3A_123, %add3A_137 : i32
        %dma_start3A_139 = arith.constant 0 : i32
        %dma_start3A_140 = tpu.memref_slice %arg8[%add3A_138, %dma_start3A_139] : memref<40x128xi32, #tpu.memory_space<vmem>> -> memref<1x128xi32, #tpu.memory_space<vmem>>
        %dma_start3A_141 = tpu.memref_squeeze %dma_start3A_140 : memref<1x128xi32, #tpu.memory_space<vmem>> -> memref<128xi32, #tpu.memory_space<vmem>>
        %dma_start3A_142 = arith.constant 0 : i32
        %dma_start3A_143 = arith.constant 0 : i32
        %dma_start3A_144 = tpu.memref_slice %arg2[%dma_start3A_142, %dma_start3A_143] : memref<10000x128xf32, #tpu.memory_space<hbm>> -> memref<10000x128xf32, #tpu.memory_space<hbm>>
        tpu.enqueue_indirect_dma source(%dma_start3A_144 : memref<10000x128xf32, #tpu.memory_space<hbm>>) target(%arg11 : memref<128x128xf32, #tpu.memory_space<vmem>>) offsets(%dma_start3A_141 : memref<128xi32, #tpu.memory_space<vmem>>) semaphore(%arg13 : memref<!tpu.dma_semaphore, #tpu.memory_space<semaphore_mem>>)
      } else {
      }
    }
    %scan3A_78 = arith.constant 20 : i32
    "tpu.trace_stop"() : () -> ()
    "tpu.trace_start"() <{level = 10 : i32, message = "idx"}> : () -> ()
    "tpu.region"() ({
      %run_scoped3A = tpu.sem_alloc : memref<!tpu.dma_semaphore, #tpu.memory_space<semaphore_mem>>
      %dma_start3A_101 = arith.constant 0 : i32
      %dma_start3A_102 = arith.constant 0 : i32
      %dma_start3A_103 = tpu.memref_slice %arg3[%add3A, %dma_start3A_101, %dma_start3A_102] : memref<32x80x128xi32, #tpu.memory_space<hbm>> -> memref<1x80x128xi32, #tpu.memory_space<hbm>>
      %dma_start3A_104 = tpu.memref_squeeze %dma_start3A_103 : memref<1x80x128xi32, #tpu.memory_space<hbm>> -> memref<80x128xi32, #tpu.memory_space<hbm>>
      %dma_start3A_105 = arith.constant 40 : i32
      %dma_start3A_106 = arith.constant 0 : i32
      %dma_start3A_107 = tpu.memref_slice %dma_start3A_104[%dma_start3A_105, %dma_start3A_106] : memref<80x128xi32, #tpu.memory_space<hbm>> -> memref<40x128xi32, #tpu.memory_space<hbm>>
      %dma_start3A_108 = arith.constant 0 : i32
      %dma_start3A_109 = arith.constant 0 : i32
      %dma_start3A_110 = tpu.memref_slice %arg3[%add3A, %dma_start3A_108, %dma_start3A_109] : memref<32x80x128xi32, #tpu.memory_space<hbm>> -> memref<1x80x128xi32, #tpu.memory_space<hbm>>
      %dma_start3A_111 = tpu.memref_squeeze %dma_start3A_110 : memref<1x80x128xi32, #tpu.memory_space<hbm>> -> memref<80x128xi32, #tpu.memory_space<hbm>>
      %dma_start3A_112 = arith.constant 40 : i32
      %dma_start3A_113 = arith.constant 0 : i32
      %dma_start3A_114 = tpu.memref_slice %dma_start3A_111[%dma_start3A_112, %dma_start3A_113] : memref<80x128xi32, #tpu.memory_space<hbm>> -> memref<40x128xi32, #tpu.memory_space<hbm>>
      tpu.enqueue_dma source(%dma_start3A_114 : memref<40x128xi32, #tpu.memory_space<hbm>>) target(%arg8 : memref<40x128xi32, #tpu.memory_space<vmem>>) target_semaphore(%run_scoped3A : memref<!tpu.dma_semaphore, #tpu.memory_space<semaphore_mem>>)
      %dma_wait3A_115 = arith.constant 0 : i32
      %dma_wait3A_116 = arith.constant 0 : i32
      %dma_wait3A_117 = tpu.memref_slice %arg3[%add3A, %dma_wait3A_115, %dma_wait3A_116] : memref<32x80x128xi32, #tpu.memory_space<hbm>> -> memref<1x80x128xi32, #tpu.memory_space<hbm>>
      %dma_wait3A_118 = tpu.memref_squeeze %dma_wait3A_117 : memref<1x80x128xi32, #tpu.memory_space<hbm>> -> memref<80x128xi32, #tpu.memory_space<hbm>>
      %dma_wait3A_119 = arith.constant 40 : i32
      %dma_wait3A_120 = arith.constant 0 : i32
      %dma_wait3A_121 = tpu.memref_slice %dma_wait3A_118[%dma_wait3A_119, %dma_wait3A_120] : memref<80x128xi32, #tpu.memory_space<hbm>> -> memref<40x128xi32, #tpu.memory_space<hbm>>
      %dma_wait3A_122 = arith.constant 0 : i32
      %dma_wait3A_123 = arith.constant 0 : i32
      %dma_wait3A_124 = tpu.memref_slice %arg3[%add3A, %dma_wait3A_122, %dma_wait3A_123] : memref<32x80x128xi32, #tpu.memory_space<hbm>> -> memref<1x80x128xi32, #tpu.memory_space<hbm>>
      %dma_wait3A_125 = tpu.memref_squeeze %dma_wait3A_124 : memref<1x80x128xi32, #tpu.memory_space<hbm>> -> memref<80x128xi32, #tpu.memory_space<hbm>>
      %dma_wait3A_126 = arith.constant 40 : i32
      %dma_wait3A_127 = arith.constant 0 : i32
      %dma_wait3A_128 = tpu.memref_slice %dma_wait3A_125[%dma_wait3A_126, %dma_wait3A_127] : memref<80x128xi32, #tpu.memory_space<hbm>> -> memref<40x128xi32, #tpu.memory_space<hbm>>
      tpu.wait_dma2 semaphore(%run_scoped3A : memref<!tpu.dma_semaphore, #tpu.memory_space<semaphore_mem>>) src(%dma_wait3A_128 : memref<40x128xi32, #tpu.memory_space<hbm>>) dst(%arg8 : memref<40x128xi32, #tpu.memory_space<vmem>>)
      tpu.yield
    }) : () -> ()
    "tpu.region"() ({
      %run_scoped3A = tpu.sem_alloc : memref<!tpu.dma_semaphore, #tpu.memory_space<semaphore_mem>>
      %dma_start3A_101 = arith.constant 0 : i32
      %dma_start3A_102 = arith.constant 0 : i32
      %dma_start3A_103 = tpu.memref_slice %arg4[%add3A, %dma_start3A_101, %dma_start3A_102] : memref<32x80x128xi32, #tpu.memory_space<hbm>> -> memref<1x80x128xi32, #tpu.memory_space<hbm>>
      %dma_start3A_104 = tpu.memref_squeeze %dma_start3A_103 : memref<1x80x128xi32, #tpu.memory_space<hbm>> -> memref<80x128xi32, #tpu.memory_space<hbm>>
      %dma_start3A_105 = arith.constant 40 : i32
      %dma_start3A_106 = arith.constant 0 : i32
      %dma_start3A_107 = tpu.memref_slice %dma_start3A_104[%dma_start3A_105, %dma_start3A_106] : memref<80x128xi32, #tpu.memory_space<hbm>> -> memref<40x128xi32, #tpu.memory_space<hbm>>
      %dma_start3A_108 = arith.constant 0 : i32
      %dma_start3A_109 = arith.constant 0 : i32
      %dma_start3A_110 = tpu.memref_slice %arg4[%add3A, %dma_start3A_108, %dma_start3A_109] : memref<32x80x128xi32, #tpu.memory_space<hbm>> -> memref<1x80x128xi32, #tpu.memory_space<hbm>>
      %dma_start3A_111 = tpu.memref_squeeze %dma_start3A_110 : memref<1x80x128xi32, #tpu.memory_space<hbm>> -> memref<80x128xi32, #tpu.memory_space<hbm>>
      %dma_start3A_112 = arith.constant 40 : i32
      %dma_start3A_113 = arith.constant 0 : i32
      %dma_start3A_114 = tpu.memref_slice %dma_start3A_111[%dma_start3A_112, %dma_start3A_113] : memref<80x128xi32, #tpu.memory_space<hbm>> -> memref<40x128xi32, #tpu.memory_space<hbm>>
      tpu.enqueue_dma source(%dma_start3A_114 : memref<40x128xi32, #tpu.memory_space<hbm>>) target(%arg9 : memref<40x128xi32, #tpu.memory_space<vmem>>) target_semaphore(%run_scoped3A : memref<!tpu.dma_semaphore, #tpu.memory_space<semaphore_mem>>)
      %dma_wait3A_115 = arith.constant 0 : i32
      %dma_wait3A_116 = arith.constant 0 : i32
      %dma_wait3A_117 = tpu.memref_slice %arg4[%add3A, %dma_wait3A_115, %dma_wait3A_116] : memref<32x80x128xi32, #tpu.memory_space<hbm>> -> memref<1x80x128xi32, #tpu.memory_space<hbm>>
      %dma_wait3A_118 = tpu.memref_squeeze %dma_wait3A_117 : memref<1x80x128xi32, #tpu.memory_space<hbm>> -> memref<80x128xi32, #tpu.memory_space<hbm>>
      %dma_wait3A_119 = arith.constant 40 : i32
      %dma_wait3A_120 = arith.constant 0 : i32
      %dma_wait3A_121 = tpu.memref_slice %dma_wait3A_118[%dma_wait3A_119, %dma_wait3A_120] : memref<80x128xi32, #tpu.memory_space<hbm>> -> memref<40x128xi32, #tpu.memory_space<hbm>>
      %dma_wait3A_122 = arith.constant 0 : i32
      %dma_wait3A_123 = arith.constant 0 : i32
      %dma_wait3A_124 = tpu.memref_slice %arg4[%add3A, %dma_wait3A_122, %dma_wait3A_123] : memref<32x80x128xi32, #tpu.memory_space<hbm>> -> memref<1x80x128xi32, #tpu.memory_space<hbm>>
      %dma_wait3A_125 = tpu.memref_squeeze %dma_wait3A_124 : memref<1x80x128xi32, #tpu.memory_space<hbm>> -> memref<80x128xi32, #tpu.memory_space<hbm>>
      %dma_wait3A_126 = arith.constant 40 : i32
      %dma_wait3A_127 = arith.constant 0 : i32
      %dma_wait3A_128 = tpu.memref_slice %dma_wait3A_125[%dma_wait3A_126, %dma_wait3A_127] : memref<80x128xi32, #tpu.memory_space<hbm>> -> memref<40x128xi32, #tpu.memory_space<hbm>>
      tpu.wait_dma2 semaphore(%run_scoped3A : memref<!tpu.dma_semaphore, #tpu.memory_space<semaphore_mem>>) src(%dma_wait3A_128 : memref<40x128xi32, #tpu.memory_space<hbm>>) dst(%arg9 : memref<40x128xi32, #tpu.memory_space<vmem>>)
      tpu.yield
    }) : () -> ()
    %dma_start3A_79 = arith.constant 0 : i32
    "tpu.trace_stop"() : () -> ()
    "tpu.trace_start"() <{level = 10 : i32, message = "gsloop"}> : () -> ()
    %dma_start3A_80 = arith.constant 0 : i32
    %dma_start3A_81 = tpu.memref_slice %arg8[%dma_start3A_79, %dma_start3A_80] : memref<40x128xi32, #tpu.memory_space<vmem>> -> memref<1x128xi32, #tpu.memory_space<vmem>>
    %dma_start3A_82 = tpu.memref_squeeze %dma_start3A_81 : memref<1x128xi32, #tpu.memory_space<vmem>> -> memref<128xi32, #tpu.memory_space<vmem>>
    %dma_start3A_83 = arith.constant 0 : i32
    %dma_start3A_84 = arith.constant 0 : i32
    %dma_start3A_85 = tpu.memref_slice %arg2[%dma_start3A_83, %dma_start3A_84] : memref<10000x128xf32, #tpu.memory_space<hbm>> -> memref<10000x128xf32, #tpu.memory_space<hbm>>
    tpu.enqueue_indirect_dma source(%dma_start3A_85 : memref<10000x128xf32, #tpu.memory_space<hbm>>) target(%arg10 : memref<128x128xf32, #tpu.memory_space<vmem>>) offsets(%dma_start3A_82 : memref<128xi32, #tpu.memory_space<vmem>>) semaphore(%arg12 : memref<!tpu.dma_semaphore, #tpu.memory_space<semaphore_mem>>)
    %dma_start3A_86 = arith.constant 1 : i32
    %dma_start3A_87 = arith.constant 0 : i32
    %dma_start3A_88 = tpu.memref_slice %arg8[%dma_start3A_86, %dma_start3A_87] : memref<40x128xi32, #tpu.memory_space<vmem>> -> memref<1x128xi32, #tpu.memory_space<vmem>>
    %dma_start3A_89 = tpu.memref_squeeze %dma_start3A_88 : memref<1x128xi32, #tpu.memory_space<vmem>> -> memref<128xi32, #tpu.memory_space<vmem>>
    %dma_start3A_90 = arith.constant 0 : i32
    %dma_start3A_91 = arith.constant 0 : i32
    %dma_start3A_92 = tpu.memref_slice %arg2[%dma_start3A_90, %dma_start3A_91] : memref<10000x128xf32, #tpu.memory_space<hbm>> -> memref<10000x128xf32, #tpu.memory_space<hbm>>
    tpu.enqueue_indirect_dma source(%dma_start3A_92 : memref<10000x128xf32, #tpu.memory_space<hbm>>) target(%arg11 : memref<128x128xf32, #tpu.memory_space<vmem>>) offsets(%dma_start3A_89 : memref<128xi32, #tpu.memory_space<vmem>>) semaphore(%arg13 : memref<!tpu.dma_semaphore, #tpu.memory_space<semaphore_mem>>)
    %scan3A_93 = arith.constant 0 : i32
    %scan3A_94 = arith.constant 20 : i32
    %scan3A_95 = arith.addi %scan3A_93, %scan3A_94 : i32
    %scan3A_96 = arith.constant 1 : i32
    scf.for %scan3A_101 = %scan3A_93 to %scan3A_95 step %scan3A_96  : i32 {
      %mul3A_102 = arith.constant 1 : i32
      %mul3A_103 = arith.muli %scan3A_101, %mul3A_102 : i32
      %add3A_104 = arith.constant 0 : i32
      %add3A_105 = arith.addi %add3A_104, %mul3A_103 : i32
      %mul3A_106 = arith.constant 2 : i32
      %mul3A_107 = arith.muli %add3A_105, %mul3A_106 : i32
      %add3A_108 = arith.constant 0 : i32
      %add3A_109 = arith.addi %mul3A_107, %add3A_108 : i32
      %dma_wait3A_110 = arith.constant 0 : i32
      %dma_wait3A_111 = tpu.memref_slice %arg8[%add3A_109, %dma_wait3A_110] : memref<40x128xi32, #tpu.memory_space<vmem>> -> memref<1x128xi32, #tpu.memory_space<vmem>>
      %dma_wait3A_112 = tpu.memref_squeeze %dma_wait3A_111 : memref<1x128xi32, #tpu.memory_space<vmem>> -> memref<128xi32, #tpu.memory_space<vmem>>
      %dma_wait3A_113 = arith.constant 0 : i32
      %dma_wait3A_114 = arith.constant 0 : i32
      %dma_wait3A_115 = tpu.memref_slice %arg2[%dma_wait3A_113, %dma_wait3A_114] : memref<10000x128xf32, #tpu.memory_space<hbm>> -> memref<10000x128xf32, #tpu.memory_space<hbm>>
      tpu.wait_indirect_dma semaphore(%arg12 : memref<!tpu.dma_semaphore, #tpu.memory_space<semaphore_mem>>) src(%dma_wait3A_115 : memref<10000x128xf32, #tpu.memory_space<hbm>>) dst(%arg10 : memref<128x128xf32, #tpu.memory_space<vmem>>)
      "tpu.region"() ({
        %run_scoped3A = tpu.sem_alloc : memref<!tpu.dma_semaphore, #tpu.memory_space<semaphore_mem>>
        %dma_start3A_137 = arith.constant 0 : i32
        %dma_start3A_138 = tpu.memref_slice %arg9[%add3A_109, %dma_start3A_137] : memref<40x128xi32, #tpu.memory_space<vmem>> -> memref<1x128xi32, #tpu.memory_space<vmem>>
        %dma_start3A_139 = tpu.memref_squeeze %dma_start3A_138 : memref<1x128xi32, #tpu.memory_space<vmem>> -> memref<128xi32, #tpu.memory_space<vmem>>
        %dma_start3A_140 = arith.constant 0 : i32
        %dma_start3A_141 = arith.constant 0 : i32
        %dma_start3A_142 = tpu.memref_slice %arg7[%dma_start3A_140, %dma_start3A_141] : memref<10112x128xf32, #tpu.memory_space<vmem_shared>> -> memref<10112x128xf32, #tpu.memory_space<vmem_shared>>
        tpu.enqueue_indirect_dma source(%arg10 : memref<128x128xf32, #tpu.memory_space<vmem>>) target(%dma_start3A_142 : memref<10112x128xf32, #tpu.memory_space<vmem_shared>>) offsets(%dma_start3A_139 : memref<128xi32, #tpu.memory_space<vmem>>) semaphore(%run_scoped3A : memref<!tpu.dma_semaphore, #tpu.memory_space<semaphore_mem>>) {add = true}
        %dma_wait3A_143 = arith.constant 0 : i32
        %dma_wait3A_144 = tpu.memref_slice %arg9[%add3A_109, %dma_wait3A_143] : memref<40x128xi32, #tpu.memory_space<vmem>> -> memref<1x128xi32, #tpu.memory_space<vmem>>
        %dma_wait3A_145 = tpu.memref_squeeze %dma_wait3A_144 : memref<1x128xi32, #tpu.memory_space<vmem>> -> memref<128xi32, #tpu.memory_space<vmem>>
        %dma_wait3A_146 = arith.constant 0 : i32
        %dma_wait3A_147 = arith.constant 0 : i32
        %dma_wait3A_148 = tpu.memref_slice %arg7[%dma_wait3A_146, %dma_wait3A_147] : memref<10112x128xf32, #tpu.memory_space<vmem_shared>> -> memref<10112x128xf32, #tpu.memory_space<vmem_shared>>
        tpu.wait_indirect_dma semaphore(%run_scoped3A : memref<!tpu.dma_semaphore, #tpu.memory_space<semaphore_mem>>) src(%arg10 : memref<128x128xf32, #tpu.memory_space<vmem>>) dst(%dma_wait3A_148 : memref<10112x128xf32, #tpu.memory_space<vmem_shared>>)
        tpu.yield
      }) : () -> ()
      %add3A_116 = arith.constant 2 : i32
      %add3A_117 = arith.addi %add3A_109, %add3A_116 : i32
      %lt3A = arith.constant 40 : i32
      %lt3A_118 = arith.cmpi slt, %add3A_117, %lt3A : i32
      %convert_element_type3A = arith.extui %lt3A_118 : i1 to i32
      %cond3A = arith.constant 0 : i32
      %cond3A_119 = arith.cmpi ne, %convert_element_type3A, %cond3A : i32
      scf.if %cond3A_119 {
        %add3A_137 = arith.constant 2 : i32
        %add3A_138 = arith.addi %add3A_109, %add3A_137 : i32
        %dma_start3A_139 = arith.constant 0 : i32
        %dma_start3A_140 = tpu.memref_slice %arg8[%add3A_138, %dma_start3A_139] : memref<40x128xi32, #tpu.memory_space<vmem>> -> memref<1x128xi32, #tpu.memory_space<vmem>>
        %dma_start3A_141 = tpu.memref_squeeze %dma_start3A_140 : memref<1x128xi32, #tpu.memory_space<vmem>> -> memref<128xi32, #tpu.memory_space<vmem>>
        %dma_start3A_142 = arith.constant 0 : i32
        %dma_start3A_143 = arith.constant 0 : i32
        %dma_start3A_144 = tpu.memref_slice %arg2[%dma_start3A_142, %dma_start3A_143] : memref<10000x128xf32, #tpu.memory_space<hbm>> -> memref<10000x128xf32, #tpu.memory_space<hbm>>
        tpu.enqueue_indirect_dma source(%dma_start3A_144 : memref<10000x128xf32, #tpu.memory_space<hbm>>) target(%arg10 : memref<128x128xf32, #tpu.memory_space<vmem>>) offsets(%dma_start3A_141 : memref<128xi32, #tpu.memory_space<vmem>>) semaphore(%arg12 : memref<!tpu.dma_semaphore, #tpu.memory_space<semaphore_mem>>)
      } else {
      }
      %mul3A_120 = arith.constant 2 : i32
      %mul3A_121 = arith.muli %add3A_105, %mul3A_120 : i32
      %add3A_122 = arith.constant 1 : i32
      %add3A_123 = arith.addi %mul3A_121, %add3A_122 : i32
      %dma_wait3A_124 = arith.constant 0 : i32
      %dma_wait3A_125 = tpu.memref_slice %arg8[%add3A_123, %dma_wait3A_124] : memref<40x128xi32, #tpu.memory_space<vmem>> -> memref<1x128xi32, #tpu.memory_space<vmem>>
      %dma_wait3A_126 = tpu.memref_squeeze %dma_wait3A_125 : memref<1x128xi32, #tpu.memory_space<vmem>> -> memref<128xi32, #tpu.memory_space<vmem>>
      %dma_wait3A_127 = arith.constant 0 : i32
      %dma_wait3A_128 = arith.constant 0 : i32
      %dma_wait3A_129 = tpu.memref_slice %arg2[%dma_wait3A_127, %dma_wait3A_128] : memref<10000x128xf32, #tpu.memory_space<hbm>> -> memref<10000x128xf32, #tpu.memory_space<hbm>>
      tpu.wait_indirect_dma semaphore(%arg13 : memref<!tpu.dma_semaphore, #tpu.memory_space<semaphore_mem>>) src(%dma_wait3A_129 : memref<10000x128xf32, #tpu.memory_space<hbm>>) dst(%arg11 : memref<128x128xf32, #tpu.memory_space<vmem>>)
      "tpu.region"() ({
        %run_scoped3A = tpu.sem_alloc : memref<!tpu.dma_semaphore, #tpu.memory_space<semaphore_mem>>
        %dma_start3A_137 = arith.constant 0 : i32
        %dma_start3A_138 = tpu.memref_slice %arg9[%add3A_123, %dma_start3A_137] : memref<40x128xi32, #tpu.memory_space<vmem>> -> memref<1x128xi32, #tpu.memory_space<vmem>>
        %dma_start3A_139 = tpu.memref_squeeze %dma_start3A_138 : memref<1x128xi32, #tpu.memory_space<vmem>> -> memref<128xi32, #tpu.memory_space<vmem>>
        %dma_start3A_140 = arith.constant 0 : i32
        %dma_start3A_141 = arith.constant 0 : i32
        %dma_start3A_142 = tpu.memref_slice %arg7[%dma_start3A_140, %dma_start3A_141] : memref<10112x128xf32, #tpu.memory_space<vmem_shared>> -> memref<10112x128xf32, #tpu.memory_space<vmem_shared>>
        tpu.enqueue_indirect_dma source(%arg11 : memref<128x128xf32, #tpu.memory_space<vmem>>) target(%dma_start3A_142 : memref<10112x128xf32, #tpu.memory_space<vmem_shared>>) offsets(%dma_start3A_139 : memref<128xi32, #tpu.memory_space<vmem>>) semaphore(%run_scoped3A : memref<!tpu.dma_semaphore, #tpu.memory_space<semaphore_mem>>) {add = true}
        %dma_wait3A_143 = arith.constant 0 : i32
        %dma_wait3A_144 = tpu.memref_slice %arg9[%add3A_123, %dma_wait3A_143] : memref<40x128xi32, #tpu.memory_space<vmem>> -> memref<1x128xi32, #tpu.memory_space<vmem>>
        %dma_wait3A_145 = tpu.memref_squeeze %dma_wait3A_144 : memref<1x128xi32, #tpu.memory_space<vmem>> -> memref<128xi32, #tpu.memory_space<vmem>>
        %dma_wait3A_146 = arith.constant 0 : i32
        %dma_wait3A_147 = arith.constant 0 : i32
        %dma_wait3A_148 = tpu.memref_slice %arg7[%dma_wait3A_146, %dma_wait3A_147] : memref<10112x128xf32, #tpu.memory_space<vmem_shared>> -> memref<10112x128xf32, #tpu.memory_space<vmem_shared>>
        tpu.wait_indirect_dma semaphore(%run_scoped3A : memref<!tpu.dma_semaphore, #tpu.memory_space<semaphore_mem>>) src(%arg11 : memref<128x128xf32, #tpu.memory_space<vmem>>) dst(%dma_wait3A_148 : memref<10112x128xf32, #tpu.memory_space<vmem_shared>>)
        tpu.yield
      }) : () -> ()
      %add3A_130 = arith.constant 2 : i32
      %add3A_131 = arith.addi %add3A_123, %add3A_130 : i32
      %lt3A_132 = arith.constant 40 : i32
      %lt3A_133 = arith.cmpi slt, %add3A_131, %lt3A_132 : i32
      %convert_element_type3A_134 = arith.extui %lt3A_133 : i1 to i32
      %cond3A_135 = arith.constant 0 : i32
      %cond3A_136 = arith.cmpi ne, %convert_element_type3A_134, %cond3A_135 : i32
      scf.if %cond3A_136 {
        %add3A_137 = arith.constant 2 : i32
        %add3A_138 = arith.addi %add3A_123, %add3A_137 : i32
        %dma_start3A_139 = arith.constant 0 : i32
        %dma_start3A_140 = tpu.memref_slice %arg8[%add3A_138, %dma_start3A_139] : memref<40x128xi32, #tpu.memory_space<vmem>> -> memref<1x128xi32, #tpu.memory_space<vmem>>
        %dma_start3A_141 = tpu.memref_squeeze %dma_start3A_140 : memref<1x128xi32, #tpu.memory_space<vmem>> -> memref<128xi32, #tpu.memory_space<vmem>>
        %dma_start3A_142 = arith.constant 0 : i32
        %dma_start3A_143 = arith.constant 0 : i32
        %dma_start3A_144 = tpu.memref_slice %arg2[%dma_start3A_142, %dma_start3A_143] : memref<10000x128xf32, #tpu.memory_space<hbm>> -> memref<10000x128xf32, #tpu.memory_space<hbm>>
        tpu.enqueue_indirect_dma source(%dma_start3A_144 : memref<10000x128xf32, #tpu.memory_space<hbm>>) target(%arg11 : memref<128x128xf32, #tpu.memory_space<vmem>>) offsets(%dma_start3A_141 : memref<128xi32, #tpu.memory_space<vmem>>) semaphore(%arg13 : memref<!tpu.dma_semaphore, #tpu.memory_space<semaphore_mem>>)
      } else {
      }
    }
    %scan3A_97 = arith.constant 20 : i32
    "tpu.trace_stop"() : () -> ()
    %barrier3A_98 = arith.constant 0 : index
    tpu.barrier barrier_id(%barrier3A_98)
    "tpu.trace_start"() <{level = 10 : i32, message = "wout"}> : () -> ()
    %mul3A_99 = arith.constant 632 : i32
    %mul3A_100 = arith.muli %arg1, %mul3A_99 : i32
    "tpu.region"() ({
      %run_scoped3A = tpu.sem_alloc : memref<!tpu.dma_semaphore, #tpu.memory_space<semaphore_mem>>
      %dma_start3A_101 = arith.constant 0 : i32
      %dma_start3A_102 = arith.constant 0 : i32
      %dma_start3A_103 = tpu.memref_slice %arg6[%arg0, %dma_start3A_101, %dma_start3A_102] : memref<2x10112x128xf32, #tpu.memory_space<hbm>> -> memref<1x10112x128xf32, #tpu.memory_space<hbm>>
      %dma_start3A_104 = tpu.memref_squeeze %dma_start3A_103 : memref<1x10112x128xf32, #tpu.memory_space<hbm>> -> memref<10112x128xf32, #tpu.memory_space<hbm>>
      %dma_start3A_105 = arith.constant 0 : i32
      %dma_start3A_106 = tpu.memref_slice %dma_start3A_104[%mul3A_100, %dma_start3A_105] : memref<10112x128xf32, #tpu.memory_space<hbm>> -> memref<632x128xf32, #tpu.memory_space<hbm>>
      %dma_start3A_107 = arith.constant 0 : i32
      %dma_start3A_108 = tpu.memref_slice %arg7[%mul3A_100, %dma_start3A_107] : memref<10112x128xf32, #tpu.memory_space<vmem_shared>> -> memref<632x128xf32, #tpu.memory_space<vmem_shared>>
      tpu.enqueue_dma source(%dma_start3A_108 : memref<632x128xf32, #tpu.memory_space<vmem_shared>>) target(%dma_start3A_106 : memref<632x128xf32, #tpu.memory_space<hbm>>) target_semaphore(%run_scoped3A : memref<!tpu.dma_semaphore, #tpu.memory_space<semaphore_mem>>)
      %dma_wait3A_109 = arith.constant 0 : i32
      %dma_wait3A_110 = arith.constant 0 : i32
      %dma_wait3A_111 = tpu.memref_slice %arg6[%arg0, %dma_wait3A_109, %dma_wait3A_110] : memref<2x10112x128xf32, #tpu.memory_space<hbm>> -> memref<1x10112x128xf32, #tpu.memory_space<hbm>>
      %dma_wait3A_112 = tpu.memref_squeeze %dma_wait3A_111 : memref<1x10112x128xf32, #tpu.memory_space<hbm>> -> memref<10112x128xf32, #tpu.memory_space<hbm>>
      %dma_wait3A_113 = arith.constant 0 : i32
      %dma_wait3A_114 = tpu.memref_slice %dma_wait3A_112[%mul3A_100, %dma_wait3A_113] : memref<10112x128xf32, #tpu.memory_space<hbm>> -> memref<632x128xf32, #tpu.memory_space<hbm>>
      %dma_wait3A_115 = arith.constant 0 : i32
      %dma_wait3A_116 = tpu.memref_slice %arg7[%mul3A_100, %dma_wait3A_115] : memref<10112x128xf32, #tpu.memory_space<vmem_shared>> -> memref<632x128xf32, #tpu.memory_space<vmem_shared>>
      tpu.wait_dma2 semaphore(%run_scoped3A : memref<!tpu.dma_semaphore, #tpu.memory_space<semaphore_mem>>) src(%dma_wait3A_116 : memref<632x128xf32, #tpu.memory_space<vmem_shared>>) dst(%dma_wait3A_114 : memref<632x128xf32, #tpu.memory_space<hbm>>)
      tpu.yield
    }) : () -> ()
    "tpu.trace_stop"() : () -> ()
    return
  }
}

#map = affine_map<(d0, d1) -> (0, 0)>
#map1 = affine_map<(d0, d1) -> (0, 0, 0)>
module attributes {stable_mosaic.version = 14 : i64} {
  func.func @k(%arg0: i32, %arg1: i32, %arg2: memref<10000x128xf32, #tpu.memory_space<hbm>>, %arg3: memref<32x80x128xi32, #tpu.memory_space<hbm>>, %arg4: memref<32x80x128xi32, #tpu.memory_space<hbm>>, %arg5: memref<632x128xf32, #tpu.memory_space<hbm>>, %arg6: memref<2x10112x128xf32, #tpu.memory_space<hbm>>, %arg7: memref<10112x128xf32, #tpu.memory_space<vmem_shared>>, %arg8: memref<40x128xi32, #tpu.memory_space<vmem>>, %arg9: memref<40x128xi32, #tpu.memory_space<vmem>>, %arg10: memref<128x128xf32, #tpu.memory_space<vmem>>, %arg11: memref<128x128xf32, #tpu.memory_space<vmem>>, %arg12: memref<!tpu.dma_semaphore, #tpu.memory_space<semaphore_mem>>, %arg13: memref<!tpu.dma_semaphore, #tpu.memory_space<semaphore_mem>>, %arg14: memref<!tpu.dma_semaphore, #tpu.memory_space<semaphore_mem>>, %arg15: memref<!tpu.dma_semaphore, #tpu.memory_space<semaphore_mem>>) attributes {dimension_semantics = [#tpu.dimension_semantics<core_parallel>, #tpu.dimension_semantics<subcore_parallel>], iteration_bounds = array<i64: 2, 16>, scalar_prefetch = 0 : i64, scratch_operands = 9 : i64, tpu.core_type = #tpu.core_type<sc_vector_subcore>, window_params = [{transform_indices = #map}, {transform_indices = #map1}, {transform_indices = #map1}, {transform_indices = #map}, {transform_indices = #map1}]} {
    %mul3A = arith.constant 16 : i32
    %mul3A_0 = arith.muli %arg0, %mul3A : i32
    %add3A = arith.addi %mul3A_0, %arg1 : i32
    "tpu.trace_start"() <{level = 10 : i32, message = "zinit"}> : () -> ()
    %mul3A_1 = arith.constant 632 : i32
    %mul3A_2 = arith.muli %arg1, %mul3A_1 : i32
    %dma_start3A = arith.constant 0 : i32
    %dma_start3A_3 = tpu.memref_slice %arg7[%mul3A_2, %dma_start3A] : memref<10112x128xf32, #tpu.memory_space<vmem_shared>> -> memref<632x128xf32, #tpu.memory_space<vmem_shared>>
    tpu.enqueue_dma source(%arg5 : memref<632x128xf32, #tpu.memory_space<hbm>>) target(%dma_start3A_3 : memref<632x128xf32, #tpu.memory_space<vmem_shared>>) target_semaphore(%arg14 : memref<!tpu.dma_semaphore, #tpu.memory_space<semaphore_mem>>)
    %dma_start3A_4 = arith.constant 0 : i32
    %dma_start3A_5 = arith.constant 0 : i32
    %dma_start3A_6 = tpu.memref_slice %arg3[%add3A, %dma_start3A_4, %dma_start3A_5] : memref<32x80x128xi32, #tpu.memory_space<hbm>> -> memref<1x80x128xi32, #tpu.memory_space<hbm>>
    %dma_start3A_7 = tpu.memref_squeeze %dma_start3A_6 : memref<1x80x128xi32, #tpu.memory_space<hbm>> -> memref<80x128xi32, #tpu.memory_space<hbm>>
    %dma_start3A_8 = arith.constant 0 : i32
    %dma_start3A_9 = arith.constant 0 : i32
    %dma_start3A_10 = tpu.memref_slice %dma_start3A_7[%dma_start3A_8, %dma_start3A_9] : memref<80x128xi32, #tpu.memory_space<hbm>> -> memref<40x128xi32, #tpu.memory_space<hbm>>
    %dma_start3A_11 = arith.constant 0 : i32
    %dma_start3A_12 = arith.constant 0 : i32
    %dma_start3A_13 = tpu.memref_slice %arg3[%add3A, %dma_start3A_11, %dma_start3A_12] : memref<32x80x128xi32, #tpu.memory_space<hbm>> -> memref<1x80x128xi32, #tpu.memory_space<hbm>>
    %dma_start3A_14 = tpu.memref_squeeze %dma_start3A_13 : memref<1x80x128xi32, #tpu.memory_space<hbm>> -> memref<80x128xi32, #tpu.memory_space<hbm>>
    %dma_start3A_15 = arith.constant 0 : i32
    %dma_start3A_16 = arith.constant 0 : i32
    %dma_start3A_17 = tpu.memref_slice %dma_start3A_14[%dma_start3A_15, %dma_start3A_16] : memref<80x128xi32, #tpu.memory_space<hbm>> -> memref<40x128xi32, #tpu.memory_space<hbm>>
    tpu.enqueue_dma source(%dma_start3A_17 : memref<40x128xi32, #tpu.memory_space<hbm>>) target(%arg8 : memref<40x128xi32, #tpu.memory_space<vmem>>) target_semaphore(%arg15 : memref<!tpu.dma_semaphore, #tpu.memory_space<semaphore_mem>>)
    %dma_start3A_18 = arith.constant 0 : i32
    %dma_start3A_19 = arith.constant 0 : i32
    %dma_start3A_20 = tpu.memref_slice %arg4[%add3A, %dma_start3A_18, %dma_start3A_19] : memref<32x80x128xi32, #tpu.memory_space<hbm>> -> memref<1x80x128xi32, #tpu.memory_space<hbm>>
    %dma_start3A_21 = tpu.memref_squeeze %dma_start3A_20 : memref<1x80x128xi32, #tpu.memory_space<hbm>> -> memref<80x128xi32, #tpu.memory_space<hbm>>
    %dma_start3A_22 = arith.constant 0 : i32
    %dma_start3A_23 = arith.constant 0 : i32
    %dma_start3A_24 = tpu.memref_slice %dma_start3A_21[%dma_start3A_22, %dma_start3A_23] : memref<80x128xi32, #tpu.memory_space<hbm>> -> memref<40x128xi32, #tpu.memory_space<hbm>>
    %dma_start3A_25 = arith.constant 0 : i32
    %dma_start3A_26 = arith.constant 0 : i32
    %dma_start3A_27 = tpu.memref_slice %arg4[%add3A, %dma_start3A_25, %dma_start3A_26] : memref<32x80x128xi32, #tpu.memory_space<hbm>> -> memref<1x80x128xi32, #tpu.memory_space<hbm>>
    %dma_start3A_28 = tpu.memref_squeeze %dma_start3A_27 : memref<1x80x128xi32, #tpu.memory_space<hbm>> -> memref<80x128xi32, #tpu.memory_space<hbm>>
    %dma_start3A_29 = arith.constant 0 : i32
    %dma_start3A_30 = arith.constant 0 : i32
    %dma_start3A_31 = tpu.memref_slice %dma_start3A_28[%dma_start3A_29, %dma_start3A_30] : memref<80x128xi32, #tpu.memory_space<hbm>> -> memref<40x128xi32, #tpu.memory_space<hbm>>
    tpu.enqueue_dma source(%dma_start3A_31 : memref<40x128xi32, #tpu.memory_space<hbm>>) target(%arg9 : memref<40x128xi32, #tpu.memory_space<vmem>>) target_semaphore(%arg15 : memref<!tpu.dma_semaphore, #tpu.memory_space<semaphore_mem>>)
    %dma_wait3A = arith.constant 0 : i32
    %dma_wait3A_32 = arith.constant 0 : i32
    %dma_wait3A_33 = tpu.memref_slice %arg4[%add3A, %dma_wait3A, %dma_wait3A_32] : memref<32x80x128xi32, #tpu.memory_space<hbm>> -> memref<1x80x128xi32, #tpu.memory_space<hbm>>
    %dma_wait3A_34 = tpu.memref_squeeze %dma_wait3A_33 : memref<1x80x128xi32, #tpu.memory_space<hbm>> -> memref<80x128xi32, #tpu.memory_space<hbm>>
    %dma_wait3A_35 = arith.constant 0 : i32
    %dma_wait3A_36 = arith.constant 0 : i32
    %dma_wait3A_37 = tpu.memref_slice %dma_wait3A_34[%dma_wait3A_35, %dma_wait3A_36] : memref<80x128xi32, #tpu.memory_space<hbm>> -> memref<40x128xi32, #tpu.memory_space<hbm>>
    %dma_wait3A_38 = arith.constant 0 : i32
    %dma_wait3A_39 = arith.constant 0 : i32
    %dma_wait3A_40 = tpu.memref_slice %arg4[%add3A, %dma_wait3A_38, %dma_wait3A_39] : memref<32x80x128xi32, #tpu.memory_space<hbm>> -> memref<1x80x128xi32, #tpu.memory_space<hbm>>
    %dma_wait3A_41 = tpu.memref_squeeze %dma_wait3A_40 : memref<1x80x128xi32, #tpu.memory_space<hbm>> -> memref<80x128xi32, #tpu.memory_space<hbm>>
    %dma_wait3A_42 = arith.constant 0 : i32
    %dma_wait3A_43 = arith.constant 0 : i32
    %dma_wait3A_44 = tpu.memref_slice %dma_wait3A_41[%dma_wait3A_42, %dma_wait3A_43] : memref<80x128xi32, #tpu.memory_space<hbm>> -> memref<40x128xi32, #tpu.memory_space<hbm>>
    tpu.wait_dma2 semaphore(%arg15 : memref<!tpu.dma_semaphore, #tpu.memory_space<semaphore_mem>>) src(%dma_wait3A_44 : memref<40x128xi32, #tpu.memory_space<hbm>>) dst(%arg9 : memref<40x128xi32, #tpu.memory_space<vmem>>)
    %dma_wait3A_45 = arith.constant 0 : i32
    %dma_wait3A_46 = arith.constant 0 : i32
    %dma_wait3A_47 = tpu.memref_slice %arg3[%add3A, %dma_wait3A_45, %dma_wait3A_46] : memref<32x80x128xi32, #tpu.memory_space<hbm>> -> memref<1x80x128xi32, #tpu.memory_space<hbm>>
    %dma_wait3A_48 = tpu.memref_squeeze %dma_wait3A_47 : memref<1x80x128xi32, #tpu.memory_space<hbm>> -> memref<80x128xi32, #tpu.memory_space<hbm>>
    %dma_wait3A_49 = arith.constant 0 : i32
    %dma_wait3A_50 = arith.constant 0 : i32
    %dma_wait3A_51 = tpu.memref_slice %dma_wait3A_48[%dma_wait3A_49, %dma_wait3A_50] : memref<80x128xi32, #tpu.memory_space<hbm>> -> memref<40x128xi32, #tpu.memory_space<hbm>>
    %dma_wait3A_52 = arith.constant 0 : i32
    %dma_wait3A_53 = arith.constant 0 : i32
    %dma_wait3A_54 = tpu.memref_slice %arg3[%add3A, %dma_wait3A_52, %dma_wait3A_53] : memref<32x80x128xi32, #tpu.memory_space<hbm>> -> memref<1x80x128xi32, #tpu.memory_space<hbm>>
    %dma_wait3A_55 = tpu.memref_squeeze %dma_wait3A_54 : memref<1x80x128xi32, #tpu.memory_space<hbm>> -> memref<80x128xi32, #tpu.memory_space<hbm>>
    %dma_wait3A_56 = arith.constant 0 : i32
    %dma_wait3A_57 = arith.constant 0 : i32
    %dma_wait3A_58 = tpu.memref_slice %dma_wait3A_55[%dma_wait3A_56, %dma_wait3A_57] : memref<80x128xi32, #tpu.memory_space<hbm>> -> memref<40x128xi32, #tpu.memory_space<hbm>>
    tpu.wait_dma2 semaphore(%arg15 : memref<!tpu.dma_semaphore, #tpu.memory_space<semaphore_mem>>) src(%dma_wait3A_58 : memref<40x128xi32, #tpu.memory_space<hbm>>) dst(%arg8 : memref<40x128xi32, #tpu.memory_space<vmem>>)
    %dma_start3A_59 = arith.constant 0 : i32
    %dma_start3A_60 = arith.constant 0 : i32
    %dma_start3A_61 = tpu.memref_slice %arg8[%dma_start3A_59, %dma_start3A_60] : memref<40x128xi32, #tpu.memory_space<vmem>> -> memref<1x128xi32, #tpu.memory_space<vmem>>
    %dma_start3A_62 = tpu.memref_squeeze %dma_start3A_61 : memref<1x128xi32, #tpu.memory_space<vmem>> -> memref<128xi32, #tpu.memory_space<vmem>>
    %dma_start3A_63 = arith.constant 0 : i32
    %dma_start3A_64 = arith.constant 0 : i32
    %dma_start3A_65 = tpu.memref_slice %arg2[%dma_start3A_63, %dma_start3A_64] : memref<10000x128xf32, #tpu.memory_space<hbm>> -> memref<10000x128xf32, #tpu.memory_space<hbm>>
    tpu.enqueue_indirect_dma source(%dma_start3A_65 : memref<10000x128xf32, #tpu.memory_space<hbm>>) target(%arg10 : memref<128x128xf32, #tpu.memory_space<vmem>>) offsets(%dma_start3A_62 : memref<128xi32, #tpu.memory_space<vmem>>) semaphore(%arg12 : memref<!tpu.dma_semaphore, #tpu.memory_space<semaphore_mem>>)
    %dma_start3A_66 = arith.constant 1 : i32
    %dma_start3A_67 = arith.constant 0 : i32
    %dma_start3A_68 = tpu.memref_slice %arg8[%dma_start3A_66, %dma_start3A_67] : memref<40x128xi32, #tpu.memory_space<vmem>> -> memref<1x128xi32, #tpu.memory_space<vmem>>
    %dma_start3A_69 = tpu.memref_squeeze %dma_start3A_68 : memref<1x128xi32, #tpu.memory_space<vmem>> -> memref<128xi32, #tpu.memory_space<vmem>>
    %dma_start3A_70 = arith.constant 0 : i32
    %dma_start3A_71 = arith.constant 0 : i32
    %dma_start3A_72 = tpu.memref_slice %arg2[%dma_start3A_70, %dma_start3A_71] : memref<10000x128xf32, #tpu.memory_space<hbm>> -> memref<10000x128xf32, #tpu.memory_space<hbm>>
    tpu.enqueue_indirect_dma source(%dma_start3A_72 : memref<10000x128xf32, #tpu.memory_space<hbm>>) target(%arg11 : memref<128x128xf32, #tpu.memory_space<vmem>>) offsets(%dma_start3A_69 : memref<128xi32, #tpu.memory_space<vmem>>) semaphore(%arg13 : memref<!tpu.dma_semaphore, #tpu.memory_space<semaphore_mem>>)
    %dma_wait3A_73 = arith.constant 0 : i32
    %dma_wait3A_74 = tpu.memref_slice %arg7[%mul3A_2, %dma_wait3A_73] : memref<10112x128xf32, #tpu.memory_space<vmem_shared>> -> memref<632x128xf32, #tpu.memory_space<vmem_shared>>
    tpu.wait_dma2 semaphore(%arg14 : memref<!tpu.dma_semaphore, #tpu.memory_space<semaphore_mem>>) src(%arg5 : memref<632x128xf32, #tpu.memory_space<hbm>>) dst(%dma_wait3A_74 : memref<632x128xf32, #tpu.memory_space<vmem_shared>>)
    %barrier3A = arith.constant 0 : index
    tpu.barrier barrier_id(%barrier3A)
    "tpu.trace_stop"() : () -> ()
    "tpu.trace_start"() <{level = 10 : i32, message = "gsloop"}> : () -> ()
    %scan3A = arith.constant 0 : i32
    %scan3A_75 = arith.constant 20 : i32
    %scan3A_76 = arith.addi %scan3A, %scan3A_75 : i32
    %scan3A_77 = arith.constant 1 : i32
    scf.for %scan3A_101 = %scan3A to %scan3A_76 step %scan3A_77  : i32 {
      %mul3A_102 = arith.constant 1 : i32
      %mul3A_103 = arith.muli %scan3A_101, %mul3A_102 : i32
      %add3A_104 = arith.constant 0 : i32
      %add3A_105 = arith.addi %add3A_104, %mul3A_103 : i32
      %mul3A_106 = arith.constant 2 : i32
      %mul3A_107 = arith.muli %add3A_105, %mul3A_106 : i32
      %add3A_108 = arith.constant 0 : i32
      %add3A_109 = arith.addi %mul3A_107, %add3A_108 : i32
      %dma_wait3A_110 = arith.constant 0 : i32
      %dma_wait3A_111 = tpu.memref_slice %arg8[%add3A_109, %dma_wait3A_110] : memref<40x128xi32, #tpu.memory_space<vmem>> -> memref<1x128xi32, #tpu.memory_space<vmem>>
      %dma_wait3A_112 = tpu.memref_squeeze %dma_wait3A_111 : memref<1x128xi32, #tpu.memory_space<vmem>> -> memref<128xi32, #tpu.memory_space<vmem>>
      %dma_wait3A_113 = arith.constant 0 : i32
      %dma_wait3A_114 = arith.constant 0 : i32
      %dma_wait3A_115 = tpu.memref_slice %arg2[%dma_wait3A_113, %dma_wait3A_114] : memref<10000x128xf32, #tpu.memory_space<hbm>> -> memref<10000x128xf32, #tpu.memory_space<hbm>>
      tpu.wait_indirect_dma semaphore(%arg12 : memref<!tpu.dma_semaphore, #tpu.memory_space<semaphore_mem>>) src(%dma_wait3A_115 : memref<10000x128xf32, #tpu.memory_space<hbm>>) dst(%arg10 : memref<128x128xf32, #tpu.memory_space<vmem>>)
      "tpu.region"() ({
        %run_scoped3A = tpu.sem_alloc : memref<!tpu.dma_semaphore, #tpu.memory_space<semaphore_mem>>
        %dma_start3A_137 = arith.constant 0 : i32
        %dma_start3A_138 = tpu.memref_slice %arg9[%add3A_109, %dma_start3A_137] : memref<40x128xi32, #tpu.memory_space<vmem>> -> memref<1x128xi32, #tpu.memory_space<vmem>>
        %dma_start3A_139 = tpu.memref_squeeze %dma_start3A_138 : memref<1x128xi32, #tpu.memory_space<vmem>> -> memref<128xi32, #tpu.memory_space<vmem>>
        %dma_start3A_140 = arith.constant 0 : i32
        %dma_start3A_141 = arith.constant 0 : i32
        %dma_start3A_142 = tpu.memref_slice %arg7[%dma_start3A_140, %dma_start3A_141] : memref<10112x128xf32, #tpu.memory_space<vmem_shared>> -> memref<10112x128xf32, #tpu.memory_space<vmem_shared>>
        tpu.enqueue_indirect_dma source(%arg10 : memref<128x128xf32, #tpu.memory_space<vmem>>) target(%dma_start3A_142 : memref<10112x128xf32, #tpu.memory_space<vmem_shared>>) offsets(%dma_start3A_139 : memref<128xi32, #tpu.memory_space<vmem>>) semaphore(%run_scoped3A : memref<!tpu.dma_semaphore, #tpu.memory_space<semaphore_mem>>) {add = true}
        %dma_wait3A_143 = arith.constant 0 : i32
        %dma_wait3A_144 = tpu.memref_slice %arg9[%add3A_109, %dma_wait3A_143] : memref<40x128xi32, #tpu.memory_space<vmem>> -> memref<1x128xi32, #tpu.memory_space<vmem>>
        %dma_wait3A_145 = tpu.memref_squeeze %dma_wait3A_144 : memref<1x128xi32, #tpu.memory_space<vmem>> -> memref<128xi32, #tpu.memory_space<vmem>>
        %dma_wait3A_146 = arith.constant 0 : i32
        %dma_wait3A_147 = arith.constant 0 : i32
        %dma_wait3A_148 = tpu.memref_slice %arg7[%dma_wait3A_146, %dma_wait3A_147] : memref<10112x128xf32, #tpu.memory_space<vmem_shared>> -> memref<10112x128xf32, #tpu.memory_space<vmem_shared>>
        tpu.wait_indirect_dma semaphore(%run_scoped3A : memref<!tpu.dma_semaphore, #tpu.memory_space<semaphore_mem>>) src(%arg10 : memref<128x128xf32, #tpu.memory_space<vmem>>) dst(%dma_wait3A_148 : memref<10112x128xf32, #tpu.memory_space<vmem_shared>>)
        tpu.yield
      }) : () -> ()
      %add3A_116 = arith.constant 2 : i32
      %add3A_117 = arith.addi %add3A_109, %add3A_116 : i32
      %lt3A = arith.constant 40 : i32
      %lt3A_118 = arith.cmpi slt, %add3A_117, %lt3A : i32
      %convert_element_type3A = arith.extui %lt3A_118 : i1 to i32
      %cond3A = arith.constant 0 : i32
      %cond3A_119 = arith.cmpi ne, %convert_element_type3A, %cond3A : i32
      scf.if %cond3A_119 {
        %add3A_137 = arith.constant 2 : i32
        %add3A_138 = arith.addi %add3A_109, %add3A_137 : i32
        %dma_start3A_139 = arith.constant 0 : i32
        %dma_start3A_140 = tpu.memref_slice %arg8[%add3A_138, %dma_start3A_139] : memref<40x128xi32, #tpu.memory_space<vmem>> -> memref<1x128xi32, #tpu.memory_space<vmem>>
        %dma_start3A_141 = tpu.memref_squeeze %dma_start3A_140 : memref<1x128xi32, #tpu.memory_space<vmem>> -> memref<128xi32, #tpu.memory_space<vmem>>
        %dma_start3A_142 = arith.constant 0 : i32
        %dma_start3A_143 = arith.constant 0 : i32
        %dma_start3A_144 = tpu.memref_slice %arg2[%dma_start3A_142, %dma_start3A_143] : memref<10000x128xf32, #tpu.memory_space<hbm>> -> memref<10000x128xf32, #tpu.memory_space<hbm>>
        tpu.enqueue_indirect_dma source(%dma_start3A_144 : memref<10000x128xf32, #tpu.memory_space<hbm>>) target(%arg10 : memref<128x128xf32, #tpu.memory_space<vmem>>) offsets(%dma_start3A_141 : memref<128xi32, #tpu.memory_space<vmem>>) semaphore(%arg12 : memref<!tpu.dma_semaphore, #tpu.memory_space<semaphore_mem>>)
      } else {
      }
      %mul3A_120 = arith.constant 2 : i32
      %mul3A_121 = arith.muli %add3A_105, %mul3A_120 : i32
      %add3A_122 = arith.constant 1 : i32
      %add3A_123 = arith.addi %mul3A_121, %add3A_122 : i32
      %dma_wait3A_124 = arith.constant 0 : i32
      %dma_wait3A_125 = tpu.memref_slice %arg8[%add3A_123, %dma_wait3A_124] : memref<40x128xi32, #tpu.memory_space<vmem>> -> memref<1x128xi32, #tpu.memory_space<vmem>>
      %dma_wait3A_126 = tpu.memref_squeeze %dma_wait3A_125 : memref<1x128xi32, #tpu.memory_space<vmem>> -> memref<128xi32, #tpu.memory_space<vmem>>
      %dma_wait3A_127 = arith.constant 0 : i32
      %dma_wait3A_128 = arith.constant 0 : i32
      %dma_wait3A_129 = tpu.memref_slice %arg2[%dma_wait3A_127, %dma_wait3A_128] : memref<10000x128xf32, #tpu.memory_space<hbm>> -> memref<10000x128xf32, #tpu.memory_space<hbm>>
      tpu.wait_indirect_dma semaphore(%arg13 : memref<!tpu.dma_semaphore, #tpu.memory_space<semaphore_mem>>) src(%dma_wait3A_129 : memref<10000x128xf32, #tpu.memory_space<hbm>>) dst(%arg11 : memref<128x128xf32, #tpu.memory_space<vmem>>)
      "tpu.region"() ({
        %run_scoped3A = tpu.sem_alloc : memref<!tpu.dma_semaphore, #tpu.memory_space<semaphore_mem>>
        %dma_start3A_137 = arith.constant 0 : i32
        %dma_start3A_138 = tpu.memref_slice %arg9[%add3A_123, %dma_start3A_137] : memref<40x128xi32, #tpu.memory_space<vmem>> -> memref<1x128xi32, #tpu.memory_space<vmem>>
        %dma_start3A_139 = tpu.memref_squeeze %dma_start3A_138 : memref<1x128xi32, #tpu.memory_space<vmem>> -> memref<128xi32, #tpu.memory_space<vmem>>
        %dma_start3A_140 = arith.constant 0 : i32
        %dma_start3A_141 = arith.constant 0 : i32
        %dma_start3A_142 = tpu.memref_slice %arg7[%dma_start3A_140, %dma_start3A_141] : memref<10112x128xf32, #tpu.memory_space<vmem_shared>> -> memref<10112x128xf32, #tpu.memory_space<vmem_shared>>
        tpu.enqueue_indirect_dma source(%arg11 : memref<128x128xf32, #tpu.memory_space<vmem>>) target(%dma_start3A_142 : memref<10112x128xf32, #tpu.memory_space<vmem_shared>>) offsets(%dma_start3A_139 : memref<128xi32, #tpu.memory_space<vmem>>) semaphore(%run_scoped3A : memref<!tpu.dma_semaphore, #tpu.memory_space<semaphore_mem>>) {add = true}
        %dma_wait3A_143 = arith.constant 0 : i32
        %dma_wait3A_144 = tpu.memref_slice %arg9[%add3A_123, %dma_wait3A_143] : memref<40x128xi32, #tpu.memory_space<vmem>> -> memref<1x128xi32, #tpu.memory_space<vmem>>
        %dma_wait3A_145 = tpu.memref_squeeze %dma_wait3A_144 : memref<1x128xi32, #tpu.memory_space<vmem>> -> memref<128xi32, #tpu.memory_space<vmem>>
        %dma_wait3A_146 = arith.constant 0 : i32
        %dma_wait3A_147 = arith.constant 0 : i32
        %dma_wait3A_148 = tpu.memref_slice %arg7[%dma_wait3A_146, %dma_wait3A_147] : memref<10112x128xf32, #tpu.memory_space<vmem_shared>> -> memref<10112x128xf32, #tpu.memory_space<vmem_shared>>
        tpu.wait_indirect_dma semaphore(%run_scoped3A : memref<!tpu.dma_semaphore, #tpu.memory_space<semaphore_mem>>) src(%arg11 : memref<128x128xf32, #tpu.memory_space<vmem>>) dst(%dma_wait3A_148 : memref<10112x128xf32, #tpu.memory_space<vmem_shared>>)
        tpu.yield
      }) : () -> ()
      %add3A_130 = arith.constant 2 : i32
      %add3A_131 = arith.addi %add3A_123, %add3A_130 : i32
      %lt3A_132 = arith.constant 40 : i32
      %lt3A_133 = arith.cmpi slt, %add3A_131, %lt3A_132 : i32
      %convert_element_type3A_134 = arith.extui %lt3A_133 : i1 to i32
      %cond3A_135 = arith.constant 0 : i32
      %cond3A_136 = arith.cmpi ne, %convert_element_type3A_134, %cond3A_135 : i32
      scf.if %cond3A_136 {
        %add3A_137 = arith.constant 2 : i32
        %add3A_138 = arith.addi %add3A_123, %add3A_137 : i32
        %dma_start3A_139 = arith.constant 0 : i32
        %dma_start3A_140 = tpu.memref_slice %arg8[%add3A_138, %dma_start3A_139] : memref<40x128xi32, #tpu.memory_space<vmem>> -> memref<1x128xi32, #tpu.memory_space<vmem>>
        %dma_start3A_141 = tpu.memref_squeeze %dma_start3A_140 : memref<1x128xi32, #tpu.memory_space<vmem>> -> memref<128xi32, #tpu.memory_space<vmem>>
        %dma_start3A_142 = arith.constant 0 : i32
        %dma_start3A_143 = arith.constant 0 : i32
        %dma_start3A_144 = tpu.memref_slice %arg2[%dma_start3A_142, %dma_start3A_143] : memref<10000x128xf32, #tpu.memory_space<hbm>> -> memref<10000x128xf32, #tpu.memory_space<hbm>>
        tpu.enqueue_indirect_dma source(%dma_start3A_144 : memref<10000x128xf32, #tpu.memory_space<hbm>>) target(%arg11 : memref<128x128xf32, #tpu.memory_space<vmem>>) offsets(%dma_start3A_141 : memref<128xi32, #tpu.memory_space<vmem>>) semaphore(%arg13 : memref<!tpu.dma_semaphore, #tpu.memory_space<semaphore_mem>>)
      } else {
      }
    }
    %scan3A_78 = arith.constant 20 : i32
    "tpu.trace_stop"() : () -> ()
    "tpu.trace_start"() <{level = 10 : i32, message = "idx"}> : () -> ()
    "tpu.region"() ({
      %run_scoped3A = tpu.sem_alloc : memref<!tpu.dma_semaphore, #tpu.memory_space<semaphore_mem>>
      %dma_start3A_101 = arith.constant 0 : i32
      %dma_start3A_102 = arith.constant 0 : i32
      %dma_start3A_103 = tpu.memref_slice %arg3[%add3A, %dma_start3A_101, %dma_start3A_102] : memref<32x80x128xi32, #tpu.memory_space<hbm>> -> memref<1x80x128xi32, #tpu.memory_space<hbm>>
      %dma_start3A_104 = tpu.memref_squeeze %dma_start3A_103 : memref<1x80x128xi32, #tpu.memory_space<hbm>> -> memref<80x128xi32, #tpu.memory_space<hbm>>
      %dma_start3A_105 = arith.constant 40 : i32
      %dma_start3A_106 = arith.constant 0 : i32
      %dma_start3A_107 = tpu.memref_slice %dma_start3A_104[%dma_start3A_105, %dma_start3A_106] : memref<80x128xi32, #tpu.memory_space<hbm>> -> memref<40x128xi32, #tpu.memory_space<hbm>>
      %dma_start3A_108 = arith.constant 0 : i32
      %dma_start3A_109 = arith.constant 0 : i32
      %dma_start3A_110 = tpu.memref_slice %arg3[%add3A, %dma_start3A_108, %dma_start3A_109] : memref<32x80x128xi32, #tpu.memory_space<hbm>> -> memref<1x80x128xi32, #tpu.memory_space<hbm>>
      %dma_start3A_111 = tpu.memref_squeeze %dma_start3A_110 : memref<1x80x128xi32, #tpu.memory_space<hbm>> -> memref<80x128xi32, #tpu.memory_space<hbm>>
      %dma_start3A_112 = arith.constant 40 : i32
      %dma_start3A_113 = arith.constant 0 : i32
      %dma_start3A_114 = tpu.memref_slice %dma_start3A_111[%dma_start3A_112, %dma_start3A_113] : memref<80x128xi32, #tpu.memory_space<hbm>> -> memref<40x128xi32, #tpu.memory_space<hbm>>
      tpu.enqueue_dma source(%dma_start3A_114 : memref<40x128xi32, #tpu.memory_space<hbm>>) target(%arg8 : memref<40x128xi32, #tpu.memory_space<vmem>>) target_semaphore(%run_scoped3A : memref<!tpu.dma_semaphore, #tpu.memory_space<semaphore_mem>>)
      %dma_wait3A_115 = arith.constant 0 : i32
      %dma_wait3A_116 = arith.constant 0 : i32
      %dma_wait3A_117 = tpu.memref_slice %arg3[%add3A, %dma_wait3A_115, %dma_wait3A_116] : memref<32x80x128xi32, #tpu.memory_space<hbm>> -> memref<1x80x128xi32, #tpu.memory_space<hbm>>
      %dma_wait3A_118 = tpu.memref_squeeze %dma_wait3A_117 : memref<1x80x128xi32, #tpu.memory_space<hbm>> -> memref<80x128xi32, #tpu.memory_space<hbm>>
      %dma_wait3A_119 = arith.constant 40 : i32
      %dma_wait3A_120 = arith.constant 0 : i32
      %dma_wait3A_121 = tpu.memref_slice %dma_wait3A_118[%dma_wait3A_119, %dma_wait3A_120] : memref<80x128xi32, #tpu.memory_space<hbm>> -> memref<40x128xi32, #tpu.memory_space<hbm>>
      %dma_wait3A_122 = arith.constant 0 : i32
      %dma_wait3A_123 = arith.constant 0 : i32
      %dma_wait3A_124 = tpu.memref_slice %arg3[%add3A, %dma_wait3A_122, %dma_wait3A_123] : memref<32x80x128xi32, #tpu.memory_space<hbm>> -> memref<1x80x128xi32, #tpu.memory_space<hbm>>
      %dma_wait3A_125 = tpu.memref_squeeze %dma_wait3A_124 : memref<1x80x128xi32, #tpu.memory_space<hbm>> -> memref<80x128xi32, #tpu.memory_space<hbm>>
      %dma_wait3A_126 = arith.constant 40 : i32
      %dma_wait3A_127 = arith.constant 0 : i32
      %dma_wait3A_128 = tpu.memref_slice %dma_wait3A_125[%dma_wait3A_126, %dma_wait3A_127] : memref<80x128xi32, #tpu.memory_space<hbm>> -> memref<40x128xi32, #tpu.memory_space<hbm>>
      tpu.wait_dma2 semaphore(%run_scoped3A : memref<!tpu.dma_semaphore, #tpu.memory_space<semaphore_mem>>) src(%dma_wait3A_128 : memref<40x128xi32, #tpu.memory_space<hbm>>) dst(%arg8 : memref<40x128xi32, #tpu.memory_space<vmem>>)
      tpu.yield
    }) : () -> ()
    "tpu.region"() ({
      %run_scoped3A = tpu.sem_alloc : memref<!tpu.dma_semaphore, #tpu.memory_space<semaphore_mem>>
      %dma_start3A_101 = arith.constant 0 : i32
      %dma_start3A_102 = arith.constant 0 : i32
      %dma_start3A_103 = tpu.memref_slice %arg4[%add3A, %dma_start3A_101, %dma_start3A_102] : memref<32x80x128xi32, #tpu.memory_space<hbm>> -> memref<1x80x128xi32, #tpu.memory_space<hbm>>
      %dma_start3A_104 = tpu.memref_squeeze %dma_start3A_103 : memref<1x80x128xi32, #tpu.memory_space<hbm>> -> memref<80x128xi32, #tpu.memory_space<hbm>>
      %dma_start3A_105 = arith.constant 40 : i32
      %dma_start3A_106 = arith.constant 0 : i32
      %dma_start3A_107 = tpu.memref_slice %dma_start3A_104[%dma_start3A_105, %dma_start3A_106] : memref<80x128xi32, #tpu.memory_space<hbm>> -> memref<40x128xi32, #tpu.memory_space<hbm>>
      %dma_start3A_108 = arith.constant 0 : i32
      %dma_start3A_109 = arith.constant 0 : i32
      %dma_start3A_110 = tpu.memref_slice %arg4[%add3A, %dma_start3A_108, %dma_start3A_109] : memref<32x80x128xi32, #tpu.memory_space<hbm>> -> memref<1x80x128xi32, #tpu.memory_space<hbm>>
      %dma_start3A_111 = tpu.memref_squeeze %dma_start3A_110 : memref<1x80x128xi32, #tpu.memory_space<hbm>> -> memref<80x128xi32, #tpu.memory_space<hbm>>
      %dma_start3A_112 = arith.constant 40 : i32
      %dma_start3A_113 = arith.constant 0 : i32
      %dma_start3A_114 = tpu.memref_slice %dma_start3A_111[%dma_start3A_112, %dma_start3A_113] : memref<80x128xi32, #tpu.memory_space<hbm>> -> memref<40x128xi32, #tpu.memory_space<hbm>>
      tpu.enqueue_dma source(%dma_start3A_114 : memref<40x128xi32, #tpu.memory_space<hbm>>) target(%arg9 : memref<40x128xi32, #tpu.memory_space<vmem>>) target_semaphore(%run_scoped3A : memref<!tpu.dma_semaphore, #tpu.memory_space<semaphore_mem>>)
      %dma_wait3A_115 = arith.constant 0 : i32
      %dma_wait3A_116 = arith.constant 0 : i32
      %dma_wait3A_117 = tpu.memref_slice %arg4[%add3A, %dma_wait3A_115, %dma_wait3A_116] : memref<32x80x128xi32, #tpu.memory_space<hbm>> -> memref<1x80x128xi32, #tpu.memory_space<hbm>>
      %dma_wait3A_118 = tpu.memref_squeeze %dma_wait3A_117 : memref<1x80x128xi32, #tpu.memory_space<hbm>> -> memref<80x128xi32, #tpu.memory_space<hbm>>
      %dma_wait3A_119 = arith.constant 40 : i32
      %dma_wait3A_120 = arith.constant 0 : i32
      %dma_wait3A_121 = tpu.memref_slice %dma_wait3A_118[%dma_wait3A_119, %dma_wait3A_120] : memref<80x128xi32, #tpu.memory_space<hbm>> -> memref<40x128xi32, #tpu.memory_space<hbm>>
      %dma_wait3A_122 = arith.constant 0 : i32
      %dma_wait3A_123 = arith.constant 0 : i32
      %dma_wait3A_124 = tpu.memref_slice %arg4[%add3A, %dma_wait3A_122, %dma_wait3A_123] : memref<32x80x128xi32, #tpu.memory_space<hbm>> -> memref<1x80x128xi32, #tpu.memory_space<hbm>>
      %dma_wait3A_125 = tpu.memref_squeeze %dma_wait3A_124 : memref<1x80x128xi32, #tpu.memory_space<hbm>> -> memref<80x128xi32, #tpu.memory_space<hbm>>
      %dma_wait3A_126 = arith.constant 40 : i32
      %dma_wait3A_127 = arith.constant 0 : i32
      %dma_wait3A_128 = tpu.memref_slice %dma_wait3A_125[%dma_wait3A_126, %dma_wait3A_127] : memref<80x128xi32, #tpu.memory_space<hbm>> -> memref<40x128xi32, #tpu.memory_space<hbm>>
      tpu.wait_dma2 semaphore(%run_scoped3A : memref<!tpu.dma_semaphore, #tpu.memory_space<semaphore_mem>>) src(%dma_wait3A_128 : memref<40x128xi32, #tpu.memory_space<hbm>>) dst(%arg9 : memref<40x128xi32, #tpu.memory_space<vmem>>)
      tpu.yield
    }) : () -> ()
    %dma_start3A_79 = arith.constant 0 : i32
    "tpu.trace_stop"() : () -> ()
    "tpu.trace_start"() <{level = 10 : i32, message = "gsloop"}> : () -> ()
    %dma_start3A_80 = arith.constant 0 : i32
    %dma_start3A_81 = tpu.memref_slice %arg8[%dma_start3A_79, %dma_start3A_80] : memref<40x128xi32, #tpu.memory_space<vmem>> -> memref<1x128xi32, #tpu.memory_space<vmem>>
    %dma_start3A_82 = tpu.memref_squeeze %dma_start3A_81 : memref<1x128xi32, #tpu.memory_space<vmem>> -> memref<128xi32, #tpu.memory_space<vmem>>
    %dma_start3A_83 = arith.constant 0 : i32
    %dma_start3A_84 = arith.constant 0 : i32
    %dma_start3A_85 = tpu.memref_slice %arg2[%dma_start3A_83, %dma_start3A_84] : memref<10000x128xf32, #tpu.memory_space<hbm>> -> memref<10000x128xf32, #tpu.memory_space<hbm>>
    tpu.enqueue_indirect_dma source(%dma_start3A_85 : memref<10000x128xf32, #tpu.memory_space<hbm>>) target(%arg10 : memref<128x128xf32, #tpu.memory_space<vmem>>) offsets(%dma_start3A_82 : memref<128xi32, #tpu.memory_space<vmem>>) semaphore(%arg12 : memref<!tpu.dma_semaphore, #tpu.memory_space<semaphore_mem>>)
    %dma_start3A_86 = arith.constant 1 : i32
    %dma_start3A_87 = arith.constant 0 : i32
    %dma_start3A_88 = tpu.memref_slice %arg8[%dma_start3A_86, %dma_start3A_87] : memref<40x128xi32, #tpu.memory_space<vmem>> -> memref<1x128xi32, #tpu.memory_space<vmem>>
    %dma_start3A_89 = tpu.memref_squeeze %dma_start3A_88 : memref<1x128xi32, #tpu.memory_space<vmem>> -> memref<128xi32, #tpu.memory_space<vmem>>
    %dma_start3A_90 = arith.constant 0 : i32
    %dma_start3A_91 = arith.constant 0 : i32
    %dma_start3A_92 = tpu.memref_slice %arg2[%dma_start3A_90, %dma_start3A_91] : memref<10000x128xf32, #tpu.memory_space<hbm>> -> memref<10000x128xf32, #tpu.memory_space<hbm>>
    tpu.enqueue_indirect_dma source(%dma_start3A_92 : memref<10000x128xf32, #tpu.memory_space<hbm>>) target(%arg11 : memref<128x128xf32, #tpu.memory_space<vmem>>) offsets(%dma_start3A_89 : memref<128xi32, #tpu.memory_space<vmem>>) semaphore(%arg13 : memref<!tpu.dma_semaphore, #tpu.memory_space<semaphore_mem>>)
    %scan3A_93 = arith.constant 0 : i32
    %scan3A_94 = arith.constant 20 : i32
    %scan3A_95 = arith.addi %scan3A_93, %scan3A_94 : i32
    %scan3A_96 = arith.constant 1 : i32
    scf.for %scan3A_101 = %scan3A_93 to %scan3A_95 step %scan3A_96  : i32 {
      %mul3A_102 = arith.constant 1 : i32
      %mul3A_103 = arith.muli %scan3A_101, %mul3A_102 : i32
      %add3A_104 = arith.constant 0 : i32
      %add3A_105 = arith.addi %add3A_104, %mul3A_103 : i32
      %mul3A_106 = arith.constant 2 : i32
      %mul3A_107 = arith.muli %add3A_105, %mul3A_106 : i32
      %add3A_108 = arith.constant 0 : i32
      %add3A_109 = arith.addi %mul3A_107, %add3A_108 : i32
      %dma_wait3A_110 = arith.constant 0 : i32
      %dma_wait3A_111 = tpu.memref_slice %arg8[%add3A_109, %dma_wait3A_110] : memref<40x128xi32, #tpu.memory_space<vmem>> -> memref<1x128xi32, #tpu.memory_space<vmem>>
      %dma_wait3A_112 = tpu.memref_squeeze %dma_wait3A_111 : memref<1x128xi32, #tpu.memory_space<vmem>> -> memref<128xi32, #tpu.memory_space<vmem>>
      %dma_wait3A_113 = arith.constant 0 : i32
      %dma_wait3A_114 = arith.constant 0 : i32
      %dma_wait3A_115 = tpu.memref_slice %arg2[%dma_wait3A_113, %dma_wait3A_114] : memref<10000x128xf32, #tpu.memory_space<hbm>> -> memref<10000x128xf32, #tpu.memory_space<hbm>>
      tpu.wait_indirect_dma semaphore(%arg12 : memref<!tpu.dma_semaphore, #tpu.memory_space<semaphore_mem>>) src(%dma_wait3A_115 : memref<10000x128xf32, #tpu.memory_space<hbm>>) dst(%arg10 : memref<128x128xf32, #tpu.memory_space<vmem>>)
      "tpu.region"() ({
        %run_scoped3A = tpu.sem_alloc : memref<!tpu.dma_semaphore, #tpu.memory_space<semaphore_mem>>
        %dma_start3A_137 = arith.constant 0 : i32
        %dma_start3A_138 = tpu.memref_slice %arg9[%add3A_109, %dma_start3A_137] : memref<40x128xi32, #tpu.memory_space<vmem>> -> memref<1x128xi32, #tpu.memory_space<vmem>>
        %dma_start3A_139 = tpu.memref_squeeze %dma_start3A_138 : memref<1x128xi32, #tpu.memory_space<vmem>> -> memref<128xi32, #tpu.memory_space<vmem>>
        %dma_start3A_140 = arith.constant 0 : i32
        %dma_start3A_141 = arith.constant 0 : i32
        %dma_start3A_142 = tpu.memref_slice %arg7[%dma_start3A_140, %dma_start3A_141] : memref<10112x128xf32, #tpu.memory_space<vmem_shared>> -> memref<10112x128xf32, #tpu.memory_space<vmem_shared>>
        tpu.enqueue_indirect_dma source(%arg10 : memref<128x128xf32, #tpu.memory_space<vmem>>) target(%dma_start3A_142 : memref<10112x128xf32, #tpu.memory_space<vmem_shared>>) offsets(%dma_start3A_139 : memref<128xi32, #tpu.memory_space<vmem>>) semaphore(%run_scoped3A : memref<!tpu.dma_semaphore, #tpu.memory_space<semaphore_mem>>) {add = true}
        %dma_wait3A_143 = arith.constant 0 : i32
        %dma_wait3A_144 = tpu.memref_slice %arg9[%add3A_109, %dma_wait3A_143] : memref<40x128xi32, #tpu.memory_space<vmem>> -> memref<1x128xi32, #tpu.memory_space<vmem>>
        %dma_wait3A_145 = tpu.memref_squeeze %dma_wait3A_144 : memref<1x128xi32, #tpu.memory_space<vmem>> -> memref<128xi32, #tpu.memory_space<vmem>>
        %dma_wait3A_146 = arith.constant 0 : i32
        %dma_wait3A_147 = arith.constant 0 : i32
        %dma_wait3A_148 = tpu.memref_slice %arg7[%dma_wait3A_146, %dma_wait3A_147] : memref<10112x128xf32, #tpu.memory_space<vmem_shared>> -> memref<10112x128xf32, #tpu.memory_space<vmem_shared>>
        tpu.wait_indirect_dma semaphore(%run_scoped3A : memref<!tpu.dma_semaphore, #tpu.memory_space<semaphore_mem>>) src(%arg10 : memref<128x128xf32, #tpu.memory_space<vmem>>) dst(%dma_wait3A_148 : memref<10112x128xf32, #tpu.memory_space<vmem_shared>>)
        tpu.yield
      }) : () -> ()
      %add3A_116 = arith.constant 2 : i32
      %add3A_117 = arith.addi %add3A_109, %add3A_116 : i32
      %lt3A = arith.constant 40 : i32
      %lt3A_118 = arith.cmpi slt, %add3A_117, %lt3A : i32
      %convert_element_type3A = arith.extui %lt3A_118 : i1 to i32
      %cond3A = arith.constant 0 : i32
      %cond3A_119 = arith.cmpi ne, %convert_element_type3A, %cond3A : i32
      scf.if %cond3A_119 {
        %add3A_137 = arith.constant 2 : i32
        %add3A_138 = arith.addi %add3A_109, %add3A_137 : i32
        %dma_start3A_139 = arith.constant 0 : i32
        %dma_start3A_140 = tpu.memref_slice %arg8[%add3A_138, %dma_start3A_139] : memref<40x128xi32, #tpu.memory_space<vmem>> -> memref<1x128xi32, #tpu.memory_space<vmem>>
        %dma_start3A_141 = tpu.memref_squeeze %dma_start3A_140 : memref<1x128xi32, #tpu.memory_space<vmem>> -> memref<128xi32, #tpu.memory_space<vmem>>
        %dma_start3A_142 = arith.constant 0 : i32
        %dma_start3A_143 = arith.constant 0 : i32
        %dma_start3A_144 = tpu.memref_slice %arg2[%dma_start3A_142, %dma_start3A_143] : memref<10000x128xf32, #tpu.memory_space<hbm>> -> memref<10000x128xf32, #tpu.memory_space<hbm>>
        tpu.enqueue_indirect_dma source(%dma_start3A_144 : memref<10000x128xf32, #tpu.memory_space<hbm>>) target(%arg10 : memref<128x128xf32, #tpu.memory_space<vmem>>) offsets(%dma_start3A_141 : memref<128xi32, #tpu.memory_space<vmem>>) semaphore(%arg12 : memref<!tpu.dma_semaphore, #tpu.memory_space<semaphore_mem>>)
      } else {
      }
      %mul3A_120 = arith.constant 2 : i32
      %mul3A_121 = arith.muli %add3A_105, %mul3A_120 : i32
      %add3A_122 = arith.constant 1 : i32
      %add3A_123 = arith.addi %mul3A_121, %add3A_122 : i32
      %dma_wait3A_124 = arith.constant 0 : i32
      %dma_wait3A_125 = tpu.memref_slice %arg8[%add3A_123, %dma_wait3A_124] : memref<40x128xi32, #tpu.memory_space<vmem>> -> memref<1x128xi32, #tpu.memory_space<vmem>>
      %dma_wait3A_126 = tpu.memref_squeeze %dma_wait3A_125 : memref<1x128xi32, #tpu.memory_space<vmem>> -> memref<128xi32, #tpu.memory_space<vmem>>
      %dma_wait3A_127 = arith.constant 0 : i32
      %dma_wait3A_128 = arith.constant 0 : i32
      %dma_wait3A_129 = tpu.memref_slice %arg2[%dma_wait3A_127, %dma_wait3A_128] : memref<10000x128xf32, #tpu.memory_space<hbm>> -> memref<10000x128xf32, #tpu.memory_space<hbm>>
      tpu.wait_indirect_dma semaphore(%arg13 : memref<!tpu.dma_semaphore, #tpu.memory_space<semaphore_mem>>) src(%dma_wait3A_129 : memref<10000x128xf32, #tpu.memory_space<hbm>>) dst(%arg11 : memref<128x128xf32, #tpu.memory_space<vmem>>)
      "tpu.region"() ({
        %run_scoped3A = tpu.sem_alloc : memref<!tpu.dma_semaphore, #tpu.memory_space<semaphore_mem>>
        %dma_start3A_137 = arith.constant 0 : i32
        %dma_start3A_138 = tpu.memref_slice %arg9[%add3A_123, %dma_start3A_137] : memref<40x128xi32, #tpu.memory_space<vmem>> -> memref<1x128xi32, #tpu.memory_space<vmem>>
        %dma_start3A_139 = tpu.memref_squeeze %dma_start3A_138 : memref<1x128xi32, #tpu.memory_space<vmem>> -> memref<128xi32, #tpu.memory_space<vmem>>
        %dma_start3A_140 = arith.constant 0 : i32
        %dma_start3A_141 = arith.constant 0 : i32
        %dma_start3A_142 = tpu.memref_slice %arg7[%dma_start3A_140, %dma_start3A_141] : memref<10112x128xf32, #tpu.memory_space<vmem_shared>> -> memref<10112x128xf32, #tpu.memory_space<vmem_shared>>
        tpu.enqueue_indirect_dma source(%arg11 : memref<128x128xf32, #tpu.memory_space<vmem>>) target(%dma_start3A_142 : memref<10112x128xf32, #tpu.memory_space<vmem_shared>>) offsets(%dma_start3A_139 : memref<128xi32, #tpu.memory_space<vmem>>) semaphore(%run_scoped3A : memref<!tpu.dma_semaphore, #tpu.memory_space<semaphore_mem>>) {add = true}
        %dma_wait3A_143 = arith.constant 0 : i32
        %dma_wait3A_144 = tpu.memref_slice %arg9[%add3A_123, %dma_wait3A_143] : memref<40x128xi32, #tpu.memory_space<vmem>> -> memref<1x128xi32, #tpu.memory_space<vmem>>
        %dma_wait3A_145 = tpu.memref_squeeze %dma_wait3A_144 : memref<1x128xi32, #tpu.memory_space<vmem>> -> memref<128xi32, #tpu.memory_space<vmem>>
        %dma_wait3A_146 = arith.constant 0 : i32
        %dma_wait3A_147 = arith.constant 0 : i32
        %dma_wait3A_148 = tpu.memref_slice %arg7[%dma_wait3A_146, %dma_wait3A_147] : memref<10112x128xf32, #tpu.memory_space<vmem_shared>> -> memref<10112x128xf32, #tpu.memory_space<vmem_shared>>
        tpu.wait_indirect_dma semaphore(%run_scoped3A : memref<!tpu.dma_semaphore, #tpu.memory_space<semaphore_mem>>) src(%arg11 : memref<128x128xf32, #tpu.memory_space<vmem>>) dst(%dma_wait3A_148 : memref<10112x128xf32, #tpu.memory_space<vmem_shared>>)
        tpu.yield
      }) : () -> ()
      %add3A_130 = arith.constant 2 : i32
      %add3A_131 = arith.addi %add3A_123, %add3A_130 : i32
      %lt3A_132 = arith.constant 40 : i32
      %lt3A_133 = arith.cmpi slt, %add3A_131, %lt3A_132 : i32
      %convert_element_type3A_134 = arith.extui %lt3A_133 : i1 to i32
      %cond3A_135 = arith.constant 0 : i32
      %cond3A_136 = arith.cmpi ne, %convert_element_type3A_134, %cond3A_135 : i32
      scf.if %cond3A_136 {
        %add3A_137 = arith.constant 2 : i32
        %add3A_138 = arith.addi %add3A_123, %add3A_137 : i32
        %dma_start3A_139 = arith.constant 0 : i32
        %dma_start3A_140 = tpu.memref_slice %arg8[%add3A_138, %dma_start3A_139] : memref<40x128xi32, #tpu.memory_space<vmem>> -> memref<1x128xi32, #tpu.memory_space<vmem>>
        %dma_start3A_141 = tpu.memref_squeeze %dma_start3A_140 : memref<1x128xi32, #tpu.memory_space<vmem>> -> memref<128xi32, #tpu.memory_space<vmem>>
        %dma_start3A_142 = arith.constant 0 : i32
        %dma_start3A_143 = arith.constant 0 : i32
        %dma_start3A_144 = tpu.memref_slice %arg2[%dma_start3A_142, %dma_start3A_143] : memref<10000x128xf32, #tpu.memory_space<hbm>> -> memref<10000x128xf32, #tpu.memory_space<hbm>>
        tpu.enqueue_indirect_dma source(%dma_start3A_144 : memref<10000x128xf32, #tpu.memory_space<hbm>>) target(%arg11 : memref<128x128xf32, #tpu.memory_space<vmem>>) offsets(%dma_start3A_141 : memref<128xi32, #tpu.memory_space<vmem>>) semaphore(%arg13 : memref<!tpu.dma_semaphore, #tpu.memory_space<semaphore_mem>>)
      } else {
      }
    }
    %scan3A_97 = arith.constant 20 : i32
    "tpu.trace_stop"() : () -> ()
    %barrier3A_98 = arith.constant 0 : index
    tpu.barrier barrier_id(%barrier3A_98)
    "tpu.trace_start"() <{level = 10 : i32, message = "wout"}> : () -> ()
    %mul3A_99 = arith.constant 632 : i32
    %mul3A_100 = arith.muli %arg1, %mul3A_99 : i32
    "tpu.region"() ({
      %run_scoped3A = tpu.sem_alloc : memref<!tpu.dma_semaphore, #tpu.memory_space<semaphore_mem>>
      %dma_start3A_101 = arith.constant 0 : i32
      %dma_start3A_102 = arith.constant 0 : i32
      %dma_start3A_103 = tpu.memref_slice %arg6[%arg0, %dma_start3A_101, %dma_start3A_102] : memref<2x10112x128xf32, #tpu.memory_space<hbm>> -> memref<1x10112x128xf32, #tpu.memory_space<hbm>>
      %dma_start3A_104 = tpu.memref_squeeze %dma_start3A_103 : memref<1x10112x128xf32, #tpu.memory_space<hbm>> -> memref<10112x128xf32, #tpu.memory_space<hbm>>
      %dma_start3A_105 = arith.constant 0 : i32
      %dma_start3A_106 = tpu.memref_slice %dma_start3A_104[%mul3A_100, %dma_start3A_105] : memref<10112x128xf32, #tpu.memory_space<hbm>> -> memref<632x128xf32, #tpu.memory_space<hbm>>
      %dma_start3A_107 = arith.constant 0 : i32
      %dma_start3A_108 = tpu.memref_slice %arg7[%mul3A_100, %dma_start3A_107] : memref<10112x128xf32, #tpu.memory_space<vmem_shared>> -> memref<632x128xf32, #tpu.memory_space<vmem_shared>>
      tpu.enqueue_dma source(%dma_start3A_108 : memref<632x128xf32, #tpu.memory_space<vmem_shared>>) target(%dma_start3A_106 : memref<632x128xf32, #tpu.memory_space<hbm>>) target_semaphore(%run_scoped3A : memref<!tpu.dma_semaphore, #tpu.memory_space<semaphore_mem>>)
      %dma_wait3A_109 = arith.constant 0 : i32
      %dma_wait3A_110 = arith.constant 0 : i32
      %dma_wait3A_111 = tpu.memref_slice %arg6[%arg0, %dma_wait3A_109, %dma_wait3A_110] : memref<2x10112x128xf32, #tpu.memory_space<hbm>> -> memref<1x10112x128xf32, #tpu.memory_space<hbm>>
      %dma_wait3A_112 = tpu.memref_squeeze %dma_wait3A_111 : memref<1x10112x128xf32, #tpu.memory_space<hbm>> -> memref<10112x128xf32, #tpu.memory_space<hbm>>
      %dma_wait3A_113 = arith.constant 0 : i32
      %dma_wait3A_114 = tpu.memref_slice %dma_wait3A_112[%mul3A_100, %dma_wait3A_113] : memref<10112x128xf32, #tpu.memory_space<hbm>> -> memref<632x128xf32, #tpu.memory_space<hbm>>
      %dma_wait3A_115 = arith.constant 0 : i32
      %dma_wait3A_116 = tpu.memref_slice %arg7[%mul3A_100, %dma_wait3A_115] : memref<10112x128xf32, #tpu.memory_space<vmem_shared>> -> memref<632x128xf32, #tpu.memory_space<vmem_shared>>
      tpu.wait_dma2 semaphore(%run_scoped3A : memref<!tpu.dma_semaphore, #tpu.memory_space<semaphore_mem>>) src(%dma_wait3A_116 : memref<632x128xf32, #tpu.memory_space<vmem_shared>>) dst(%dma_wait3A_114 : memref<632x128xf32, #tpu.memory_space<hbm>>)
      tpu.yield
    }) : () -> ()
    "tpu.trace_stop"() : () -> ()
    return
  }
}

module attributes {stable_mosaic.version = 14 : i64} {
  func.func @body(%arg0: memref<2500x128xi32, #tpu.memory_space<vmem>>, %arg1: memref<2500x128xi32, #tpu.memory_space<vmem>>, %arg2: memref<2560x128xi32, #tpu.memory_space<vmem>>, %arg3: memref<2560x128xi32, #tpu.memory_space<vmem>>) attributes {dimension_semantics = [], scalar_prefetch = 0 : i64, scratch_operands = 0 : i64, tpu.core_type = #tpu.core_type<tc>} {
    %get3A = arith.constant 0 : index
    %get3A_0 = arith.constant 0 : index
    %get3A_1 = vector.load %arg0[%get3A, %get3A_0] : memref<2500x128xi32, #tpu.memory_space<vmem>>, vector<2500x128xi32>
    %swap3A = arith.constant 0 : index
    %swap3A_2 = arith.constant 0 : index
    %swap3A_3 = vector.load %arg2[%swap3A, %swap3A_2] : memref<2560x128xi32, #tpu.memory_space<vmem>>, vector<2500x128xi32>
    tpu.vector_store %arg2[%swap3A, %swap3A_2], %get3A_1 {strides = array<i32>} : memref<2560x128xi32, #tpu.memory_space<vmem>>, vector<2500x128xi32>,
    %get3A_4 = arith.constant 0 : index
    %get3A_5 = arith.constant 0 : index
    %get3A_6 = vector.load %arg1[%get3A_4, %get3A_5] : memref<2500x128xi32, #tpu.memory_space<vmem>>, vector<2500x128xi32>
    %swap3A_7 = arith.constant 0 : index
    %swap3A_8 = arith.constant 0 : index
    %swap3A_9 = vector.load %arg3[%swap3A_7, %swap3A_8] : memref<2560x128xi32, #tpu.memory_space<vmem>>, vector<2500x128xi32>
    tpu.vector_store %arg3[%swap3A_7, %swap3A_8], %get3A_6 {strides = array<i32>} : memref<2560x128xi32, #tpu.memory_space<vmem>>, vector<2500x128xi32>,
    %iota3A = tpu.iota {dimensions = array<i32: 0>} : vector<60x128xi32>
    %iota3A_10 = tpu.iota {dimensions = array<i32: 1>} : vector<60x128xi32>
    %mul3A = arith.constant 128 : i32
    %mul3A_11 = vector.broadcast %mul3A : i32 to vector<60x128xi32>
    %mul3A_12 = arith.muli %iota3A, %mul3A_11 : vector<60x128xi32>
    %add3A = arith.addi %mul3A_12, %iota3A_10 : vector<60x128xi32>
    %jit3A = arith.constant 10000 : i32
    %eq3A = arith.constant 0 : i32
    %eq3A_13 = arith.cmpi eq, %jit3A, %eq3A : i32
    %jit3A_14 = arith.constant 1 : i32
    %select_n3A = arith.select %eq3A_13, %jit3A_14, %jit3A : i32
    %rem3A = vector.broadcast %select_n3A : i32 to vector<60x128xi32>
    %rem3A_15 = arith.remsi %add3A, %rem3A : vector<60x128xi32>
    %ne3A = arith.constant 0 : i32
    %ne3A_16 = vector.broadcast %ne3A : i32 to vector<60x128xi32>
    %ne3A_17 = arith.cmpi ne, %rem3A_15, %ne3A_16 : vector<60x128xi32>
    %lt3A = arith.constant 0 : i32
    %lt3A_18 = vector.broadcast %lt3A : i32 to vector<60x128xi32>
    %lt3A_19 = arith.cmpi slt, %rem3A_15, %lt3A_18 : vector<60x128xi32>
    %lt3A_20 = arith.constant 0 : i32
    %lt3A_21 = arith.cmpi slt, %select_n3A, %lt3A_20 : i32
    %ne3A_22 = vector.broadcast %lt3A_21 : i1 to vector<60x128xi1>
    %ne3A_23 = vector.broadcast %ne3A_22 : vector<60x128xi1> to vector<60x128xi1>
    %ne3A_24 = arith.xori %lt3A_19, %ne3A_23 : vector<60x128xi1>
    %and3A = arith.andi %ne3A_24, %ne3A_17 : vector<60x128xi1>
    %add3A_25 = vector.broadcast %select_n3A : i32 to vector<60x128xi32>
    %add3A_26 = arith.addi %rem3A_15, %add3A_25 : vector<60x128xi32>
    %select_n3A_27 = arith.select %and3A, %add3A_26, %rem3A_15 : vector<60x128xi1>, vector<60x128xi32>
    %swap3A_28 = arith.constant 2500 : index
    %swap3A_29 = arith.constant 0 : index
    %swap3A_30 = vector.load %arg2[%swap3A_28, %swap3A_29] : memref<2560x128xi32, #tpu.memory_space<vmem>>, vector<60x128xi32>
    tpu.vector_store %arg2[%swap3A_28, %swap3A_29], %select_n3A_27 {strides = array<i32>} : memref<2560x128xi32, #tpu.memory_space<vmem>>, vector<60x128xi32>,
    %jit3A_31 = arith.constant 112 : i32
    %eq3A_32 = arith.constant 0 : i32
    %eq3A_33 = arith.cmpi eq, %jit3A_31, %eq3A_32 : i32
    %jit3A_34 = arith.constant 1 : i32
    %select_n3A_35 = arith.select %eq3A_33, %jit3A_34, %jit3A_31 : i32
    %rem3A_36 = vector.broadcast %select_n3A_35 : i32 to vector<60x128xi32>
    %rem3A_37 = arith.remsi %add3A, %rem3A_36 : vector<60x128xi32>
    %ne3A_38 = arith.constant 0 : i32
    %ne3A_39 = vector.broadcast %ne3A_38 : i32 to vector<60x128xi32>
    %ne3A_40 = arith.cmpi ne, %rem3A_37, %ne3A_39 : vector<60x128xi32>
    %lt3A_41 = arith.constant 0 : i32
    %lt3A_42 = vector.broadcast %lt3A_41 : i32 to vector<60x128xi32>
    %lt3A_43 = arith.cmpi slt, %rem3A_37, %lt3A_42 : vector<60x128xi32>
    %lt3A_44 = arith.constant 0 : i32
    %lt3A_45 = arith.cmpi slt, %select_n3A_35, %lt3A_44 : i32
    %ne3A_46 = vector.broadcast %lt3A_45 : i1 to vector<60x128xi1>
    %ne3A_47 = vector.broadcast %ne3A_46 : vector<60x128xi1> to vector<60x128xi1>
    %ne3A_48 = arith.xori %lt3A_43, %ne3A_47 : vector<60x128xi1>
    %and3A_49 = arith.andi %ne3A_48, %ne3A_40 : vector<60x128xi1>
    %add3A_50 = vector.broadcast %select_n3A_35 : i32 to vector<60x128xi32>
    %add3A_51 = arith.addi %rem3A_37, %add3A_50 : vector<60x128xi32>
    %select_n3A_52 = arith.select %and3A_49, %add3A_51, %rem3A_37 : vector<60x128xi1>, vector<60x128xi32>
    %add3A_53 = arith.constant 10000 : i32
    %add3A_54 = vector.broadcast %add3A_53 : i32 to vector<60x128xi32>
    %add3A_55 = arith.addi %add3A_54, %select_n3A_52 : vector<60x128xi32>
    %swap3A_56 = arith.constant 2500 : index
    %swap3A_57 = arith.constant 0 : index
    %swap3A_58 = vector.load %arg3[%swap3A_56, %swap3A_57] : memref<2560x128xi32, #tpu.memory_space<vmem>>, vector<60x128xi32>
    tpu.vector_store %arg3[%swap3A_56, %swap3A_57], %add3A_55 {strides = array<i32>} : memref<2560x128xi32, #tpu.memory_space<vmem>>, vector<60x128xi32>,
    return
  }
}

module attributes {stable_mosaic.version = 14 : i64} {
  func.func @body(%arg0: i32, %arg1: memref<1x1xf32, #tpu.memory_space<smem>>, %arg2: memref<2000x128xf32, #tpu.memory_space<vmem>>, %arg3: memref<2x2000x128xf32, #tpu.memory_space<vmem>>, %arg4: memref<128x128xf32, #tpu.memory_space<vmem>>, %arg5: memref<1x128xf32, #tpu.memory_space<vmem>>, %arg6: memref<128x128xf32, #tpu.memory_space<vmem>>, %arg7: memref<1x128xf32, #tpu.memory_space<vmem>>, %arg8: memref<2000x128xf32, #tpu.memory_space<vmem>>) attributes {dimension_semantics = [#tpu.dimension_semantics<arbitrary>], iteration_bounds = array<i64: 5>, scalar_prefetch = 0 : i64, scratch_operands = 0 : i64, tpu.core_type = #tpu.core_type<tc>, window_params = [{transform_indices = @transform_0, window_bounds = array<i64: 1, 1>}, {transform_indices = @transform_1, window_bounds = array<i64: 2000, 128>}, {transform_indices = @transform_2, window_bounds = array<i64: 2, 2000, 128>}, {pipeline_mode = #tpu.pipeline_mode<synchronous>, transform_indices = @transform_3, window_bounds = array<i64: 128, 128>}, {pipeline_mode = #tpu.pipeline_mode<synchronous>, transform_indices = @transform_4, window_bounds = array<i64: 1, 128>}, {pipeline_mode = #tpu.pipeline_mode<synchronous>, transform_indices = @transform_5, window_bounds = array<i64: 128, 128>}, {pipeline_mode = #tpu.pipeline_mode<synchronous>, transform_indices = @transform_6, window_bounds = array<i64: 1, 128>}, {transform_indices = @transform_7, window_bounds = array<i64: 2000, 128>}]} {
    %get3A = arith.constant 0 : index
    %get3A_0 = arith.constant 0 : index
    %get3A_1 = memref.load %arg1[%get3A, %get3A_0] : memref<1x1xf32, #tpu.memory_space<smem>>
    %add3A = arith.constant 1.000000e+00 : f32
    %add3A_2 = arith.addf %add3A, %get3A_1 : f32
    %get3A_3 = arith.constant 0 : index
    %get3A_4 = arith.constant 0 : index
    %get3A_5 = vector.load %arg2[%get3A_3, %get3A_4] : memref<2000x128xf32, #tpu.memory_space<vmem>>, vector<2000x128xf32>
    %mul3A = vector.broadcast %add3A_2 : f32 to vector<2000x128xf32>
    %mul3A_6 = arith.mulf %mul3A, %get3A_5 : vector<2000x128xf32>
    %get3A_7 = arith.constant 0 : index
    %get3A_8 = arith.constant 0 : index
    %get3A_9 = arith.constant 0 : index
    %get3A_10 = vector.load %arg3[%get3A_7, %get3A_8, %get3A_9] : memref<2x2000x128xf32, #tpu.memory_space<vmem>>, vector<1x2000x128xf32>
    %get3A_11 = vector.shape_cast %get3A_10 : vector<1x2000x128xf32> to vector<2000x128xf32>
    %add3A_12 = arith.addf %mul3A_6, %get3A_11 : vector<2000x128xf32>
    %get3A_13 = arith.constant 1 : index
    %get3A_14 = arith.constant 0 : index
    %get3A_15 = arith.constant 0 : index
    %get3A_16 = vector.load %arg3[%get3A_13, %get3A_14, %get3A_15] : memref<2x2000x128xf32, #tpu.memory_space<vmem>>, vector<1x2000x128xf32>
    %get3A_17 = vector.shape_cast %get3A_16 : vector<1x2000x128xf32> to vector<2000x128xf32>
    %add3A_18 = arith.addf %add3A_12, %get3A_17 : vector<2000x128xf32>
    %get3A_19 = arith.constant 0 : index
    %get3A_20 = arith.constant 0 : index
    %get3A_21 = vector.load %arg4[%get3A_19, %get3A_20] : memref<128x128xf32, #tpu.memory_space<vmem>>, vector<128x128xf32>
    %dot_general3A = arith.constant dense<0.000000e+00> : vector<2000x128xf32>
    %dot_general3A_22 = tpu.matmul %add3A_18, %get3A_21, %dot_general3A {dimension_numbers = #tpu.dot_dimension_numbers<[1], [0], [0], [1], [0, 0, 1, 1], [], []>, transpose_lhs_hint = false} : vector<2000x128xf32>, vector<128x128xf32>, vector<2000x128xf32> -> vector<2000x128xf32>
    %get3A_23 = arith.constant 0 : index
    %get3A_24 = arith.constant 0 : index
    %get3A_25 = vector.load %arg5[%get3A_23, %get3A_24] : memref<1x128xf32, #tpu.memory_space<vmem>>, vector<1x128xf32>
    %add3A_26 = vector.broadcast %get3A_25 : vector<1x128xf32> to vector<2000x128xf32>
    %add3A_27 = arith.addf %dot_general3A_22, %add3A_26 : vector<2000x128xf32>
    %max3A = arith.constant 0.000000e+00 : f32
    %max3A_28 = vector.broadcast %max3A : f32 to vector<2000x128xf32>
    %max3A_29 = arith.maximumf %add3A_27, %max3A_28 : vector<2000x128xf32>
    %get3A_30 = arith.constant 0 : index
    %get3A_31 = arith.constant 0 : index
    %get3A_32 = vector.load %arg6[%get3A_30, %get3A_31] : memref<128x128xf32, #tpu.memory_space<vmem>>, vector<128x128xf32>
    %dot_general3A_33 = arith.constant dense<0.000000e+00> : vector<2000x128xf32>
    %dot_general3A_34 = tpu.matmul %max3A_29, %get3A_32, %dot_general3A_33 {dimension_numbers = #tpu.dot_dimension_numbers<[1], [0], [0], [1], [0, 0, 1, 1], [], []>, transpose_lhs_hint = false} : vector<2000x128xf32>, vector<128x128xf32>, vector<2000x128xf32> -> vector<2000x128xf32>
    %get3A_35 = arith.constant 0 : index
    %get3A_36 = arith.constant 0 : index
    %get3A_37 = vector.load %arg7[%get3A_35, %get3A_36] : memref<1x128xf32, #tpu.memory_space<vmem>>, vector<1x128xf32>
    %add3A_38 = vector.broadcast %get3A_37 : vector<1x128xf32> to vector<2000x128xf32>
    %add3A_39 = arith.addf %dot_general3A_34, %add3A_38 : vector<2000x128xf32>
    %max3A_40 = arith.constant 0.000000e+00 : f32
    %max3A_41 = vector.broadcast %max3A_40 : f32 to vector<2000x128xf32>
    %max3A_42 = arith.maximumf %add3A_39, %max3A_41 : vector<2000x128xf32>
    %swap3A = arith.constant 0 : index
    %swap3A_43 = arith.constant 0 : index
    %swap3A_44 = vector.load %arg8[%swap3A, %swap3A_43] : memref<2000x128xf32, #tpu.memory_space<vmem>>, vector<2000x128xf32>
    tpu.vector_store %arg8[%swap3A, %swap3A_43], %max3A_42 {strides = array<i32>} : memref<2000x128xf32, #tpu.memory_space<vmem>>, vector<2000x128xf32>,
    return
  }
  func.func @transform_0(%arg0: i32) -> (i32, i32) {
    %c0_i32 = arith.constant 0 : i32
    %c0_i32_0 = arith.constant 0 : i32
    %c0_i32_1 = arith.constant 0 : i32
    return %c0_i32, %c0_i32_0 : i32, i32
  }
  func.func @transform_1(%arg0: i32) -> (i32, i32) {
    %c0_i32 = arith.constant 0 : i32
    %c0_i32_0 = arith.constant 0 : i32
    return %arg0, %c0_i32 : i32, i32
  }
  func.func @transform_2(%arg0: i32) -> (i32, i32, i32) {
    %c0_i32 = arith.constant 0 : i32
    %c0_i32_0 = arith.constant 0 : i32
    %c0_i32_1 = arith.constant 0 : i32
    return %c0_i32, %arg0, %c0_i32_0 : i32, i32, i32
  }
  func.func @transform_3(%arg0: i32) -> (i32, i32) {
    %c0_i32 = arith.constant 0 : i32
    %c0_i32_0 = arith.constant 0 : i32
    %c0_i32_1 = arith.constant 0 : i32
    return %c0_i32, %c0_i32_0 : i32, i32
  }
  func.func @transform_4(%arg0: i32) -> (i32, i32) {
    %c0_i32 = arith.constant 0 : i32
    %c0_i32_0 = arith.constant 0 : i32
    %c0_i32_1 = arith.constant 0 : i32
    return %c0_i32, %c0_i32_0 : i32, i32
  }
  func.func @transform_5(%arg0: i32) -> (i32, i32) {
    %c0_i32 = arith.constant 0 : i32
    %c0_i32_0 = arith.constant 0 : i32
    %c0_i32_1 = arith.constant 0 : i32
    return %c0_i32, %c0_i32_0 : i32, i32
  }
  func.func @transform_6(%arg0: i32) -> (i32, i32) {
    %c0_i32 = arith.constant 0 : i32
    %c0_i32_0 = arith.constant 0 : i32
    %c0_i32_1 = arith.constant 0 : i32
    return %c0_i32, %c0_i32_0 : i32, i32
  }
  func.func @transform_7(%arg0: i32) -> (i32, i32) {
    %c0_i32 = arith.constant 0 : i32
    %c0_i32_0 = arith.constant 0 : i32
    return %arg0, %c0_i32 : i32, i32
  }
}

module attributes {stable_mosaic.version = 14 : i64} {
  func.func @body(%arg0: i32, %arg1: memref<1x1xf32, #tpu.memory_space<smem>>, %arg2: memref<2000x128xf32, #tpu.memory_space<vmem>>, %arg3: memref<2x2000x128xf32, #tpu.memory_space<vmem>>, %arg4: memref<128x128xf32, #tpu.memory_space<vmem>>, %arg5: memref<1x128xf32, #tpu.memory_space<vmem>>, %arg6: memref<1x128xf32, #tpu.memory_space<vmem>>, %arg7: memref<1x128xf32, #tpu.memory_space<vmem>>, %arg8: memref<128x128xf32, #tpu.memory_space<vmem>>, %arg9: memref<1x128xf32, #tpu.memory_space<vmem>>, %arg10: memref<1x128xf32, #tpu.memory_space<vmem>>, %arg11: memref<1x128xf32, #tpu.memory_space<vmem>>, %arg12: memref<2000x128xf32, #tpu.memory_space<vmem>>, %arg13: memref<10000x128xf32, #tpu.memory_space<vmem>>, %arg14: memref<10000x128xf32, #tpu.memory_space<vmem>>, %arg15: memref<8x128xf32, #tpu.memory_space<vmem>>, %arg16: memref<8x128xf32, #tpu.memory_space<vmem>>) attributes {dimension_semantics = [#tpu.dimension_semantics<arbitrary>], iteration_bounds = array<i64: 15>, scalar_prefetch = 0 : i64, scratch_operands = 4 : i64, tpu.core_type = #tpu.core_type<tc>, window_params = [{transform_indices = @transform_0, window_bounds = array<i64: 1, 1>}, {transform_indices = @transform_1, window_bounds = array<i64: 2000, 128>}, {transform_indices = @transform_2, window_bounds = array<i64: 2, 2000, 128>}, {pipeline_mode = #tpu.pipeline_mode<synchronous>, transform_indices = @transform_3, window_bounds = array<i64: 128, 128>}, {pipeline_mode = #tpu.pipeline_mode<synchronous>, transform_indices = @transform_4, window_bounds = array<i64: 1, 128>}, {pipeline_mode = #tpu.pipeline_mode<synchronous>, transform_indices = @transform_5, window_bounds = array<i64: 1, 128>}, {pipeline_mode = #tpu.pipeline_mode<synchronous>, transform_indices = @transform_6, window_bounds = array<i64: 1, 128>}, {pipeline_mode = #tpu.pipeline_mode<synchronous>, transform_indices = @transform_7, window_bounds = array<i64: 128, 128>}, {pipeline_mode = #tpu.pipeline_mode<synchronous>, transform_indices = @transform_8, window_bounds = array<i64: 1, 128>}, {pipeline_mode = #tpu.pipeline_mode<synchronous>, transform_indices = @transform_9, window_bounds = array<i64: 1, 128>}, {pipeline_mode = #tpu.pipeline_mode<synchronous>, transform_indices = @transform_10, window_bounds = array<i64: 1, 128>}, {transform_indices = @transform_11, window_bounds = array<i64: 2000, 128>}]} {
    %lt3A = arith.constant 5 : i32
    %lt3A_0 = arith.cmpi slt, %arg0, %lt3A : i32
    %convert_element_type3A = arith.extui %lt3A_0 : i1 to i32
    %cond3A = arith.constant 0 : i32
    %cond3A_1 = arith.cmpi ne, %convert_element_type3A, %cond3A : i32
    scf.if %cond3A_1 {
      %get3A = arith.constant 0 : index
      %get3A_13 = arith.constant 0 : index
      %get3A_14 = memref.load %arg1[%get3A, %get3A_13] : memref<1x1xf32, #tpu.memory_space<smem>>
      %add3A = arith.constant 1.000000e+00 : f32
      %add3A_15 = arith.addf %add3A, %get3A_14 : f32
      %get3A_16 = arith.constant 0 : index
      %get3A_17 = arith.constant 0 : index
      %get3A_18 = vector.load %arg2[%get3A_16, %get3A_17] : memref<2000x128xf32, #tpu.memory_space<vmem>>, vector<2000x128xf32>
      %mul3A = vector.broadcast %add3A_15 : f32 to vector<2000x128xf32>
      %mul3A_19 = arith.mulf %mul3A, %get3A_18 : vector<2000x128xf32>
      %get3A_20 = arith.constant 0 : index
      %get3A_21 = arith.constant 0 : index
      %get3A_22 = arith.constant 0 : index
      %get3A_23 = vector.load %arg3[%get3A_20, %get3A_21, %get3A_22] : memref<2x2000x128xf32, #tpu.memory_space<vmem>>, vector<1x2000x128xf32>
      %get3A_24 = vector.shape_cast %get3A_23 : vector<1x2000x128xf32> to vector<2000x128xf32>
      %add3A_25 = arith.addf %mul3A_19, %get3A_24 : vector<2000x128xf32>
      %get3A_26 = arith.constant 1 : index
      %get3A_27 = arith.constant 0 : index
      %get3A_28 = arith.constant 0 : index
      %get3A_29 = vector.load %arg3[%get3A_26, %get3A_27, %get3A_28] : memref<2x2000x128xf32, #tpu.memory_space<vmem>>, vector<1x2000x128xf32>
      %get3A_30 = vector.shape_cast %get3A_29 : vector<1x2000x128xf32> to vector<2000x128xf32>
      %add3A_31 = arith.addf %add3A_25, %get3A_30 : vector<2000x128xf32>
      %get3A_32 = arith.constant 0 : index
      %get3A_33 = arith.constant 0 : index
      %get3A_34 = vector.load %arg4[%get3A_32, %get3A_33] : memref<128x128xf32, #tpu.memory_space<vmem>>, vector<128x128xf32>
      %dot_general3A = arith.constant dense<0.000000e+00> : vector<2000x128xf32>
      %dot_general3A_35 = tpu.matmul %add3A_31, %get3A_34, %dot_general3A {dimension_numbers = #tpu.dot_dimension_numbers<[1], [0], [0], [1], [0, 0, 1, 1], [], []>, transpose_lhs_hint = false} : vector<2000x128xf32>, vector<128x128xf32>, vector<2000x128xf32> -> vector<2000x128xf32>
      %get3A_36 = arith.constant 0 : index
      %get3A_37 = arith.constant 0 : index
      %get3A_38 = vector.load %arg5[%get3A_36, %get3A_37] : memref<1x128xf32, #tpu.memory_space<vmem>>, vector<1x128xf32>
      %add3A_39 = vector.broadcast %get3A_38 : vector<1x128xf32> to vector<2000x128xf32>
      %add3A_40 = arith.addf %dot_general3A_35, %add3A_39 : vector<2000x128xf32>
      %mul3A_41 = arith.constant 2000 : i32
      %mul3A_42 = arith.muli %arg0, %mul3A_41 : i32
      %multiple_of3A = tpu.assume_multiple %mul3A_42, 2000 : i32
      %swap3A = arith.index_cast %multiple_of3A : i32 to index
      %swap3A_43 = arith.constant 0 : index
      %swap3A_44 = vector.load %arg13[%swap3A, %swap3A_43] : memref<10000x128xf32, #tpu.memory_space<vmem>>, vector<2000x128xf32>
      tpu.vector_store %arg13[%swap3A, %swap3A_43], %add3A_40 {strides = array<i32>} : memref<10000x128xf32, #tpu.memory_space<vmem>>, vector<2000x128xf32>,
      %eq3A = arith.constant 0 : i32
      %eq3A_45 = arith.cmpi eq, %arg0, %eq3A : i32
      %convert_element_type3A_46 = arith.extui %eq3A_45 : i1 to i32
      %cond3A_47 = arith.constant 0 : i32
      %cond3A_48 = arith.cmpi ne, %convert_element_type3A_46, %cond3A_47 : i32
      scf.if %cond3A_48 {
        %broadcast_in_dim3A_63 = arith.constant 0.000000e+00 : f32
        %broadcast_in_dim3A_64 = vector.broadcast %broadcast_in_dim3A_63 : f32 to vector<8x128xf32>
        %swap3A_65 = arith.constant 0 : index
        %swap3A_66 = arith.constant 0 : index
        %swap3A_67 = vector.load %arg15[%swap3A_65, %swap3A_66] : memref<8x128xf32, #tpu.memory_space<vmem>>, vector<8x128xf32>
        tpu.vector_store %arg15[%swap3A_65, %swap3A_66], %broadcast_in_dim3A_64 {strides = array<i32>} : memref<8x128xf32, #tpu.memory_space<vmem>>, vector<8x128xf32>,
      } else {
      }
      %reduce_sum3A = arith.constant dense<0.000000e+00> : vector<128xf32>
      %reduce_sum3A_49 = vector.multi_reduction <add>, %add3A_40, %reduce_sum3A [0] : vector<2000x128xf32> to vector<128xf32>
      %broadcast_in_dim3A = vector.shape_cast %reduce_sum3A_49 : vector<128xf32> to vector<1x128xf32>
      %mul3A_50 = arith.mulf %add3A_40, %add3A_40 : vector<2000x128xf32>
      %reduce_sum3A_51 = arith.constant dense<0.000000e+00> : vector<128xf32>
      %reduce_sum3A_52 = vector.multi_reduction <add>, %mul3A_50, %reduce_sum3A_51 [0] : vector<2000x128xf32> to vector<128xf32>
      %broadcast_in_dim3A_53 = vector.shape_cast %reduce_sum3A_52 : vector<128xf32> to vector<1x128xf32>
      %get3A_54 = arith.constant 0 : index
      %get3A_55 = arith.constant 0 : index
      %get3A_56 = vector.load %arg15[%get3A_54, %get3A_55] : memref<8x128xf32, #tpu.memory_space<vmem>>, vector<8x128xf32>
      %broadcast_in_dim3A_57 = arith.constant 0.000000e+00 : f32
      %broadcast_in_dim3A_58 = vector.broadcast %broadcast_in_dim3A_57 : f32 to vector<6x128xf32>
      %concatenate3A = tpu.concatenate %broadcast_in_dim3A, %broadcast_in_dim3A_53, %broadcast_in_dim3A_58 in 0 : vector<1x128xf32>, vector<1x128xf32>, vector<6x128xf32> -> vector<8x128xf32>
      %add3A_59 = arith.addf %get3A_56, %concatenate3A : vector<8x128xf32>
      %swap3A_60 = arith.constant 0 : index
      %swap3A_61 = arith.constant 0 : index
      %swap3A_62 = vector.load %arg15[%swap3A_60, %swap3A_61] : memref<8x128xf32, #tpu.memory_space<vmem>>, vector<8x128xf32>
      tpu.vector_store %arg15[%swap3A_60, %swap3A_61], %add3A_59 {strides = array<i32>} : memref<8x128xf32, #tpu.memory_space<vmem>>, vector<8x128xf32>,
    } else {
    }
    %ge3A = arith.constant 5 : i32
    %ge3A_2 = arith.cmpi sge, %arg0, %ge3A : i32
    %lt3A_3 = arith.constant 10 : i32
    %lt3A_4 = arith.cmpi slt, %arg0, %lt3A_3 : i32
    %and3A = arith.andi %ge3A_2, %lt3A_4 : i1
    %convert_element_type3A_5 = arith.extui %and3A : i1 to i32
    %cond3A_6 = arith.constant 0 : i32
    %cond3A_7 = arith.cmpi ne, %convert_element_type3A_5, %cond3A_6 : i32
    scf.if %cond3A_7 {
      %sub3A = arith.constant 5 : i32
      %sub3A_13 = arith.subi %arg0, %sub3A : i32
      %mul3A = arith.constant 2000 : i32
      %mul3A_14 = arith.muli %sub3A_13, %mul3A : i32
      %multiple_of3A = tpu.assume_multiple %mul3A_14, 2000 : i32
      %get3A = arith.index_cast %multiple_of3A : i32 to index
      %get3A_15 = arith.constant 0 : index
      %get3A_16 = vector.load %arg13[%get3A, %get3A_15] : memref<10000x128xf32, #tpu.memory_space<vmem>>, vector<2000x128xf32>
      %get3A_17 = arith.constant 0 : index
      %get3A_18 = arith.constant 0 : index
      %get3A_19 = vector.load %arg15[%get3A_17, %get3A_18] : memref<8x128xf32, #tpu.memory_space<vmem>>, vector<1x128xf32>
      %mul3A_20 = arith.constant 9.99999974E-5 : f32
      %mul3A_21 = vector.broadcast %mul3A_20 : f32 to vector<1x128xf32>
      %mul3A_22 = arith.mulf %get3A_19, %mul3A_21 : vector<1x128xf32>
      %get3A_23 = arith.constant 1 : index
      %get3A_24 = arith.constant 0 : index
      %get3A_25 = vector.load %arg15[%get3A_23, %get3A_24] : memref<8x128xf32, #tpu.memory_space<vmem>>, vector<1x128xf32>
      %mul3A_26 = arith.constant 9.99999974E-5 : f32
      %mul3A_27 = vector.broadcast %mul3A_26 : f32 to vector<1x128xf32>
      %mul3A_28 = arith.mulf %get3A_25, %mul3A_27 : vector<1x128xf32>
      %mul3A_29 = arith.mulf %mul3A_22, %mul3A_22 : vector<1x128xf32>
      %sub3A_30 = arith.subf %mul3A_28, %mul3A_29 : vector<1x128xf32>
      %add3A = arith.constant 9.99999974E-6 : f32
      %add3A_31 = vector.broadcast %add3A : f32 to vector<1x128xf32>
      %add3A_32 = arith.addf %sub3A_30, %add3A_31 : vector<1x128xf32>
      %rsqrt3A = math.rsqrt %add3A_32 : vector<1x128xf32>
      %sub3A_33 = vector.broadcast %mul3A_22 : vector<1x128xf32> to vector<2000x128xf32>
      %sub3A_34 = arith.subf %get3A_16, %sub3A_33 : vector<2000x128xf32>
      %mul3A_35 = vector.broadcast %rsqrt3A : vector<1x128xf32> to vector<2000x128xf32>
      %mul3A_36 = arith.mulf %sub3A_34, %mul3A_35 : vector<2000x128xf32>
      %get3A_37 = arith.constant 0 : index
      %get3A_38 = arith.constant 0 : index
      %get3A_39 = vector.load %arg6[%get3A_37, %get3A_38] : memref<1x128xf32, #tpu.memory_space<vmem>>, vector<1x128xf32>
      %mul3A_40 = vector.broadcast %get3A_39 : vector<1x128xf32> to vector<2000x128xf32>
      %mul3A_41 = arith.mulf %mul3A_36, %mul3A_40 : vector<2000x128xf32>
      %get3A_42 = arith.constant 0 : index
      %get3A_43 = arith.constant 0 : index
      %get3A_44 = vector.load %arg7[%get3A_42, %get3A_43] : memref<1x128xf32, #tpu.memory_space<vmem>>, vector<1x128xf32>
      %add3A_45 = vector.broadcast %get3A_44 : vector<1x128xf32> to vector<2000x128xf32>
      %add3A_46 = arith.addf %mul3A_41, %add3A_45 : vector<2000x128xf32>
      %max3A = arith.constant 0.000000e+00 : f32
      %max3A_47 = vector.broadcast %max3A : f32 to vector<2000x128xf32>
      %max3A_48 = arith.maximumf %add3A_46, %max3A_47 : vector<2000x128xf32>
      %get3A_49 = arith.constant 0 : index
      %get3A_50 = arith.constant 0 : index
      %get3A_51 = vector.load %arg8[%get3A_49, %get3A_50] : memref<128x128xf32, #tpu.memory_space<vmem>>, vector<128x128xf32>
      %dot_general3A = arith.constant dense<0.000000e+00> : vector<2000x128xf32>
      %dot_general3A_52 = tpu.matmul %max3A_48, %get3A_51, %dot_general3A {dimension_numbers = #tpu.dot_dimension_numbers<[1], [0], [0], [1], [0, 0, 1, 1], [], []>, transpose_lhs_hint = false} : vector<2000x128xf32>, vector<128x128xf32>, vector<2000x128xf32> -> vector<2000x128xf32>
      %get3A_53 = arith.constant 0 : index
      %get3A_54 = arith.constant 0 : index
      %get3A_55 = vector.load %arg9[%get3A_53, %get3A_54] : memref<1x128xf32, #tpu.memory_space<vmem>>, vector<1x128xf32>
      %add3A_56 = vector.broadcast %get3A_55 : vector<1x128xf32> to vector<2000x128xf32>
      %add3A_57 = arith.addf %dot_general3A_52, %add3A_56 : vector<2000x128xf32>
      %swap3A = arith.index_cast %multiple_of3A : i32 to index
      %swap3A_58 = arith.constant 0 : index
      %swap3A_59 = vector.load %arg14[%swap3A, %swap3A_58] : memref<10000x128xf32, #tpu.memory_space<vmem>>, vector<2000x128xf32>
      tpu.vector_store %arg14[%swap3A, %swap3A_58], %add3A_57 {strides = array<i32>} : memref<10000x128xf32, #tpu.memory_space<vmem>>, vector<2000x128xf32>,
      %eq3A = arith.constant 5 : i32
      %eq3A_60 = arith.cmpi eq, %arg0, %eq3A : i32
      %convert_element_type3A_61 = arith.extui %eq3A_60 : i1 to i32
      %cond3A_62 = arith.constant 0 : i32
      %cond3A_63 = arith.cmpi ne, %convert_element_type3A_61, %cond3A_62 : i32
      scf.if %cond3A_63 {
        %broadcast_in_dim3A_78 = arith.constant 0.000000e+00 : f32
        %broadcast_in_dim3A_79 = vector.broadcast %broadcast_in_dim3A_78 : f32 to vector<8x128xf32>
        %swap3A_80 = arith.constant 0 : index
        %swap3A_81 = arith.constant 0 : index
        %swap3A_82 = vector.load %arg16[%swap3A_80, %swap3A_81] : memref<8x128xf32, #tpu.memory_space<vmem>>, vector<8x128xf32>
        tpu.vector_store %arg16[%swap3A_80, %swap3A_81], %broadcast_in_dim3A_79 {strides = array<i32>} : memref<8x128xf32, #tpu.memory_space<vmem>>, vector<8x128xf32>,
      } else {
      }
      %reduce_sum3A = arith.constant dense<0.000000e+00> : vector<128xf32>
      %reduce_sum3A_64 = vector.multi_reduction <add>, %add3A_57, %reduce_sum3A [0] : vector<2000x128xf32> to vector<128xf32>
      %broadcast_in_dim3A = vector.shape_cast %reduce_sum3A_64 : vector<128xf32> to vector<1x128xf32>
      %mul3A_65 = arith.mulf %add3A_57, %add3A_57 : vector<2000x128xf32>
      %reduce_sum3A_66 = arith.constant dense<0.000000e+00> : vector<128xf32>
      %reduce_sum3A_67 = vector.multi_reduction <add>, %mul3A_65, %reduce_sum3A_66 [0] : vector<2000x128xf32> to vector<128xf32>
      %broadcast_in_dim3A_68 = vector.shape_cast %reduce_sum3A_67 : vector<128xf32> to vector<1x128xf32>
      %get3A_69 = arith.constant 0 : index
      %get3A_70 = arith.constant 0 : index
      %get3A_71 = vector.load %arg16[%get3A_69, %get3A_70] : memref<8x128xf32, #tpu.memory_space<vmem>>, vector<8x128xf32>
      %broadcast_in_dim3A_72 = arith.constant 0.000000e+00 : f32
      %broadcast_in_dim3A_73 = vector.broadcast %broadcast_in_dim3A_72 : f32 to vector<6x128xf32>
      %concatenate3A = tpu.concatenate %broadcast_in_dim3A, %broadcast_in_dim3A_68, %broadcast_in_dim3A_73 in 0 : vector<1x128xf32>, vector<1x128xf32>, vector<6x128xf32> -> vector<8x128xf32>
      %add3A_74 = arith.addf %get3A_71, %concatenate3A : vector<8x128xf32>
      %swap3A_75 = arith.constant 0 : index
      %swap3A_76 = arith.constant 0 : index
      %swap3A_77 = vector.load %arg16[%swap3A_75, %swap3A_76] : memref<8x128xf32, #tpu.memory_space<vmem>>, vector<8x128xf32>
      tpu.vector_store %arg16[%swap3A_75, %swap3A_76], %add3A_74 {strides = array<i32>} : memref<8x128xf32, #tpu.memory_space<vmem>>, vector<8x128xf32>,
    } else {
    }
    %ge3A_8 = arith.constant 10 : i32
    %ge3A_9 = arith.cmpi sge, %arg0, %ge3A_8 : i32
    %convert_element_type3A_10 = arith.extui %ge3A_9 : i1 to i32
    %cond3A_11 = arith.constant 0 : i32
    %cond3A_12 = arith.cmpi ne, %convert_element_type3A_10, %cond3A_11 : i32
    scf.if %cond3A_12 {
      %sub3A = arith.constant 10 : i32
      %sub3A_13 = arith.subi %arg0, %sub3A : i32
      %mul3A = arith.constant 2000 : i32
      %mul3A_14 = arith.muli %sub3A_13, %mul3A : i32
      %multiple_of3A = tpu.assume_multiple %mul3A_14, 2000 : i32
      %get3A = arith.index_cast %multiple_of3A : i32 to index
      %get3A_15 = arith.constant 0 : index
      %get3A_16 = vector.load %arg14[%get3A, %get3A_15] : memref<10000x128xf32, #tpu.memory_space<vmem>>, vector<2000x128xf32>
      %get3A_17 = arith.constant 0 : index
      %get3A_18 = arith.constant 0 : index
      %get3A_19 = vector.load %arg16[%get3A_17, %get3A_18] : memref<8x128xf32, #tpu.memory_space<vmem>>, vector<1x128xf32>
      %mul3A_20 = arith.constant 9.99999974E-5 : f32
      %mul3A_21 = vector.broadcast %mul3A_20 : f32 to vector<1x128xf32>
      %mul3A_22 = arith.mulf %get3A_19, %mul3A_21 : vector<1x128xf32>
      %get3A_23 = arith.constant 1 : index
      %get3A_24 = arith.constant 0 : index
      %get3A_25 = vector.load %arg16[%get3A_23, %get3A_24] : memref<8x128xf32, #tpu.memory_space<vmem>>, vector<1x128xf32>
      %mul3A_26 = arith.constant 9.99999974E-5 : f32
      %mul3A_27 = vector.broadcast %mul3A_26 : f32 to vector<1x128xf32>
      %mul3A_28 = arith.mulf %get3A_25, %mul3A_27 : vector<1x128xf32>
      %mul3A_29 = arith.mulf %mul3A_22, %mul3A_22 : vector<1x128xf32>
      %sub3A_30 = arith.subf %mul3A_28, %mul3A_29 : vector<1x128xf32>
      %add3A = arith.constant 9.99999974E-6 : f32
      %add3A_31 = vector.broadcast %add3A : f32 to vector<1x128xf32>
      %add3A_32 = arith.addf %sub3A_30, %add3A_31 : vector<1x128xf32>
      %rsqrt3A = math.rsqrt %add3A_32 : vector<1x128xf32>
      %sub3A_33 = vector.broadcast %mul3A_22 : vector<1x128xf32> to vector<2000x128xf32>
      %sub3A_34 = arith.subf %get3A_16, %sub3A_33 : vector<2000x128xf32>
      %mul3A_35 = vector.broadcast %rsqrt3A : vector<1x128xf32> to vector<2000x128xf32>
      %mul3A_36 = arith.mulf %sub3A_34, %mul3A_35 : vector<2000x128xf32>
      %get3A_37 = arith.constant 0 : index
      %get3A_38 = arith.constant 0 : index
      %get3A_39 = vector.load %arg10[%get3A_37, %get3A_38] : memref<1x128xf32, #tpu.memory_space<vmem>>, vector<1x128xf32>
      %mul3A_40 = vector.broadcast %get3A_39 : vector<1x128xf32> to vector<2000x128xf32>
      %mul3A_41 = arith.mulf %mul3A_36, %mul3A_40 : vector<2000x128xf32>
      %get3A_42 = arith.constant 0 : index
      %get3A_43 = arith.constant 0 : index
      %get3A_44 = vector.load %arg11[%get3A_42, %get3A_43] : memref<1x128xf32, #tpu.memory_space<vmem>>, vector<1x128xf32>
      %add3A_45 = vector.broadcast %get3A_44 : vector<1x128xf32> to vector<2000x128xf32>
      %add3A_46 = arith.addf %mul3A_41, %add3A_45 : vector<2000x128xf32>
      %max3A = arith.constant 0.000000e+00 : f32
      %max3A_47 = vector.broadcast %max3A : f32 to vector<2000x128xf32>
      %max3A_48 = arith.maximumf %add3A_46, %max3A_47 : vector<2000x128xf32>
      %swap3A = arith.constant 0 : index
      %swap3A_49 = arith.constant 0 : index
      %swap3A_50 = vector.load %arg12[%swap3A, %swap3A_49] : memref<2000x128xf32, #tpu.memory_space<vmem>>, vector<2000x128xf32>
      tpu.vector_store %arg12[%swap3A, %swap3A_49], %max3A_48 {strides = array<i32>} : memref<2000x128xf32, #tpu.memory_space<vmem>>, vector<2000x128xf32>,
    } else {
    }
    return
  }
  func.func @transform_0(%arg0: i32) -> (i32, i32) {
    %c0_i32 = arith.constant 0 : i32
    %c0_i32_0 = arith.constant 0 : i32
    %c0_i32_1 = arith.constant 0 : i32
    return %c0_i32, %c0_i32_0 : i32, i32
  }
  func.func @transform_1(%arg0: i32) -> (i32, i32) {
    %min3A = arith.constant 4 : i32
    %min3A_0 = arith.minsi %arg0, %min3A : i32
    %c0_i32 = arith.constant 0 : i32
    %c0_i32_1 = arith.constant 0 : i32
    return %min3A_0, %c0_i32 : i32, i32
  }
  func.func @transform_2(%arg0: i32) -> (i32, i32, i32) {
    %min3A = arith.constant 4 : i32
    %min3A_0 = arith.minsi %arg0, %min3A : i32
    %c0_i32 = arith.constant 0 : i32
    %c0_i32_1 = arith.constant 0 : i32
    %c0_i32_2 = arith.constant 0 : i32
    return %c0_i32, %min3A_0, %c0_i32_1 : i32, i32, i32
  }
  func.func @transform_3(%arg0: i32) -> (i32, i32) {
    %c0_i32 = arith.constant 0 : i32
    %c0_i32_0 = arith.constant 0 : i32
    %c0_i32_1 = arith.constant 0 : i32
    return %c0_i32, %c0_i32_0 : i32, i32
  }
  func.func @transform_4(%arg0: i32) -> (i32, i32) {
    %c0_i32 = arith.constant 0 : i32
    %c0_i32_0 = arith.constant 0 : i32
    %c0_i32_1 = arith.constant 0 : i32
    return %c0_i32, %c0_i32_0 : i32, i32
  }
  func.func @transform_5(%arg0: i32) -> (i32, i32) {
    %c0_i32 = arith.constant 0 : i32
    %c0_i32_0 = arith.constant 0 : i32
    %c0_i32_1 = arith.constant 0 : i32
    return %c0_i32, %c0_i32_0 : i32, i32
  }
  func.func @transform_6(%arg0: i32) -> (i32, i32) {
    %c0_i32 = arith.constant 0 : i32
    %c0_i32_0 = arith.constant 0 : i32
    %c0_i32_1 = arith.constant 0 : i32
    return %c0_i32, %c0_i32_0 : i32, i32
  }
  func.func @transform_7(%arg0: i32) -> (i32, i32) {
    %c0_i32 = arith.constant 0 : i32
    %c0_i32_0 = arith.constant 0 : i32
    %c0_i32_1 = arith.constant 0 : i32
    return %c0_i32, %c0_i32_0 : i32, i32
  }
  func.func @transform_8(%arg0: i32) -> (i32, i32) {
    %c0_i32 = arith.constant 0 : i32
    %c0_i32_0 = arith.constant 0 : i32
    %c0_i32_1 = arith.constant 0 : i32
    return %c0_i32, %c0_i32_0 : i32, i32
  }
  func.func @transform_9(%arg0: i32) -> (i32, i32) {
    %c0_i32 = arith.constant 0 : i32
    %c0_i32_0 = arith.constant 0 : i32
    %c0_i32_1 = arith.constant 0 : i32
    return %c0_i32, %c0_i32_0 : i32, i32
  }
  func.func @transform_10(%arg0: i32) -> (i32, i32) {
    %c0_i32 = arith.constant 0 : i32
    %c0_i32_0 = arith.constant 0 : i32
    %c0_i32_1 = arith.constant 0 : i32
    return %c0_i32, %c0_i32_0 : i32, i32
  }
  func.func @transform_11(%arg0: i32) -> (i32, i32) {
    %sub3A = arith.constant 10 : i32
    %sub3A_0 = arith.subi %arg0, %sub3A : i32
    %max3A = arith.constant 0 : i32
    %max3A_1 = arith.maxsi %sub3A_0, %max3A : i32
    %c0_i32 = arith.constant 0 : i32
    %c0_i32_2 = arith.constant 0 : i32
    return %max3A_1, %c0_i32 : i32, i32
  }
}

module attributes {stable_mosaic.version = 14 : i64} {
  func.func @body(%arg0: i32, %arg1: memref<2000x128xf32, #tpu.memory_space<vmem>>, %arg2: memref<2000x128xf32, #tpu.memory_space<vmem>>, %arg3: memref<2000x128xf32, #tpu.memory_space<vmem>>, %arg4: memref<1x1x2000xi32, #tpu.memory_space<vmem>>, %arg5: memref<128x128xf32, #tpu.memory_space<vmem>>, %arg6: memref<128x128xf32, #tpu.memory_space<vmem>>, %arg7: memref<128x128xf32, #tpu.memory_space<vmem>>, %arg8: memref<1x128xf32, #tpu.memory_space<vmem>>, %arg9: memref<128x128xf32, #tpu.memory_space<vmem>>, %arg10: memref<1x128xf32, #tpu.memory_space<vmem>>, %arg11: memref<128x128xf32, #tpu.memory_space<vmem>>, %arg12: memref<128x128xf32, #tpu.memory_space<vmem>>, %arg13: memref<128x128xf32, #tpu.memory_space<vmem>>) attributes {dimension_semantics = [#tpu.dimension_semantics<arbitrary>], iteration_bounds = array<i64: 5>, scalar_prefetch = 0 : i64, scratch_operands = 0 : i64, tpu.core_type = #tpu.core_type<tc>, window_params = [{transform_indices = @transform_0, window_bounds = array<i64: 2000, 128>}, {transform_indices = @transform_1, window_bounds = array<i64: 2000, 128>}, {transform_indices = @transform_2, window_bounds = array<i64: 2000, 128>}, {transform_indices = @transform_3, window_bounds = array<i64: 1, 1, 2000>}, {pipeline_mode = #tpu.pipeline_mode<synchronous>, transform_indices = @transform_4, window_bounds = array<i64: 128, 128>}, {pipeline_mode = #tpu.pipeline_mode<synchronous>, transform_indices = @transform_5, window_bounds = array<i64: 128, 128>}, {pipeline_mode = #tpu.pipeline_mode<synchronous>, transform_indices = @transform_6, window_bounds = array<i64: 128, 128>}, {pipeline_mode = #tpu.pipeline_mode<synchronous>, transform_indices = @transform_7, window_bounds = array<i64: 1, 128>}, {pipeline_mode = #tpu.pipeline_mode<synchronous>, transform_indices = @transform_8, window_bounds = array<i64: 128, 128>}, {pipeline_mode = #tpu.pipeline_mode<synchronous>, transform_indices = @transform_9, window_bounds = array<i64: 1, 128>}, {pipeline_mode = #tpu.pipeline_mode<synchronous>, transform_indices = @transform_10, window_bounds = array<i64: 128, 128>}, {pipeline_mode = #tpu.pipeline_mode<synchronous>, transform_indices = @transform_11, window_bounds = array<i64: 128, 128>}, {pipeline_mode = #tpu.pipeline_mode<synchronous>, transform_indices = @transform_12, window_bounds = array<i64: 128, 128>}]} {
    %get3A = arith.constant 0 : index
    %get3A_0 = arith.constant 0 : index
    %get3A_1 = vector.load %arg1[%get3A, %get3A_0] : memref<2000x128xf32, #tpu.memory_space<vmem>>, vector<2000x128xf32>
    %get3A_2 = arith.constant 0 : index
    %get3A_3 = arith.constant 0 : index
    %get3A_4 = vector.load %arg5[%get3A_2, %get3A_3] : memref<128x128xf32, #tpu.memory_space<vmem>>, vector<128x128xf32>
    %dot_general3A = arith.constant dense<0.000000e+00> : vector<2000x128xf32>
    %dot_general3A_5 = tpu.matmul %get3A_1, %get3A_4, %dot_general3A {dimension_numbers = #tpu.dot_dimension_numbers<[1], [0], [0], [1], [0, 0, 1, 1], [], []>, transpose_lhs_hint = false} : vector<2000x128xf32>, vector<128x128xf32>, vector<2000x128xf32> -> vector<2000x128xf32>
    %get3A_6 = arith.constant 0 : index
    %get3A_7 = arith.constant 0 : index
    %get3A_8 = vector.load %arg2[%get3A_6, %get3A_7] : memref<2000x128xf32, #tpu.memory_space<vmem>>, vector<2000x128xf32>
    %get3A_9 = arith.constant 0 : index
    %get3A_10 = arith.constant 0 : index
    %get3A_11 = vector.load %arg6[%get3A_9, %get3A_10] : memref<128x128xf32, #tpu.memory_space<vmem>>, vector<128x128xf32>
    %dot_general3A_12 = arith.constant dense<0.000000e+00> : vector<2000x128xf32>
    %dot_general3A_13 = tpu.matmul %get3A_8, %get3A_11, %dot_general3A_12 {dimension_numbers = #tpu.dot_dimension_numbers<[1], [0], [0], [1], [0, 0, 1, 1], [], []>, transpose_lhs_hint = false} : vector<2000x128xf32>, vector<128x128xf32>, vector<2000x128xf32> -> vector<2000x128xf32>
    %add3A = arith.addf %dot_general3A_5, %dot_general3A_13 : vector<2000x128xf32>
    %get3A_14 = arith.constant 0 : index
    %get3A_15 = arith.constant 0 : index
    %get3A_16 = vector.load %arg3[%get3A_14, %get3A_15] : memref<2000x128xf32, #tpu.memory_space<vmem>>, vector<2000x128xf32>
    %get3A_17 = arith.constant 0 : index
    %get3A_18 = arith.constant 0 : index
    %get3A_19 = vector.load %arg7[%get3A_17, %get3A_18] : memref<128x128xf32, #tpu.memory_space<vmem>>, vector<128x128xf32>
    %dot_general3A_20 = arith.constant dense<0.000000e+00> : vector<2000x128xf32>
    %dot_general3A_21 = tpu.matmul %get3A_16, %get3A_19, %dot_general3A_20 {dimension_numbers = #tpu.dot_dimension_numbers<[1], [0], [0], [1], [0, 0, 1, 1], [], []>, transpose_lhs_hint = false} : vector<2000x128xf32>, vector<128x128xf32>, vector<2000x128xf32> -> vector<2000x128xf32>
    %add3A_22 = arith.addf %add3A, %dot_general3A_21 : vector<2000x128xf32>
    %get3A_23 = arith.constant 0 : index
    %get3A_24 = arith.constant 0 : index
    %get3A_25 = vector.load %arg8[%get3A_23, %get3A_24] : memref<1x128xf32, #tpu.memory_space<vmem>>, vector<1x128xf32>
    %add3A_26 = vector.broadcast %get3A_25 : vector<1x128xf32> to vector<2000x128xf32>
    %add3A_27 = arith.addf %add3A_22, %add3A_26 : vector<2000x128xf32>
    %max3A = arith.constant 0.000000e+00 : f32
    %max3A_28 = vector.broadcast %max3A : f32 to vector<2000x128xf32>
    %max3A_29 = arith.maximumf %add3A_27, %max3A_28 : vector<2000x128xf32>
    %iota3A = tpu.iota {dimensions = array<i32: 0>} : vector<128x2000xi32>
    %get3A_30 = arith.constant 0 : index
    %get3A_31 = arith.constant 0 : index
    %get3A_32 = arith.constant 0 : index
    %get3A_33 = vector.load %arg4[%get3A_30, %get3A_31, %get3A_32] : memref<1x1x2000xi32, #tpu.memory_space<vmem>>, vector<1x1x2000xi32>
    %get3A_34 = vector.shape_cast %get3A_33 : vector<1x1x2000xi32> to vector<1x2000xi32>
    %eq3A = vector.broadcast %get3A_34 : vector<1x2000xi32> to vector<128x2000xi32>
    %eq3A_35 = arith.cmpi eq, %eq3A, %iota3A : vector<128x2000xi32>
    %convert_element_type3A = arith.extui %eq3A_35 : vector<128x2000xi1> to vector<128x2000xi32>
    %convert_element_type3A_36 = arith.sitofp %convert_element_type3A : vector<128x2000xi32> to vector<128x2000xf32>
    %dot_general3A_37 = arith.constant dense<0.000000e+00> : vector<128x128xf32>
    %dot_general3A_38 = tpu.matmul %convert_element_type3A_36, %max3A_29, %dot_general3A_37 {dimension_numbers = #tpu.dot_dimension_numbers<[1], [0], [0], [1], [0, 0, 1, 1], [], []>, transpose_lhs_hint = false} : vector<128x2000xf32>, vector<2000x128xf32>, vector<128x128xf32> -> vector<128x128xf32>
    %broadcast_in_dim3A = arith.constant 1.000000e+00 : f32
    %broadcast_in_dim3A_39 = vector.broadcast %broadcast_in_dim3A : f32 to vector<2000x128xf32>
    %dot_general3A_40 = arith.constant dense<0.000000e+00> : vector<128x128xf32>
    %dot_general3A_41 = tpu.matmul %convert_element_type3A_36, %broadcast_in_dim3A_39, %dot_general3A_40 {dimension_numbers = #tpu.dot_dimension_numbers<[1], [0], [0], [1], [0, 0, 1, 1], [], []>, transpose_lhs_hint = false} : vector<128x2000xf32>, vector<2000x128xf32>, vector<128x128xf32> -> vector<128x128xf32>
    %eq3A_42 = arith.constant 0 : i32
    %eq3A_43 = arith.cmpi eq, %arg0, %eq3A_42 : i32
    %convert_element_type3A_44 = arith.extui %eq3A_43 : i1 to i32
    %cond3A = arith.constant 0 : i32
    %cond3A_45 = arith.cmpi ne, %convert_element_type3A_44, %cond3A : i32
    scf.if %cond3A_45 {
      %broadcast_in_dim3A_64 = arith.constant 0.000000e+00 : f32
      %broadcast_in_dim3A_65 = vector.broadcast %broadcast_in_dim3A_64 : f32 to vector<128x128xf32>
      %swap3A_66 = arith.constant 0 : index
      %swap3A_67 = arith.constant 0 : index
      %swap3A_68 = vector.load %arg12[%swap3A_66, %swap3A_67] : memref<128x128xf32, #tpu.memory_space<vmem>>, vector<128x128xf32>
      tpu.vector_store %arg12[%swap3A_66, %swap3A_67], %broadcast_in_dim3A_65 {strides = array<i32>} : memref<128x128xf32, #tpu.memory_space<vmem>>, vector<128x128xf32>,
      %broadcast_in_dim3A_69 = arith.constant 0.000000e+00 : f32
      %broadcast_in_dim3A_70 = vector.broadcast %broadcast_in_dim3A_69 : f32 to vector<128x128xf32>
      %swap3A_71 = arith.constant 0 : index
      %swap3A_72 = arith.constant 0 : index
      %swap3A_73 = vector.load %arg13[%swap3A_71, %swap3A_72] : memref<128x128xf32, #tpu.memory_space<vmem>>, vector<128x128xf32>
      tpu.vector_store %arg13[%swap3A_71, %swap3A_72], %broadcast_in_dim3A_70 {strides = array<i32>} : memref<128x128xf32, #tpu.memory_space<vmem>>, vector<128x128xf32>,
    } else {
    }
    %get3A_46 = arith.constant 0 : index
    %get3A_47 = arith.constant 0 : index
    %get3A_48 = vector.load %arg12[%get3A_46, %get3A_47] : memref<128x128xf32, #tpu.memory_space<vmem>>, vector<128x128xf32>
    %add3A_49 = arith.addf %get3A_48, %dot_general3A_38 : vector<128x128xf32>
    %swap3A = arith.constant 0 : index
    %swap3A_50 = arith.constant 0 : index
    %swap3A_51 = vector.load %arg12[%swap3A, %swap3A_50] : memref<128x128xf32, #tpu.memory_space<vmem>>, vector<128x128xf32>
    tpu.vector_store %arg12[%swap3A, %swap3A_50], %add3A_49 {strides = array<i32>} : memref<128x128xf32, #tpu.memory_space<vmem>>, vector<128x128xf32>,
    %get3A_52 = arith.constant 0 : index
    %get3A_53 = arith.constant 0 : index
    %get3A_54 = vector.load %arg13[%get3A_52, %get3A_53] : memref<128x128xf32, #tpu.memory_space<vmem>>, vector<128x128xf32>
    %add3A_55 = arith.addf %get3A_54, %dot_general3A_41 : vector<128x128xf32>
    %swap3A_56 = arith.constant 0 : index
    %swap3A_57 = arith.constant 0 : index
    %swap3A_58 = vector.load %arg13[%swap3A_56, %swap3A_57] : memref<128x128xf32, #tpu.memory_space<vmem>>, vector<128x128xf32>
    tpu.vector_store %arg13[%swap3A_56, %swap3A_57], %add3A_55 {strides = array<i32>} : memref<128x128xf32, #tpu.memory_space<vmem>>, vector<128x128xf32>,
    %eq3A_59 = arith.constant 4 : i32
    %eq3A_60 = arith.cmpi eq, %arg0, %eq3A_59 : i32
    %convert_element_type3A_61 = arith.extui %eq3A_60 : i1 to i32
    %cond3A_62 = arith.constant 0 : i32
    %cond3A_63 = arith.cmpi ne, %convert_element_type3A_61, %cond3A_62 : i32
    scf.if %cond3A_63 {
      %get3A_64 = arith.constant 0 : index
      %get3A_65 = arith.constant 0 : index
      %get3A_66 = vector.load %arg12[%get3A_64, %get3A_65] : memref<128x128xf32, #tpu.memory_space<vmem>>, vector<128x128xf32>
      %get3A_67 = arith.constant 0 : index
      %get3A_68 = arith.constant 0 : index
      %get3A_69 = vector.load %arg13[%get3A_67, %get3A_68] : memref<128x128xf32, #tpu.memory_space<vmem>>, vector<128x128xf32>
      %max3A_70 = arith.constant 1.000000e+00 : f32
      %max3A_71 = vector.broadcast %max3A_70 : f32 to vector<128x128xf32>
      %max3A_72 = arith.maximumf %get3A_69, %max3A_71 : vector<128x128xf32>
      %div3A = arith.divf %get3A_66, %max3A_72 : vector<128x128xf32>
      %get3A_73 = arith.constant 0 : index
      %get3A_74 = arith.constant 0 : index
      %get3A_75 = vector.load %arg9[%get3A_73, %get3A_74] : memref<128x128xf32, #tpu.memory_space<vmem>>, vector<128x128xf32>
      %dot_general3A_76 = arith.constant dense<0.000000e+00> : vector<128x128xf32>
      %dot_general3A_77 = tpu.matmul %div3A, %get3A_75, %dot_general3A_76 {dimension_numbers = #tpu.dot_dimension_numbers<[1], [0], [0], [1], [0, 0, 1, 1], [], []>, transpose_lhs_hint = false} : vector<128x128xf32>, vector<128x128xf32>, vector<128x128xf32> -> vector<128x128xf32>
      %get3A_78 = arith.constant 0 : index
      %get3A_79 = arith.constant 0 : index
      %get3A_80 = vector.load %arg10[%get3A_78, %get3A_79] : memref<1x128xf32, #tpu.memory_space<vmem>>, vector<1x128xf32>
      %add3A_81 = vector.broadcast %get3A_80 : vector<1x128xf32> to vector<128x128xf32>
      %add3A_82 = arith.addf %dot_general3A_77, %add3A_81 : vector<128x128xf32>
      %max3A_83 = arith.constant 0.000000e+00 : f32
      %max3A_84 = vector.broadcast %max3A_83 : f32 to vector<128x128xf32>
      %max3A_85 = arith.maximumf %add3A_82, %max3A_84 : vector<128x128xf32>
      %swap3A_86 = arith.constant 0 : index
      %swap3A_87 = arith.constant 0 : index
      %swap3A_88 = vector.load %arg11[%swap3A_86, %swap3A_87] : memref<128x128xf32, #tpu.memory_space<vmem>>, vector<128x128xf32>
      tpu.vector_store %arg11[%swap3A_86, %swap3A_87], %max3A_85 {strides = array<i32>} : memref<128x128xf32, #tpu.memory_space<vmem>>, vector<128x128xf32>,
    } else {
    }
    return
  }
  func.func @transform_0(%arg0: i32) -> (i32, i32) {
    %c0_i32 = arith.constant 0 : i32
    %c0_i32_0 = arith.constant 0 : i32
    return %arg0, %c0_i32 : i32, i32
  }
  func.func @transform_1(%arg0: i32) -> (i32, i32) {
    %c0_i32 = arith.constant 0 : i32
    %c0_i32_0 = arith.constant 0 : i32
    return %arg0, %c0_i32 : i32, i32
  }
  func.func @transform_2(%arg0: i32) -> (i32, i32) {
    %c0_i32 = arith.constant 0 : i32
    %c0_i32_0 = arith.constant 0 : i32
    return %arg0, %c0_i32 : i32, i32
  }
  func.func @transform_3(%arg0: i32) -> (i32, i32, i32) {
    %c0_i32 = arith.constant 0 : i32
    %c0_i32_0 = arith.constant 0 : i32
    %c0_i32_1 = arith.constant 0 : i32
    return %arg0, %c0_i32, %c0_i32_0 : i32, i32, i32
  }
  func.func @transform_4(%arg0: i32) -> (i32, i32) {
    %c0_i32 = arith.constant 0 : i32
    %c0_i32_0 = arith.constant 0 : i32
    %c0_i32_1 = arith.constant 0 : i32
    return %c0_i32, %c0_i32_0 : i32, i32
  }
  func.func @transform_5(%arg0: i32) -> (i32, i32) {
    %c0_i32 = arith.constant 0 : i32
    %c0_i32_0 = arith.constant 0 : i32
    %c0_i32_1 = arith.constant 0 : i32
    return %c0_i32, %c0_i32_0 : i32, i32
  }
  func.func @transform_6(%arg0: i32) -> (i32, i32) {
    %c0_i32 = arith.constant 0 : i32
    %c0_i32_0 = arith.constant 0 : i32
    %c0_i32_1 = arith.constant 0 : i32
    return %c0_i32, %c0_i32_0 : i32, i32
  }
  func.func @transform_7(%arg0: i32) -> (i32, i32) {
    %c0_i32 = arith.constant 0 : i32
    %c0_i32_0 = arith.constant 0 : i32
    %c0_i32_1 = arith.constant 0 : i32
    return %c0_i32, %c0_i32_0 : i32, i32
  }
  func.func @transform_8(%arg0: i32) -> (i32, i32) {
    %c0_i32 = arith.constant 0 : i32
    %c0_i32_0 = arith.constant 0 : i32
    %c0_i32_1 = arith.constant 0 : i32
    return %c0_i32, %c0_i32_0 : i32, i32
  }
  func.func @transform_9(%arg0: i32) -> (i32, i32) {
    %c0_i32 = arith.constant 0 : i32
    %c0_i32_0 = arith.constant 0 : i32
    %c0_i32_1 = arith.constant 0 : i32
    return %c0_i32, %c0_i32_0 : i32, i32
  }
  func.func @transform_10(%arg0: i32) -> (i32, i32) {
    %c0_i32 = arith.constant 0 : i32
    %c0_i32_0 = arith.constant 0 : i32
    %c0_i32_1 = arith.constant 0 : i32
    return %c0_i32, %c0_i32_0 : i32, i32
  }
  func.func @transform_11(%arg0: i32) -> (i32, i32) {
    %c0_i32 = arith.constant 0 : i32
    %c0_i32_0 = arith.constant 0 : i32
    %c0_i32_1 = arith.constant 0 : i32
    return %c0_i32, %c0_i32_0 : i32, i32
  }
  func.func @transform_12(%arg0: i32) -> (i32, i32) {
    %c0_i32 = arith.constant 0 : i32
    %c0_i32_0 = arith.constant 0 : i32
    %c0_i32_1 = arith.constant 0 : i32
    return %c0_i32, %c0_i32_0 : i32, i32
  }
}

</mosaic_0001>

<sc_bundles>
// kernel: kernel.10.cloned.1.call-start
scs
__scs_entry_jumppad:
0x0: {  	(pc) =	sbr.rel $0x88, $3  }
0x1: {  	(tag) =	ssettag $0x0;
	lr =	simm.s32 $0x1  }
0x2: {  	[smem:$0x3F83] =	sst lr;
	_ =	strace $0xD0000000  }
0x3: {  	_ = 	snop  }
0x4: {  	_ = 	snop  }
0x5: {  	_ = 	snop  }
0x6: {  	_ = 	snop  }
0x7: {  	_ = 	snop  }
__scs_overlays_trampoline_lowered:
0x8: {  	[smem:$0x3F92] =	sst s0  }
0x9: {  	[smem:$0x3F93] =	sst s1  }
0xa: {  	[smem:$0x3F94] =	sst s2  }
0xb: {  	[smem:$0x3F95] =	sst s3  }
0xc: {  	[smem:$0x3F96] =	sst s4  }
0xd: {  	[smem:$0x3F97] =	sst s5  }
0xe: {  	[smem:$0x3F98] =	sst s6  }
0xf: {  	[smem:$0x3F99] =	sst s7  }
0x10: {  	[smem:$0x3F9A] =	sst s8  }
0x11: {  	[smem:$0x3F9B] =	sst s9;
	s0 =	simm.s32 @!p0 $0x0  }
0x12: {  	s1 =	sld [smem:$0x3F81];
	s0 =	simm.s32 @p0 $0x1  }
0x13: {  	[smem:$0x3F9C] =	sst s0;
	s0 =	simm.s32 @!p1 $0x0  }
0x14: {  	s2 =	sld [smem:$0x3F80];
	s0 =	simm.s32 @p1 $0x1  }
0x15: {  	[smem:$0x3F9D] =	sst s0;
	s0 =	simm.s32 @!p2 $0x0  }
0x16: {  	s3 =	sld [smem:$0x3FDB];
	s0 =	simm.s32 @p2 $0x1  }
0x17: {  	s4 =	simm.s32 $0x1BF5;
	[smem:$0x3F9F] =	sst s0  }
0x18: {  	s0 =	sld [smem:$0x3F82];
	_ =	swait.ge [sflag:s4], $0x0  }
0x19: {  	s7 =	sld [smem:$0x3F83]  }
0x1a: {  	s8 =	sadd.s32 $0xFFFFE003, lr  }
0x1b: {  	s9 =	sadd.s32 $0xFFFFFEF7, lr;
	s5 =	simm.s32 $0xFFFFFFFF;
	p2 =	slt.u32 s8, $0xFFFFF086  }
0x1c: {  	p1 =	slt.u32 s9, $0xF7A;
	s5 =	simm.s32 @!p2 $0x0  }
0x1d: {  	s5 =	simm.s32 @p1 $0x1;
	p0 =	seq.s32 s7, s2  }
0x1e: {  	s7 =	smul.u32 @!p0 $0xF7A, s2;
	p2 =	seq.s32 @!p0 s5, $0x0  }
0x1f: {  	s9 =	smul.u32 $0xF7A, s1;
	s8 =	simm.s32 @!p0 $0x1BF5;
	p2 =	por !p2, p0  }
0x20: {  	[sflag:s8] =	ssyncset.s32 @!p0 $0xFFFFF086;
	s6 =	sadd.s32 @!p0 s3, s7;
	s7 =	simm.s32 @!p0 $0x108  }
0x21: {  	s3 =	sadd.s32 s3, s9;
	s6 =	sadd.s32 @!p0 $0x88, s6;
	s7 =	simm.s32 @p2 $0x1082  }
0x22: {  	[simem:s7], [sflag:s8] =	dma.local @!p0 [hbm:s6], $0xF7A  }
0x23: {  	s9 =	sor.u32 $0xD0000000, s2;
	s6 =	simm.s32 $0x108;
	_ =	swait.ge @!p0 [sflag:s8], $0x0  }
0x24: {  	s3 =	sadd.s32 $0x88, s3;
	s6 =	simm.s32 @!p1 $0x1082;
	[sflag:s4] =	ssyncset.s32 $0xFFFFF086  }
0x25: {  	[simem:s6], [sflag:s4] =	dma.local [hbm:s3], $0xF7A  }
0x26: {  	[smem:$0x3F83] =	sst s1;
	(tag) =	ssettag s2;
	_ =	strace s9  }
0x27: {  	s1 =	sld [smem:$0x3F93]  }
0x28: {  	s2 =	sld [smem:$0x3F94]  }
0x29: {  	s4 =	sld [smem:$0x3F96]  }
0x2a: {  	p0 =	seq.s32 s5, $0x0;
	s5 =	sld [smem:$0x3F97]  }
0x2b: {  	s6 =	sld [smem:$0x3F98]  }
0x2c: {  	s7 =	sld [smem:$0x3F99]  }
0x2d: {  	s3 =	simm.s32 $0x108;
	s8 =	sld [smem:$0x3F9A]  }
0x2e: {  	s3 =	simm.s32 @!p0 $0x1082;
	s9 =	sld [smem:$0x3F9B]  }
0x2f: {  	lr =	sadd.s32 s0, s3;
	s0 =	sld [smem:$0x3F92]  }
0x30: {  	s3 =	sld [smem:$0x3F95]  }
0x31: {  	[smem:$0x3F9E] =	sst s10  }
0x32: {  	s10 =	sld [smem:$0x3F9C];
	_ =	sdelay $0x3  }
0x33: {  	p0 =	seq.s32 s10, $0x1;
	s10 =	sld [smem:$0x3F9E];
	_ =	sdelay $0x3  }
0x34: {  	[smem:$0x3F9E] =	sst s10  }
0x35: {  	s10 =	sld [smem:$0x3F9D];
	_ =	sdelay $0x3  }
0x36: {  	p1 =	seq.s32 s10, $0x1;
	s10 =	sld [smem:$0x3F9E];
	_ =	sdelay $0x3  }
0x37: {  	[smem:$0x3F9E] =	sst s10  }
0x38: {  	s10 =	sld [smem:$0x3F9F]  }
0x39: {  	_ = 	snop;
	(pc) =	sbr.ind lr, $3  }
0x3a: {  	_ = 	snop  }
0x3b: {  	_ = 	snop  }
0x3c: {  	p2 =	seq.s32 s10, $0x1;
	s10 =	sld [smem:$0x3F9E]  }
0x3d: {  	_ =	shalt  }
0x3e: {  	_ =	shalt  }
0x3f: {  	_ =	shalt  }
0x40: {  	_ =	shalt  }
0x41: {  	_ =	shalt  }
0x42: {  	_ =	shalt  }
0x43: {  	_ =	shalt  }
0x44: {  	_ =	shalt  }
0x45: {  	_ =	shalt  }
0x46: {  	_ =	shalt  }
0x47: {  	_ =	shalt  }
0x48: {  	_ =	shalt  }
0x49: {  	_ =	shalt  }
0x4a: {  	_ =	shalt  }
0x4b: {  	_ =	shalt  }
0x4c: {  	_ =	shalt  }
0x4d: {  	_ =	shalt  }
0x4e: {  	_ =	shalt  }
0x4f: {  	_ =	shalt  }
0x50: {  	_ =	shalt  }
0x51: {  	_ =	shalt  }
0x52: {  	_ =	shalt  }
0x53: {  	_ =	shalt  }
0x54: {  	_ =	shalt  }
0x55: {  	_ =	shalt  }
0x56: {  	_ =	shalt  }
0x57: {  	_ =	shalt  }
0x58: {  	_ =	shalt  }
0x59: {  	_ =	shalt  }
0x5a: {  	_ =	shalt  }
0x5b: {  	_ =	shalt  }
0x5c: {  	_ =	shalt  }
0x5d: {  	_ =	shalt  }
0x5e: {  	_ =	shalt  }
0x5f: {  	_ =	shalt  }
0x60: {  	_ =	shalt  }
0x61: {  	_ =	shalt  }
0x62: {  	_ =	shalt  }
0x63: {  	_ =	shalt  }
0x64: {  	_ =	shalt  }
0x65: {  	_ =	shalt  }
0x66: {  	_ =	shalt  }
0x67: {  	_ =	shalt  }
0x68: {  	_ =	shalt  }
0x69: {  	_ =	shalt  }
0x6a: {  	_ =	shalt  }
0x6b: {  	_ =	shalt  }
0x6c: {  	_ =	shalt  }
0x6d: {  	_ =	shalt  }
0x6e: {  	_ =	shalt  }
0x6f: {  	_ =	shalt  }
0x70: {  	_ =	shalt  }
0x71: {  	_ =	shalt  }
0x72: {  	_ =	shalt  }
0x73: {  	_ =	shalt  }
0x74: {  	_ =	shalt  }
0x75: {  	_ =	shalt  }
0x76: {  	_ =	shalt  }
0x77: {  	_ =	shalt  }
0x78: {  	_ =	shalt  }
0x79: {  	_ =	shalt  }
0x7a: {  	_ =	shalt  }
0x7b: {  	_ =	shalt  }
0x7c: {  	_ =	shalt  }
0x7d: {  	_ =	shalt  }
0x7e: {  	_ =	shalt  }
0x7f: {  	_ =	shalt  }
0x80: {  	_ =	shalt  }
0x81: {  	_ =	shalt  }
0x82: {  	_ =	shalt  }
0x83: {  	_ =	shalt  }
0x84: {  	_ =	shalt  }
0x85: {  	_ =	shalt  }
0x86: {  	_ =	shalt  }
0x87: {  	_ =	shalt  }
.Lfunc_end0:
.L_simem_size_0:
called_computation_lowered:
.L_overlay_start_0:
0x88: {  	s2 =	sld [smem:$0x3FD9]  }
0x89: {  	s3 =	sld [smem:$0x3FFE];
	_ =	sdelay $0x1  }
0x8a: {  	s1 =	srdreg.scid  }
0x8b: {  	s0 =	sand.u32 $0x1, s1  }
0x8c: {  	s17 =	sshll.u32 s0, $0xA;
	s2 =	sadd.s32 s3, s2  }
0x8d: {  	s2 =	sadd.s32 s2, s17  }
0x8e: {  	[smem:$0x3FAA] =	sst s2  }
0x8f: {  	_ = 	snop  }
0x90: {  	s2 =	sld [smem:$0x3FC9];
	(tm) =	ssettm $0x1  }
0x91: {  	s18 =	sld [smem:$0x3FFB];
	_ =	sdelay $0x3  }
0x92: {  	_ =	strace s18  }
0x93: {  	s3 =	sld [smem:$0x3FFC];
	_ =	sdelay $0x3  }
0x94: {  	_ =	strace s3  }
0x95: {  	s3 =	sld [smem:$0x3FFD];
	_ =	sdelay $0x3  }
0x96: {  	_ =	strace s3  }
0x97: {  	_ =	strace $0x8FFFFFFF  }
0x98: {  	s19 =	sld [smem:$0x3FDB];
	_ =	sdelay $0x1  }
0x99: {  	s4 =	simm.s32 $_scs_section_size  }
0x9a: {  	s5 =	simm.s32 $_size__tile_overlayer_lowered;
	s6 =	simm.s32 $_tile_overlayer_lowered  }
0x9b: {  	s22 =	simm.s32 $0x1BFF;
	s21 =	sshll.u32 s6, $0x1;
	s3 =	sadd.s32 s4, s19  }
0x9c: {  	s7 =	simm.s32 $0x0;
	s20 =	sshll.u32 s5, $0x1;
	s5 =	sadd.s32 s21, s3  }
0x9d: {  	[timem:s7], [sflag:s22] =	dma.local [hbm:s5], s20  }
0x9e: {  	_ =	swait.ge [sflag:s22], s20  }
0x9f: {  	s4 =	ssub.s32 $0x0, s20;
	[sflag:s22] =	ssyncset.done $0x0  }
0xa0: {  	[sflag:s22] =	ssyncadd.s32 s4;
	_ =	sdelay $0x1  }
0xa1: {  	s23 =	simm.s32 $0x1B8B  }
0xa2: {  	_ =	swait.ge [sflag:s23], $0x1  }
0xa3: {  	[sflag:s23] =	ssyncset.done $0x0  }
0xa4: {  	s25 =	simm.s32 $0x1B8E;
	s24 =	sld [smem:$0x3FFE];
	[sflag:s23] =	ssyncadd.s32 $0xFFFFFFFF  }
0xa5: {  	s26 =	simm.s32 $execute0_lowered;
	[smem:$0x3FD2] =	sst s25  }
0xa6: {  	s5 =	sshll.u32 s26, $0x1;
	_ =	strace $0x80000046;
	[dreg:$0x1] =	wrdreg $0xFFFFFFFF  }
0xa7: {  	s28 =	simm.s32 $_size_execute0_lowered;
	s3 =	sadd.s32 s3, s5;
	[dreg:$0x0] =	wrdreg $0x0  }
0xa8: {  	s5 =	sshll.u32 s28, $0x1;
	[dreg:$0x2] =	wrdreg s3  }
0xa9: {  	[dreg:$0x3] =	wrdreg s5  }
0xaa: {  	[dreg:$0x4] =	wrdreg $0xC0  }
0xab: {  	_ =	task [dreg:s7], $0x5FFFF  }
0xac: {  	[dreg:$0x1] =	wrdreg $0xFFFFFFFF  }
0xad: {  	[dreg:$0x0] =	wrdreg $0x60  }
0xae: {  	[dreg:$0x2] =	wrdreg s2  }
0xaf: {  	[dreg:$0x3] =	wrdreg s24  }
0xb0: {  	[dreg:$0x4] =	wrdreg $0x0  }
0xb1: {  	[dreg:$0x5] =	wrdreg $0x9  }
0xb2: {  	_ =	task.clear_ibuf [dreg:s7], $0x6FFFF;
	_ =	strace $0x90000046  }
0xb3: {  	s29 =	simm.s32 $0x9;
	_ =	strace $0x8000004D  }
0xb4: {  	_ =	swait.ge [sflag:s29], $0x1  }
0xb5: {  	[sflag:s29] =	ssyncadd.s32 $0xFFFFFFFF  }
0xb6: {  	_ =	strace $0x9000004D  }
0xb7: {  	_ =	sfence  }
0xb8: {  	s30 =	sld [smem:$0x0];
	_ =	sdelay $0x2  }
0xb9: {  	s31 =	sshll.u32 s1, $0xD;
	s1 =	sshrl.u32 s1, $0x2  }
0xba: {  	s3 =	sand.u32 $0x4000, s31;
	s1 =	sadd.s32 s1, s30  }
0xbb: {  	s0 =	sor.u32 s3, s0;
	s1 =	sshll.u32 s1, $0x11  }
0xbc: {  	s0 =	sor.u32 s1, s0  }
0xbd: {  	s0 =	sadd.s32 $0x8F2B, s0  }
0xbe: {  	[sflag:s0] =	ssyncadd.remote.s32 $0x1  }
0xbf: {  	_ =	sfence.sel $0xFFFF  }
0xc0: {  	[dreg:$0x0] =	wrdreg $0xFFFFFFFF;
	(pc) =	sbr.abs _section_cstart, $3  }
0xc1: {  	[dreg:$0x1] =	wrdreg $0xFFFFFFFF  }
0xc2: {  	_ =	task.clear_ibuf [dreg:s7], $0x2FFFF;
	_ =	strace $0x9FFFFFFF  }
0xc3: {  	(tm) =	ssettm $0x7FFFFFFF  }
tec
execute0_lowered:
.L_overlay_start_1:
0x0: {  	(tag) =	ssettag $0x1  }
0x1: {  	s0 =	rddreg [dreg:$0x0]  }
0x2: {  	s1 =	srdreg.scid;
	s6 =	rddreg [dreg:$0x1]  }
0x3: {  	s3 =	rddreg [dreg:$0x2];
	s2 =	stileid.u32  }
0x4: {  	s4 =	simm.s32 $0x0;
	s12 =	simm.s32 $0x15000;
	s13 =	simm.s32 $0x4  }
0x5: {  	s14 =	simm.s32 $0x80;
	s15 =	simm.s32 $0x16400;
	s16 =	simm.s32 $0x13C80  }
0x6: {  	s17 =	simm.s32 $0x1A400;
	s18 =	simm.s32 $0x3;
	s19 =	simm.s32 $0x1  }
0x7: {  	s20 =	simm.s32 $0x5;
	s21 =	simm.s32 $0x2;
	s22 =	simm.s32 $0x16300  }
0x8: {  	s5 =	sand.u32 $0x1, s1;
	s1 =	rddreg [dreg:$0x3];
	s8 =	smul.u32 $0x4F000, s2  }
0x9: {  	s26 =	simm.s32 $0x0;
	[smem:$0x7FF] =	sst s4;
	s24 =	smul.u32 $0x2780, s2  }
0xa: {  	s25 =	sshll.u32 s2, $0x6;
	s7 =	sshll.u32 s5, $0x4;
	_ =	strace $0x80000047  }
0xb: {  	s9 =	smul.u32 $0x27800, s5;
	s10 =	ssub.s32 $0x2, s5;
	s5 =	sadd.s32 $0x19600, s6  }
0xc: {  	s7 =	sor.u32 s2, s7;
	s11 =	sshrl.u32 s10, $0x1;
	s8 =	sshrl.u32 s8, $0x2  }
0xd: {  	s7 =	smul.u32 $0x500, s7;
	s9 =	sadd.s32 s9, s6;
	s10 =	ssub.s32 s10, s11  }
0xe: {  	s31 =	sadd.s32 s8, s3;
	s11 =	simm.s32 $0x13C00;
	s23 =	sadd.s32 $0x1BE00, s9  }
0xf: {  	s8 =	smax.u32 s10, $0x1;
	s9 =	sor.u32 $0x1C03, s25;
	s10 =	sshrl.u32 s31, $0x3  }
0x10: {  	s25 =	sor.u32 $0x1C05, s25;
	s7 =	sadd.s32 s7, s6;
	s23 =	sadd.s32 s24, s23  }
0x11: {  	s24 =	simm.s32 $0x16380;
	s6 =	sadd.s32 $0x5600, s7;
	s7 =	sadd.s32 $0xF600, s7  }
.LBB2_1:
0x12: {  	_ =	strace $0x80000048  }
0x13: {  	[spmem:s10], [sflag:s9] =	dma.local [hbm:s5], $0x2780  }
0x14: {  	[tilespmem:s11], [sflag:$0x4] =	stream.linear.gather [hbm4b:s6+s4], $0x1400, $0x200038;
	[tilespmem:$0x1E400] =	vst v63  }
0x15: {  	_ = 	snop  }
0x16: {  	[tilespmem:s12], [sflag:$0x4] =	stream.linear.gather [hbm4b:s7+s4], $0x1400, $0x200038;
	[tilespmem:$0x1E400] =	vst v63  }
0x17: {  	_ =	swait.ge [sflag:s13], $0x1400  }
0x18: {  	[sflag:s13] =	ssyncset.done $0x0  }
0x19: {  	[sflag:s13] =	ssyncadd.s32 $0xFFFFEC00  }
0x1a: {  	_ =	swait.ge [sflag:s13], $0x1400  }
0x1b: {  	[sflag:s13] =	ssyncset.done $0x0  }
0x1c: {  	[sflag:s13] =	ssyncadd.s32 $0xFFFFEC00  }
0x1d: {  	[tilespmem:s15], [sflag:$0x1] =	stream.indirect.gather [hbm4b:s0+s14], $0x80, s11, s14, $0x2000b8;
	[tilespmem:$0x1E400] =	vst v63  }
0x1e: {  	_ = 	snop  }
0x1f: {  	[tilespmem:s17], [sflag:$0x2] =	stream.indirect.gather [hbm4b:s0+s14], $0x80, s16, s14, $0x2000b8;
	[tilespmem:$0x1E400] =	vst v63  }
0x20: {  	_ =	swait.ge [sflag:s18], $0x2780  }
0x21: {  	[sflag:s18] =	ssyncset.done $0x0  }
0x22: {  	[sflag:s18] =	ssyncadd.s32 $0xFFFFD880  }
0x23: {  	[bflag:$0x0] =	sbarrier.arrive $0xFFFF  }
0x24: {  	_ =	strace $0x90000048  }
0x25: {  	_ =	strace $0x80000049  }
0x26: {  	_ =	swait.ge [sflag:s19], $0x4000  }
0x27: {  	[sflag:s19] =	ssyncset.done $0x0  }
0x28: {  	s28 =	simm.s32 $0x15000;
	[sflag:s19] =	ssyncadd.s32 $0xFFFFC000  }
0x29: {  	[spmem:s3] =	stream.indirect.scatter.add.f32 [tilespmem:s15], [sflag:$0x5], $0x80, s28, s14, $0x2000b8;
	[tilespmem:$0x1E400] =	vst v63  }
0x2a: {  	_ =	swait.ge [sflag:s20], $0x4000  }
0x2b: {  	[sflag:s20] =	ssyncset.done $0x0  }
0x2c: {  	s28 =	simm.s32 $0x13D00;
	[sflag:s20] =	ssyncadd.s32 $0xFFFFC000  }
0x2d: {  	[tilespmem:s15], [sflag:$0x1] =	stream.indirect.gather [hbm4b:s0+s14], $0x80, s28, s14, $0x2000b8;
	[tilespmem:$0x1E400] =	vst v63  }
0x2e: {  	_ =	swait.ge [sflag:s21], $0x4000  }
0x2f: {  	[sflag:s21] =	ssyncset.done $0x0  }
0x30: {  	s28 =	simm.s32 $0x15080;
	[sflag:s21] =	ssyncadd.s32 $0xFFFFC000  }
0x31: {  	[spmem:s3] =	stream.indirect.scatter.add.f32 [tilespmem:s17], [sflag:$0x5], $0x80, s28, s14, $0x2000b8;
	[tilespmem:$0x1E400] =	vst v63  }
0x32: {  	_ =	swait.ge [sflag:s20], $0x4000  }
0x33: {  	[sflag:s20] =	ssyncset.done $0x0  }
0x34: {  	s29 =	simm.s32 $0x13D80;
	s28 =	simm.s32 $0x400;
	[sflag:s20] =	ssyncadd.s32 $0xFFFFC000  }
.LBB2_2:
0x35: {  	[tilespmem:s17], [sflag:$0x2] =	stream.indirect.gather [hbm4b:s0+s14], $0x80, s29, s14, $0x2000b8;
	[tilespmem:$0x1E400] =	vst v63  }
0x36: {  	s29 =	smov.u32 s28  }
0x37: {  	p0 =	sne.s32 s28, $0x4800;
	s28 =	sadd.s32 $0x400, s28;
	_ =	swait.ge [sflag:s19], $0x4000  }
0x38: {  	s29 =	sshra.s32 s29, $0x2;
	[sflag:s19] =	ssyncset.done $0x0  }
0x39: {  	s30 =	sadd.s32 $0x15000, s29;
	[sflag:s19] =	ssyncadd.s32 $0xFFFFC000  }
0x3a: {  	[spmem:s3] =	stream.indirect.scatter.add.f32 [tilespmem:s15], [sflag:$0x5], $0x80, s30, s14, $0x2000b8;
	[tilespmem:$0x1E400] =	vst v63  }
0x3b: {  	_ =	swait.ge [sflag:s20], $0x4000  }
0x3c: {  	[sflag:s20] =	ssyncset.done $0x0  }
0x3d: {  	s30 =	sadd.s32 $0x13D00, s29;
	[sflag:s20] =	ssyncadd.s32 $0xFFFFC000  }
0x3e: {  	[tilespmem:s15], [sflag:$0x1] =	stream.indirect.gather [hbm4b:s0+s14], $0x80, s30, s14, $0x2000b8;
	[tilespmem:$0x1E400] =	vst v63  }
0x3f: {  	_ =	swait.ge [sflag:s21], $0x4000  }
0x40: {  	[sflag:s21] =	ssyncset.done $0x0  }
.Ltmp0:
0x41: {  	s30 =	sadd.s32 $0x15080, s29;
	[sflag:s21] =	ssyncadd.s32 $0xFFFFC000;
	(pc) =	sbr.rel @p0 .LBB2_2-.Ltmp0, $4  }
0x42: {  	[spmem:s3] =	stream.indirect.scatter.add.f32 [tilespmem:s17], [sflag:$0x5], $0x80, s30, s14, $0x2000b8;
	[tilespmem:$0x1E400] =	vst v63  }
0x43: {  	_ =	swait.ge [sflag:s20], $0x4000  }
0x44: {  	[sflag:s20] =	ssyncset.done $0x0  }
0x45: {  	s29 =	sadd.s32 $0x13D80, s29;
	[sflag:s20] =	ssyncadd.s32 $0xFFFFC000  }
0x46: {  	[tilespmem:s17], [sflag:$0x2] =	stream.indirect.gather [hbm4b:s0+s14], $0x80, s29, s14, $0x2000b8;
	[tilespmem:$0x1E400] =	vst v63  }
0x47: {  	_ =	swait.ge [sflag:s19], $0x4000  }
0x48: {  	[sflag:s19] =	ssyncset.done $0x0  }
0x49: {  	[sflag:s19] =	ssyncadd.s32 $0xFFFFC000  }
0x4a: {  	[spmem:s3] =	stream.indirect.scatter.add.f32 [tilespmem:s15], [sflag:$0x5], $0x80, s22, s14, $0x2000b8;
	[tilespmem:$0x1E400] =	vst v63  }
0x4b: {  	_ =	swait.ge [sflag:s20], $0x4000  }
0x4c: {  	[sflag:s20] =	ssyncset.done $0x0  }
0x4d: {  	[sflag:s20] =	ssyncadd.s32 $0xFFFFC000  }
0x4e: {  	_ =	swait.ge [sflag:s21], $0x4000  }
0x4f: {  	[sflag:s21] =	ssyncset.done $0x0  }
0x50: {  	[sflag:s21] =	ssyncadd.s32 $0xFFFFC000  }
0x51: {  	[spmem:s3] =	stream.indirect.scatter.add.f32 [tilespmem:s17], [sflag:$0x5], $0x80, s24, s14, $0x2000b8;
	[tilespmem:$0x1E400] =	vst v63  }
0x52: {  	_ =	swait.ge [sflag:s20], $0x4000  }
0x53: {  	[sflag:s20] =	ssyncset.done $0x0  }
0x54: {  	[sflag:s20] =	ssyncadd.s32 $0xFFFFC000  }
0x55: {  	_ =	strace $0x90000049  }
0x56: {  	s28 =	sadd.s32 $0x280, s6;
	s29 =	simm.s32 $0x0;
	_ =	strace $0x8000004A  }
0x57: {  	[tilespmem:s11], [sflag:$0x5] =	stream.linear.gather [hbm4b:s28+s29], $0x1400, $0x200038;
	[tilespmem:$0x1E400] =	vst v63  }
0x58: {  	_ =	swait.ge [sflag:s20], $0x1400  }
0x59: {  	[sflag:s20] =	ssyncset.done $0x0  }
0x5a: {  	s28 =	sadd.s32 $0x280, s7;
	[sflag:s20] =	ssyncadd.s32 $0xFFFFEC00  }
0x5b: {  	[tilespmem:s12], [sflag:$0x5] =	stream.linear.gather [hbm4b:s28+s29], $0x1400, $0x200038;
	[tilespmem:$0x1E400] =	vst v63  }
0x5c: {  	_ =	swait.ge [sflag:s20], $0x1400  }
0x5d: {  	[sflag:s20] =	ssyncset.done $0x0  }
0x5e: {  	[sflag:s20] =	ssyncadd.s32 $0xFFFFEC00  }
0x5f: {  	_ =	strace $0x9000004A  }
0x60: {  	_ =	strace $0x8000004B  }
0x61: {  	[tilespmem:s15], [sflag:$0x1] =	stream.indirect.gather [hbm4b:s0+s14], $0x80, s11, s14, $0x2000b8;
	[tilespmem:$0x1E400] =	vst v63  }
0x62: {  	_ = 	snop  }
0x63: {  	[tilespmem:s17], [sflag:$0x2] =	stream.indirect.gather [hbm4b:s0+s14], $0x80, s16, s14, $0x2000b8;
	[tilespmem:$0x1E400] =	vst v63  }
0x64: {  	_ =	swait.ge [sflag:s19], $0x4000  }
0x65: {  	[sflag:s19] =	ssyncset.done $0x0  }
0x66: {  	s28 =	simm.s32 $0x15000;
	[sflag:s19] =	ssyncadd.s32 $0xFFFFC000  }
0x67: {  	[spmem:s3] =	stream.indirect.scatter.add.f32 [tilespmem:s15], [sflag:$0x5], $0x80, s28, s14, $0x2000b8;
	[tilespmem:$0x1E400] =	vst v63  }
0x68: {  	_ =	swait.ge [sflag:s20], $0x4000  }
0x69: {  	[sflag:s20] =	ssyncset.done $0x0  }
0x6a: {  	s28 =	simm.s32 $0x13D00;
	[sflag:s20] =	ssyncadd.s32 $0xFFFFC000  }
0x6b: {  	[tilespmem:s15], [sflag:$0x1] =	stream.indirect.gather [hbm4b:s0+s14], $0x80, s28, s14, $0x2000b8;
	[tilespmem:$0x1E400] =	vst v63  }
0x6c: {  	_ =	swait.ge [sflag:s21], $0x4000  }
0x6d: {  	[sflag:s21] =	ssyncset.done $0x0  }
0x6e: {  	s28 =	simm.s32 $0x15080;
	[sflag:s21] =	ssyncadd.s32 $0xFFFFC000  }
0x6f: {  	[spmem:s3] =	stream.indirect.scatter.add.f32 [tilespmem:s17], [sflag:$0x5], $0x80, s28, s14, $0x2000b8;
	[tilespmem:$0x1E400] =	vst v63  }
0x70: {  	_ =	swait.ge [sflag:s20], $0x4000  }
0x71: {  	[sflag:s20] =	ssyncset.done $0x0  }
0x72: {  	s29 =	simm.s32 $0x13D80;
	s28 =	simm.s32 $0x400;
	[sflag:s20] =	ssyncadd.s32 $0xFFFFC000  }
.LBB2_4:
0x73: {  	[tilespmem:s17], [sflag:$0x2] =	stream.indirect.gather [hbm4b:s0+s14], $0x80, s29, s14, $0x2000b8;
	[tilespmem:$0x1E400] =	vst v63  }
0x74: {  	s29 =	smov.u32 s28  }
0x75: {  	p0 =	sne.s32 s28, $0x4800;
	s28 =	sadd.s32 $0x400, s28;
	_ =	swait.ge [sflag:s19], $0x4000  }
0x76: {  	s29 =	sshra.s32 s29, $0x2;
	[sflag:s19] =	ssyncset.done $0x0  }
0x77: {  	s30 =	sadd.s32 $0x15000, s29;
	[sflag:s19] =	ssyncadd.s32 $0xFFFFC000  }
0x78: {  	[spmem:s3] =	stream.indirect.scatter.add.f32 [tilespmem:s15], [sflag:$0x5], $0x80, s30, s14, $0x2000b8;
	[tilespmem:$0x1E400] =	vst v63  }
0x79: {  	_ =	swait.ge [sflag:s20], $0x4000  }
0x7a: {  	[sflag:s20] =	ssyncset.done $0x0  }
0x7b: {  	s30 =	sadd.s32 $0x13D00, s29;
	[sflag:s20] =	ssyncadd.s32 $0xFFFFC000  }
0x7c: {  	[tilespmem:s15], [sflag:$0x1] =	stream.indirect.gather [hbm4b:s0+s14], $0x80, s30, s14, $0x2000b8;
	[tilespmem:$0x1E400] =	vst v63  }
0x7d: {  	_ =	swait.ge [sflag:s21], $0x4000  }
0x7e: {  	[sflag:s21] =	ssyncset.done $0x0  }
.Ltmp1:
0x7f: {  	s30 =	sadd.s32 $0x15080, s29;
	[sflag:s21] =	ssyncadd.s32 $0xFFFFC000;
	(pc) =	sbr.rel @p0 .LBB2_4-.Ltmp1, $4  }
0x80: {  	[spmem:s3] =	stream.indirect.scatter.add.f32 [tilespmem:s17], [sflag:$0x5], $0x80, s30, s14, $0x2000b8;
	[tilespmem:$0x1E400] =	vst v63  }
0x81: {  	_ =	swait.ge [sflag:s20], $0x4000  }
0x82: {  	[sflag:s20] =	ssyncset.done $0x0  }
0x83: {  	s29 =	sadd.s32 $0x13D80, s29;
	[sflag:s20] =	ssyncadd.s32 $0xFFFFC000  }
0x84: {  	[tilespmem:s17], [sflag:$0x2] =	stream.indirect.gather [hbm4b:s0+s14], $0x80, s29, s14, $0x2000b8;
	[tilespmem:$0x1E400] =	vst v63  }
0x85: {  	_ =	swait.ge [sflag:s19], $0x4000  }
0x86: {  	[sflag:s19] =	ssyncset.done $0x0  }
0x87: {  	[sflag:s19] =	ssyncadd.s32 $0xFFFFC000  }
0x88: {  	[spmem:s3] =	stream.indirect.scatter.add.f32 [tilespmem:s15], [sflag:$0x5], $0x80, s22, s14, $0x2000b8;
	[tilespmem:$0x1E400] =	vst v63  }
0x89: {  	_ =	swait.ge [sflag:s20], $0x4000  }
0x8a: {  	[sflag:s20] =	ssyncset.done $0x0  }
0x8b: {  	[sflag:s20] =	ssyncadd.s32 $0xFFFFC000  }
0x8c: {  	_ =	swait.ge [sflag:s21], $0x4000  }
0x8d: {  	[sflag:s21] =	ssyncset.done $0x0  }
0x8e: {  	[sflag:s21] =	ssyncadd.s32 $0xFFFFC000  }
0x8f: {  	[spmem:s3] =	stream.indirect.scatter.add.f32 [tilespmem:s17], [sflag:$0x5], $0x80, s24, s14, $0x2000b8;
	[tilespmem:$0x1E400] =	vst v63  }
0x90: {  	_ =	swait.ge [sflag:s20], $0x4000  }
0x91: {  	[sflag:s20] =	ssyncset.done $0x0  }
0x92: {  	[sflag:s20] =	ssyncadd.s32 $0xFFFFC000  }
0x93: {  	_ =	strace $0x9000004B  }
0x94: {  	s26 =	sadd.s32 $0x1, s26;
	[bflag:$0x0] =	sbarrier.arrive $0xFFFF  }
0x95: {  	p0 =	sne.s32 s26, s8;
	_ =	strace $0x8000004C  }
0x96: {  	[hbm:s23], [sflag:s25] =	dma.local [spmem:s10], $0x2780  }
.Ltmp2:
0x97: {  	_ = 	snop;
	(pc) =	sbr.rel @p0 .LBB2_1-.Ltmp2, $4  }
0x98: {  	_ =	swait.ge [sflag:s20], $0x2780  }
0x99: {  	[sflag:s20] =	ssyncset.done $0x0  }
0x9a: {  	[sflag:s20] =	ssyncadd.s32 $0xFFFFD880  }
0x9b: {  	_ =	strace $0x9000004C  }
0x9c: {  	_ =	sfence.sel $0x180000  }
0x9d: {  	[bflag:$0x0] =	sbarrier.arrive $0xFFFF  }
0x9e: {  	p0 =	sne.s32 s2, $0x0;
	_ =	strace $0x90000047  }
0x9f: {  	s0 =	sadd.s32 @!p0 $0x100000, s1;
	[bflag:$0x2] =	sbarrier.arrive $0xFFFF  }
0xa0: {  	[sflag:s0] =	ssyncadd.tile.s32 @!p0 $0x1;
	_ =	shalt  }
.Lfunc_end2:
_tile_overlayer_lowered:
.L_overlay_start_2:
0xa1: {  	(tag) =	ssettag $0x2  }
0xa2: {  	s0 =	rddreg [dreg:$0x0];
	s2 =	stileid.u32  }
0xa3: {  	s1 =	rddreg [dreg:$0x1];
	p0 =	sne.s32 s2, $0x0  }
0xa4: {  	s3 =	rddreg [dreg:$0x2];
	[bflag:$0x3] =	sbarrier.arrive $0xFFFF;
	s2 =	simm.s32 @!p0 $0x1C05  }
0xa5: {  	[timem:s3], [sflag:s2] =	dma.local @!p0 [hbm:s0], s1  }
0xa6: {  	s0 =	simm.s32 @!p0 $0x5  }
0xa7: {  	_ =	swait.ge @!p0 [sflag:s0], s1  }
0xa8: {  	s1 =	ssub.s32 @!p0 $0x0, s1;
	[sflag:s0] =	ssyncset.done @!p0 $0x0  }
0xa9: {  	[sflag:s0] =	ssyncadd.s32 @!p0 s1  }
0xaa: {  	[bflag:$0x3] =	sbarrier.arrive $0xFFFF  }
0xab: {  	_ =	shalt  }

// kernel: kernel.13.cloned.1.call-start
scs
__scs_entry_jumppad:
0x0: {  	(pc) =	sbr.rel $0x88, $3  }
0x1: {  	(tag) =	ssettag $0x0;
	lr =	simm.s32 $0x1  }
0x2: {  	[smem:$0x3F83] =	sst lr;
	_ =	strace $0xD0000000  }
0x3: {  	_ = 	snop  }
0x4: {  	_ = 	snop  }
0x5: {  	_ = 	snop  }
0x6: {  	_ = 	snop  }
0x7: {  	_ = 	snop  }
__scs_overlays_trampoline_lowered:
0x8: {  	[smem:$0x3F92] =	sst s0  }
0x9: {  	[smem:$0x3F93] =	sst s1  }
0xa: {  	[smem:$0x3F94] =	sst s2  }
0xb: {  	[smem:$0x3F95] =	sst s3  }
0xc: {  	[smem:$0x3F96] =	sst s4  }
0xd: {  	[smem:$0x3F97] =	sst s5  }
0xe: {  	[smem:$0x3F98] =	sst s6  }
0xf: {  	[smem:$0x3F99] =	sst s7  }
0x10: {  	[smem:$0x3F9A] =	sst s8  }
0x11: {  	[smem:$0x3F9B] =	sst s9;
	s0 =	simm.s32 @!p0 $0x0  }
0x12: {  	s1 =	sld [smem:$0x3F81];
	s0 =	simm.s32 @p0 $0x1  }
0x13: {  	[smem:$0x3F9C] =	sst s0;
	s0 =	simm.s32 @!p1 $0x0  }
0x14: {  	s2 =	sld [smem:$0x3F80];
	s0 =	simm.s32 @p1 $0x1  }
0x15: {  	[smem:$0x3F9D] =	sst s0;
	s0 =	simm.s32 @!p2 $0x0  }
0x16: {  	s3 =	sld [smem:$0x3FDB];
	s0 =	simm.s32 @p2 $0x1  }
0x17: {  	s4 =	simm.s32 $0x1BF5;
	[smem:$0x3F9F] =	sst s0  }
0x18: {  	s0 =	sld [smem:$0x3F82];
	_ =	swait.ge [sflag:s4], $0x0  }
0x19: {  	s7 =	sld [smem:$0x3F83]  }
0x1a: {  	s8 =	sadd.s32 $0xFFFFE003, lr  }
0x1b: {  	s9 =	sadd.s32 $0xFFFFFEF7, lr;
	s5 =	simm.s32 $0xFFFFFFFF;
	p2 =	slt.u32 s8, $0xFFFFF086  }
0x1c: {  	p1 =	slt.u32 s9, $0xF7A;
	s5 =	simm.s32 @!p2 $0x0  }
0x1d: {  	s5 =	simm.s32 @p1 $0x1;
	p0 =	seq.s32 s7, s2  }
0x1e: {  	s7 =	smul.u32 @!p0 $0xF7A, s2;
	p2 =	seq.s32 @!p0 s5, $0x0  }
0x1f: {  	s9 =	smul.u32 $0xF7A, s1;
	s8 =	simm.s32 @!p0 $0x1BF5;
	p2 =	por !p2, p0  }
0x20: {  	[sflag:s8] =	ssyncset.s32 @!p0 $0xFFFFF086;
	s6 =	sadd.s32 @!p0 s3, s7;
	s7 =	simm.s32 @!p0 $0x108  }
0x21: {  	s3 =	sadd.s32 s3, s9;
	s6 =	sadd.s32 @!p0 $0x88, s6;
	s7 =	simm.s32 @p2 $0x1082  }
0x22: {  	[simem:s7], [sflag:s8] =	dma.local @!p0 [hbm:s6], $0xF7A  }
0x23: {  	s9 =	sor.u32 $0xD0000000, s2;
	s6 =	simm.s32 $0x108;
	_ =	swait.ge @!p0 [sflag:s8], $0x0  }
0x24: {  	s3 =	sadd.s32 $0x88, s3;
	s6 =	simm.s32 @!p1 $0x1082;
	[sflag:s4] =	ssyncset.s32 $0xFFFFF086  }
0x25: {  	[simem:s6], [sflag:s4] =	dma.local [hbm:s3], $0xF7A  }
0x26: {  	[smem:$0x3F83] =	sst s1;
	(tag) =	ssettag s2;
	_ =	strace s9  }
0x27: {  	s1 =	sld [smem:$0x3F93]  }
0x28: {  	s2 =	sld [smem:$0x3F94]  }
0x29: {  	s4 =	sld [smem:$0x3F96]  }
0x2a: {  	p0 =	seq.s32 s5, $0x0;
	s5 =	sld [smem:$0x3F97]  }
0x2b: {  	s6 =	sld [smem:$0x3F98]  }
0x2c: {  	s7 =	sld [smem:$0x3F99]  }
0x2d: {  	s3 =	simm.s32 $0x108;
	s8 =	sld [smem:$0x3F9A]  }
0x2e: {  	s3 =	simm.s32 @!p0 $0x1082;
	s9 =	sld [smem:$0x3F9B]  }
0x2f: {  	lr =	sadd.s32 s0, s3;
	s0 =	sld [smem:$0x3F92]  }
0x30: {  	s3 =	sld [smem:$0x3F95]  }
0x31: {  	[smem:$0x3F9E] =	sst s10  }
0x32: {  	s10 =	sld [smem:$0x3F9C];
	_ =	sdelay $0x3  }
0x33: {  	p0 =	seq.s32 s10, $0x1;
	s10 =	sld [smem:$0x3F9E];
	_ =	sdelay $0x3  }
0x34: {  	[smem:$0x3F9E] =	sst s10  }
0x35: {  	s10 =	sld [smem:$0x3F9D];
	_ =	sdelay $0x3  }
0x36: {  	p1 =	seq.s32 s10, $0x1;
	s10 =	sld [smem:$0x3F9E];
	_ =	sdelay $0x3  }
0x37: {  	[smem:$0x3F9E] =	sst s10  }
0x38: {  	s10 =	sld [smem:$0x3F9F]  }
0x39: {  	_ = 	snop;
	(pc) =	sbr.ind lr, $3  }
0x3a: {  	_ = 	snop  }
0x3b: {  	_ = 	snop  }
0x3c: {  	p2 =	seq.s32 s10, $0x1;
	s10 =	sld [smem:$0x3F9E]  }
0x3d: {  	_ =	shalt  }
0x3e: {  	_ =	shalt  }
0x3f: {  	_ =	shalt  }
0x40: {  	_ =	shalt  }
0x41: {  	_ =	shalt  }
0x42: {  	_ =	shalt  }
0x43: {  	_ =	shalt  }
0x44: {  	_ =	shalt  }
0x45: {  	_ =	shalt  }
0x46: {  	_ =	shalt  }
0x47: {  	_ =	shalt  }
0x48: {  	_ =	shalt  }
0x49: {  	_ =	shalt  }
0x4a: {  	_ =	shalt  }
0x4b: {  	_ =	shalt  }
0x4c: {  	_ =	shalt  }
0x4d: {  	_ =	shalt  }
0x4e: {  	_ =	shalt  }
0x4f: {  	_ =	shalt  }
0x50: {  	_ =	shalt  }
0x51: {  	_ =	shalt  }
0x52: {  	_ =	shalt  }
0x53: {  	_ =	shalt  }
0x54: {  	_ =	shalt  }
0x55: {  	_ =	shalt  }
0x56: {  	_ =	shalt  }
0x57: {  	_ =	shalt  }
0x58: {  	_ =	shalt  }
0x59: {  	_ =	shalt  }
0x5a: {  	_ =	shalt  }
0x5b: {  	_ =	shalt  }
0x5c: {  	_ =	shalt  }
0x5d: {  	_ =	shalt  }
0x5e: {  	_ =	shalt  }
0x5f: {  	_ =	shalt  }
0x60: {  	_ =	shalt  }
0x61: {  	_ =	shalt  }
0x62: {  	_ =	shalt  }
0x63: {  	_ =	shalt  }
0x64: {  	_ =	shalt  }
0x65: {  	_ =	shalt  }
0x66: {  	_ =	shalt  }
0x67: {  	_ =	shalt  }
0x68: {  	_ =	shalt  }
0x69: {  	_ =	shalt  }
0x6a: {  	_ =	shalt  }
0x6b: {  	_ =	shalt  }
0x6c: {  	_ =	shalt  }
0x6d: {  	_ =	shalt  }
0x6e: {  	_ =	shalt  }
0x6f: {  	_ =	shalt  }
0x70: {  	_ =	shalt  }
0x71: {  	_ =	shalt  }
0x72: {  	_ =	shalt  }
0x73: {  	_ =	shalt  }
0x74: {  	_ =	shalt  }
0x75: {  	_ =	shalt  }
0x76: {  	_ =	shalt  }
0x77: {  	_ =	shalt  }
0x78: {  	_ =	shalt  }
0x79: {  	_ =	shalt  }
0x7a: {  	_ =	shalt  }
0x7b: {  	_ =	shalt  }
0x7c: {  	_ =	shalt  }
0x7d: {  	_ =	shalt  }
0x7e: {  	_ =	shalt  }
0x7f: {  	_ =	shalt  }
0x80: {  	_ =	shalt  }
0x81: {  	_ =	shalt  }
0x82: {  	_ =	shalt  }
0x83: {  	_ =	shalt  }
0x84: {  	_ =	shalt  }
0x85: {  	_ =	shalt  }
0x86: {  	_ =	shalt  }
0x87: {  	_ =	shalt  }
.Lfunc_end0:
.L_simem_size_0:
called_computation.1_lowered:
.L_overlay_start_0:
0x88: {  	s2 =	sld [smem:$0x3FD9]  }
0x89: {  	s3 =	sld [smem:$0x3FFE];
	_ =	sdelay $0x1  }
0x8a: {  	s1 =	srdreg.scid  }
0x8b: {  	s0 =	sand.u32 $0x1, s1  }
0x8c: {  	s16 =	sshll.u32 s0, $0xA;
	s2 =	sadd.s32 s3, s2  }
0x8d: {  	s2 =	sadd.s32 s2, s16  }
0x8e: {  	[smem:$0x3FAA] =	sst s2  }
0x8f: {  	_ = 	snop  }
0x90: {  	(tm) =	ssettm $0x1  }
0x91: {  	s17 =	sld [smem:$0x3FFB];
	_ =	sdelay $0x3  }
0x92: {  	_ =	strace s17  }
0x93: {  	s2 =	sld [smem:$0x3FFC];
	_ =	sdelay $0x3  }
0x94: {  	_ =	strace s2  }
0x95: {  	s2 =	sld [smem:$0x3FFD];
	_ =	sdelay $0x3  }
0x96: {  	_ =	strace s2  }
0x97: {  	_ =	strace $0x8FFFFFFF  }
0x98: {  	s18 =	sld [smem:$0x3FDB];
	_ =	sdelay $0x1  }
0x99: {  	s19 =	simm.s32 $_scs_section_size  }
0x9a: {  	s4 =	simm.s32 $_size__tile_overlayer_lowered;
	s5 =	simm.s32 $_tile_overlayer_lowered  }
0x9b: {  	s22 =	simm.s32 $0x1BFF;
	s21 =	sshll.u32 s5, $0x1;
	s2 =	sadd.s32 s19, s18  }
0x9c: {  	s6 =	simm.s32 $0x0;
	s20 =	sshll.u32 s4, $0x1;
	s4 =	sadd.s32 s21, s2  }
0x9d: {  	[timem:s6], [sflag:s22] =	dma.local [hbm:s4], s20  }
0x9e: {  	_ =	swait.ge [sflag:s22], s20  }
0x9f: {  	s3 =	ssub.s32 $0x0, s20;
	[sflag:s22] =	ssyncset.done $0x0  }
0xa0: {  	[sflag:s22] =	ssyncadd.s32 s3;
	_ =	sdelay $0x1  }
0xa1: {  	s23 =	simm.s32 $0x1B8B  }
0xa2: {  	_ =	swait.ge [sflag:s23], $0x1  }
0xa3: {  	[sflag:s23] =	ssyncset.done $0x0  }
0xa4: {  	s25 =	simm.s32 $0x1B8E;
	s24 =	sld [smem:$0x3FFE];
	[sflag:s23] =	ssyncadd.s32 $0xFFFFFFFF  }
0xa5: {  	s26 =	simm.s32 $execute0_lowered;
	[smem:$0x3FD2] =	sst s25  }
0xa6: {  	s4 =	sshll.u32 s26, $0x1;
	_ =	strace $0x8000004E;
	[dreg:$0x1] =	wrdreg $0xFFFFFFFF  }
0xa7: {  	s28 =	simm.s32 $_size_execute0_lowered;
	s2 =	sadd.s32 s2, s4;
	[dreg:$0x0] =	wrdreg $0x0  }
0xa8: {  	s4 =	sshll.u32 s28, $0x1;
	[dreg:$0x2] =	wrdreg s2  }
0xa9: {  	[dreg:$0x3] =	wrdreg s4  }
0xaa: {  	[dreg:$0x4] =	wrdreg $0xC0  }
0xab: {  	_ =	task [dreg:s6], $0x5FFFF  }
0xac: {  	[dreg:$0x1] =	wrdreg $0xFFFFFFFF  }
0xad: {  	[dreg:$0x0] =	wrdreg $0x60  }
0xae: {  	[dreg:$0x2] =	wrdreg s24  }
0xaf: {  	[dreg:$0x3] =	wrdreg $0x0  }
0xb0: {  	[dreg:$0x4] =	wrdreg $0x9  }
0xb1: {  	_ =	task.clear_ibuf [dreg:s6], $0x5FFFF;
	_ =	strace $0x9000004E  }
0xb2: {  	s29 =	simm.s32 $0x9;
	_ =	strace $0x80000055  }
0xb3: {  	_ =	swait.ge [sflag:s29], $0x1  }
0xb4: {  	[sflag:s29] =	ssyncadd.s32 $0xFFFFFFFF  }
0xb5: {  	_ =	strace $0x90000055  }
0xb6: {  	_ =	sfence  }
0xb7: {  	s30 =	sld [smem:$0x0];
	_ =	sdelay $0x2  }
0xb8: {  	s31 =	sshll.u32 s1, $0xD;
	s1 =	sshrl.u32 s1, $0x2  }
0xb9: {  	s3 =	sand.u32 $0x4000, s31;
	s1 =	sadd.s32 s1, s30  }
0xba: {  	s0 =	sor.u32 s3, s0;
	s1 =	sshll.u32 s1, $0x11  }
0xbb: {  	s0 =	sor.u32 s1, s0  }
0xbc: {  	s0 =	sadd.s32 $0x8F2B, s0  }
0xbd: {  	[sflag:s0] =	ssyncadd.remote.s32 $0x1  }
0xbe: {  	_ =	sfence.sel $0xFFFF  }
0xbf: {  	[dreg:$0x0] =	wrdreg $0xFFFFFFFF;
	(pc) =	sbr.abs _section_cstart, $3  }
0xc0: {  	[dreg:$0x1] =	wrdreg $0xFFFFFFFF  }
0xc1: {  	_ =	task.clear_ibuf [dreg:s6], $0x2FFFF;
	_ =	strace $0x9FFFFFFF  }
0xc2: {  	(tm) =	ssettm $0x7FFFFFFF  }
0xc3: {  	_ =	shalt  }
tec
execute0_lowered:
.L_overlay_start_1:
0x0: {  	(tag) =	ssettag $0x1  }
0x1: {  	s0 =	srdreg.scid;
	s6 =	rddreg [dreg:$0x0]  }
0x2: {  	s2 =	rddreg [dreg:$0x1];
	s1 =	stileid.u32;
	s3 =	simm.s32 $0x0  }
0x3: {  	s12 =	simm.s32 $0x15000;
	s13 =	simm.s32 $0x4;
	s14 =	simm.s32 $0x80  }
0x4: {  	s15 =	simm.s32 $0x16400;
	s16 =	simm.s32 $0x13C80;
	s17 =	simm.s32 $0x1A400  }
0x5: {  	s18 =	simm.s32 $0x3;
	s19 =	simm.s32 $0x1;
	s20 =	simm.s32 $0x5  }
0x6: {  	s21 =	simm.s32 $0x2;
	s22 =	simm.s32 $0x16300;
	s26 =	simm.s32 $0x0  }
0x7: {  	s5 =	sand.u32 $0x1, s0;
	s0 =	rddreg [dreg:$0x2];
	s8 =	smul.u32 $0x4F000, s1  }
0x8: {  	[smem:$0x7FF] =	sst s3;
	s24 =	smul.u32 $0x2780, s1;
	s25 =	sshll.u32 s1, $0x6  }
0x9: {  	s4 =	sshll.u32 s5, $0x4;
	_ =	strace $0x8000004F;
	s9 =	smul.u32 $0x27800, s5  }
0xa: {  	s10 =	ssub.s32 $0x2, s5;
	s5 =	sadd.s32 $0x19600, s6;
	s4 =	sor.u32 s1, s4  }
0xb: {  	s11 =	sshrl.u32 s10, $0x1;
	s8 =	sshrl.u32 s8, $0x2;
	s7 =	smul.u32 $0x500, s4  }
0xc: {  	s4 =	sadd.s32 $0x1BE00, s6;
	s9 =	sadd.s32 s9, s6;
	s10 =	ssub.s32 s10, s11  }
0xd: {  	s31 =	sadd.s32 s8, s2;
	s11 =	simm.s32 $0x13C00;
	s23 =	sadd.s32 $0x43000, s9  }
0xe: {  	s8 =	smax.u32 s10, $0x1;
	s9 =	sor.u32 $0x1C03, s25;
	s10 =	sshrl.u32 s31, $0x3  }
0xf: {  	s25 =	sor.u32 $0x1C05, s25;
	s7 =	sadd.s32 s7, s6;
	s23 =	sadd.s32 s24, s23  }
0x10: {  	s24 =	simm.s32 $0x16380;
	s6 =	sadd.s32 $0x5600, s7;
	s7 =	sadd.s32 $0xF600, s7  }
.LBB2_1:
0x11: {  	_ =	strace $0x80000050  }
0x12: {  	[spmem:s10], [sflag:s9] =	dma.local [hbm:s5], $0x2780  }
0x13: {  	[tilespmem:s11], [sflag:$0x4] =	stream.linear.gather [hbm4b:s6+s3], $0x1400, $0x200038;
	[tilespmem:$0x1E400] =	vst v63  }
0x14: {  	_ = 	snop  }
0x15: {  	[tilespmem:s12], [sflag:$0x4] =	stream.linear.gather [hbm4b:s7+s3], $0x1400, $0x200038;
	[tilespmem:$0x1E400] =	vst v63  }
0x16: {  	_ =	swait.ge [sflag:s13], $0x1400  }
0x17: {  	[sflag:s13] =	ssyncset.done $0x0  }
0x18: {  	[sflag:s13] =	ssyncadd.s32 $0xFFFFEC00  }
0x19: {  	_ =	swait.ge [sflag:s13], $0x1400  }
0x1a: {  	[sflag:s13] =	ssyncset.done $0x0  }
0x1b: {  	[sflag:s13] =	ssyncadd.s32 $0xFFFFEC00  }
0x1c: {  	[tilespmem:s15], [sflag:$0x1] =	stream.indirect.gather [hbm4b:s4+s14], $0x80, s11, s14, $0x2000b8;
	[tilespmem:$0x1E400] =	vst v63  }
0x1d: {  	_ = 	snop  }
0x1e: {  	[tilespmem:s17], [sflag:$0x2] =	stream.indirect.gather [hbm4b:s4+s14], $0x80, s16, s14, $0x2000b8;
	[tilespmem:$0x1E400] =	vst v63  }
0x1f: {  	_ =	swait.ge [sflag:s18], $0x2780  }
0x20: {  	[sflag:s18] =	ssyncset.done $0x0  }
0x21: {  	[sflag:s18] =	ssyncadd.s32 $0xFFFFD880  }
0x22: {  	[bflag:$0x0] =	sbarrier.arrive $0xFFFF  }
0x23: {  	_ =	strace $0x90000050  }
0x24: {  	_ =	strace $0x80000051  }
0x25: {  	_ =	swait.ge [sflag:s19], $0x4000  }
0x26: {  	[sflag:s19] =	ssyncset.done $0x0  }
0x27: {  	s28 =	simm.s32 $0x15000;
	[sflag:s19] =	ssyncadd.s32 $0xFFFFC000  }
0x28: {  	[spmem:s2] =	stream.indirect.scatter.add.f32 [tilespmem:s15], [sflag:$0x5], $0x80, s28, s14, $0x2000b8;
	[tilespmem:$0x1E400] =	vst v63  }
0x29: {  	_ =	swait.ge [sflag:s20], $0x4000  }
0x2a: {  	[sflag:s20] =	ssyncset.done $0x0  }
0x2b: {  	s28 =	simm.s32 $0x13D00;
	[sflag:s20] =	ssyncadd.s32 $0xFFFFC000  }
0x2c: {  	[tilespmem:s15], [sflag:$0x1] =	stream.indirect.gather [hbm4b:s4+s14], $0x80, s28, s14, $0x2000b8;
	[tilespmem:$0x1E400] =	vst v63  }
0x2d: {  	_ =	swait.ge [sflag:s21], $0x4000  }
0x2e: {  	[sflag:s21] =	ssyncset.done $0x0  }
0x2f: {  	s28 =	simm.s32 $0x15080;
	[sflag:s21] =	ssyncadd.s32 $0xFFFFC000  }
0x30: {  	[spmem:s2] =	stream.indirect.scatter.add.f32 [tilespmem:s17], [sflag:$0x5], $0x80, s28, s14, $0x2000b8;
	[tilespmem:$0x1E400] =	vst v63  }
0x31: {  	_ =	swait.ge [sflag:s20], $0x4000  }
0x32: {  	[sflag:s20] =	ssyncset.done $0x0  }
0x33: {  	s29 =	simm.s32 $0x13D80;
	s28 =	simm.s32 $0x400;
	[sflag:s20] =	ssyncadd.s32 $0xFFFFC000  }
.LBB2_2:
0x34: {  	[tilespmem:s17], [sflag:$0x2] =	stream.indirect.gather [hbm4b:s4+s14], $0x80, s29, s14, $0x2000b8;
	[tilespmem:$0x1E400] =	vst v63  }
0x35: {  	s29 =	smov.u32 s28  }
0x36: {  	p0 =	sne.s32 s28, $0x4800;
	s28 =	sadd.s32 $0x400, s28;
	_ =	swait.ge [sflag:s19], $0x4000  }
0x37: {  	s29 =	sshra.s32 s29, $0x2;
	[sflag:s19] =	ssyncset.done $0x0  }
0x38: {  	s30 =	sadd.s32 $0x15000, s29;
	[sflag:s19] =	ssyncadd.s32 $0xFFFFC000  }
0x39: {  	[spmem:s2] =	stream.indirect.scatter.add.f32 [tilespmem:s15], [sflag:$0x5], $0x80, s30, s14, $0x2000b8;
	[tilespmem:$0x1E400] =	vst v63  }
0x3a: {  	_ =	swait.ge [sflag:s20], $0x4000  }
0x3b: {  	[sflag:s20] =	ssyncset.done $0x0  }
0x3c: {  	s30 =	sadd.s32 $0x13D00, s29;
	[sflag:s20] =	ssyncadd.s32 $0xFFFFC000  }
0x3d: {  	[tilespmem:s15], [sflag:$0x1] =	stream.indirect.gather [hbm4b:s4+s14], $0x80, s30, s14, $0x2000b8;
	[tilespmem:$0x1E400] =	vst v63  }
0x3e: {  	_ =	swait.ge [sflag:s21], $0x4000  }
0x3f: {  	[sflag:s21] =	ssyncset.done $0x0  }
.Ltmp0:
0x40: {  	s30 =	sadd.s32 $0x15080, s29;
	[sflag:s21] =	ssyncadd.s32 $0xFFFFC000;
	(pc) =	sbr.rel @p0 .LBB2_2-.Ltmp0, $4  }
0x41: {  	[spmem:s2] =	stream.indirect.scatter.add.f32 [tilespmem:s17], [sflag:$0x5], $0x80, s30, s14, $0x2000b8;
	[tilespmem:$0x1E400] =	vst v63  }
0x42: {  	_ =	swait.ge [sflag:s20], $0x4000  }
0x43: {  	[sflag:s20] =	ssyncset.done $0x0  }
0x44: {  	s29 =	sadd.s32 $0x13D80, s29;
	[sflag:s20] =	ssyncadd.s32 $0xFFFFC000  }
0x45: {  	[tilespmem:s17], [sflag:$0x2] =	stream.indirect.gather [hbm4b:s4+s14], $0x80, s29, s14, $0x2000b8;
	[tilespmem:$0x1E400] =	vst v63  }
0x46: {  	_ =	swait.ge [sflag:s19], $0x4000  }
0x47: {  	[sflag:s19] =	ssyncset.done $0x0  }
0x48: {  	[sflag:s19] =	ssyncadd.s32 $0xFFFFC000  }
0x49: {  	[spmem:s2] =	stream.indirect.scatter.add.f32 [tilespmem:s15], [sflag:$0x5], $0x80, s22, s14, $0x2000b8;
	[tilespmem:$0x1E400] =	vst v63  }
0x4a: {  	_ =	swait.ge [sflag:s20], $0x4000  }
0x4b: {  	[sflag:s20] =	ssyncset.done $0x0  }
0x4c: {  	[sflag:s20] =	ssyncadd.s32 $0xFFFFC000  }
0x4d: {  	_ =	swait.ge [sflag:s21], $0x4000  }
0x4e: {  	[sflag:s21] =	ssyncset.done $0x0  }
0x4f: {  	[sflag:s21] =	ssyncadd.s32 $0xFFFFC000  }
0x50: {  	[spmem:s2] =	stream.indirect.scatter.add.f32 [tilespmem:s17], [sflag:$0x5], $0x80, s24, s14, $0x2000b8;
	[tilespmem:$0x1E400] =	vst v63  }
0x51: {  	_ =	swait.ge [sflag:s20], $0x4000  }
0x52: {  	[sflag:s20] =	ssyncset.done $0x0  }
0x53: {  	[sflag:s20] =	ssyncadd.s32 $0xFFFFC000  }
0x54: {  	_ =	strace $0x90000051  }
0x55: {  	s28 =	sadd.s32 $0x280, s6;
	s29 =	simm.s32 $0x0;
	_ =	strace $0x80000052  }
0x56: {  	[tilespmem:s11], [sflag:$0x5] =	stream.linear.gather [hbm4b:s28+s29], $0x1400, $0x200038;
	[tilespmem:$0x1E400] =	vst v63  }
0x57: {  	_ =	swait.ge [sflag:s20], $0x1400  }
0x58: {  	[sflag:s20] =	ssyncset.done $0x0  }
0x59: {  	s28 =	sadd.s32 $0x280, s7;
	[sflag:s20] =	ssyncadd.s32 $0xFFFFEC00  }
0x5a: {  	[tilespmem:s12], [sflag:$0x5] =	stream.linear.gather [hbm4b:s28+s29], $0x1400, $0x200038;
	[tilespmem:$0x1E400] =	vst v63  }
0x5b: {  	_ =	swait.ge [sflag:s20], $0x1400  }
0x5c: {  	[sflag:s20] =	ssyncset.done $0x0  }
0x5d: {  	[sflag:s20] =	ssyncadd.s32 $0xFFFFEC00  }
0x5e: {  	_ =	strace $0x90000052  }
0x5f: {  	_ =	strace $0x80000053  }
0x60: {  	[tilespmem:s15], [sflag:$0x1] =	stream.indirect.gather [hbm4b:s4+s14], $0x80, s11, s14, $0x2000b8;
	[tilespmem:$0x1E400] =	vst v63  }
0x61: {  	_ = 	snop  }
0x62: {  	[tilespmem:s17], [sflag:$0x2] =	stream.indirect.gather [hbm4b:s4+s14], $0x80, s16, s14, $0x2000b8;
	[tilespmem:$0x1E400] =	vst v63  }
0x63: {  	_ =	swait.ge [sflag:s19], $0x4000  }
0x64: {  	[sflag:s19] =	ssyncset.done $0x0  }
0x65: {  	s28 =	simm.s32 $0x15000;
	[sflag:s19] =	ssyncadd.s32 $0xFFFFC000  }
0x66: {  	[spmem:s2] =	stream.indirect.scatter.add.f32 [tilespmem:s15], [sflag:$0x5], $0x80, s28, s14, $0x2000b8;
	[tilespmem:$0x1E400] =	vst v63  }
0x67: {  	_ =	swait.ge [sflag:s20], $0x4000  }
0x68: {  	[sflag:s20] =	ssyncset.done $0x0  }
0x69: {  	s28 =	simm.s32 $0x13D00;
	[sflag:s20] =	ssyncadd.s32 $0xFFFFC000  }
0x6a: {  	[tilespmem:s15], [sflag:$0x1] =	stream.indirect.gather [hbm4b:s4+s14], $0x80, s28, s14, $0x2000b8;
	[tilespmem:$0x1E400] =	vst v63  }
0x6b: {  	_ =	swait.ge [sflag:s21], $0x4000  }
0x6c: {  	[sflag:s21] =	ssyncset.done $0x0  }
0x6d: {  	s28 =	simm.s32 $0x15080;
	[sflag:s21] =	ssyncadd.s32 $0xFFFFC000  }
0x6e: {  	[spmem:s2] =	stream.indirect.scatter.add.f32 [tilespmem:s17], [sflag:$0x5], $0x80, s28, s14, $0x2000b8;
	[tilespmem:$0x1E400] =	vst v63  }
0x6f: {  	_ =	swait.ge [sflag:s20], $0x4000  }
0x70: {  	[sflag:s20] =	ssyncset.done $0x0  }
0x71: {  	s29 =	simm.s32 $0x13D80;
	s28 =	simm.s32 $0x400;
	[sflag:s20] =	ssyncadd.s32 $0xFFFFC000  }
.LBB2_4:
0x72: {  	[tilespmem:s17], [sflag:$0x2] =	stream.indirect.gather [hbm4b:s4+s14], $0x80, s29, s14, $0x2000b8;
	[tilespmem:$0x1E400] =	vst v63  }
0x73: {  	s29 =	smov.u32 s28  }
0x74: {  	p0 =	sne.s32 s28, $0x4800;
	s28 =	sadd.s32 $0x400, s28;
	_ =	swait.ge [sflag:s19], $0x4000  }
0x75: {  	s29 =	sshra.s32 s29, $0x2;
	[sflag:s19] =	ssyncset.done $0x0  }
0x76: {  	s30 =	sadd.s32 $0x15000, s29;
	[sflag:s19] =	ssyncadd.s32 $0xFFFFC000  }
0x77: {  	[spmem:s2] =	stream.indirect.scatter.add.f32 [tilespmem:s15], [sflag:$0x5], $0x80, s30, s14, $0x2000b8;
	[tilespmem:$0x1E400] =	vst v63  }
0x78: {  	_ =	swait.ge [sflag:s20], $0x4000  }
0x79: {  	[sflag:s20] =	ssyncset.done $0x0  }
0x7a: {  	s30 =	sadd.s32 $0x13D00, s29;
	[sflag:s20] =	ssyncadd.s32 $0xFFFFC000  }
0x7b: {  	[tilespmem:s15], [sflag:$0x1] =	stream.indirect.gather [hbm4b:s4+s14], $0x80, s30, s14, $0x2000b8;
	[tilespmem:$0x1E400] =	vst v63  }
0x7c: {  	_ =	swait.ge [sflag:s21], $0x4000  }
0x7d: {  	[sflag:s21] =	ssyncset.done $0x0  }
.Ltmp1:
0x7e: {  	s30 =	sadd.s32 $0x15080, s29;
	[sflag:s21] =	ssyncadd.s32 $0xFFFFC000;
	(pc) =	sbr.rel @p0 .LBB2_4-.Ltmp1, $4  }
0x7f: {  	[spmem:s2] =	stream.indirect.scatter.add.f32 [tilespmem:s17], [sflag:$0x5], $0x80, s30, s14, $0x2000b8;
	[tilespmem:$0x1E400] =	vst v63  }
0x80: {  	_ =	swait.ge [sflag:s20], $0x4000  }
0x81: {  	[sflag:s20] =	ssyncset.done $0x0  }
0x82: {  	s29 =	sadd.s32 $0x13D80, s29;
	[sflag:s20] =	ssyncadd.s32 $0xFFFFC000  }
0x83: {  	[tilespmem:s17], [sflag:$0x2] =	stream.indirect.gather [hbm4b:s4+s14], $0x80, s29, s14, $0x2000b8;
	[tilespmem:$0x1E400] =	vst v63  }
0x84: {  	_ =	swait.ge [sflag:s19], $0x4000  }
0x85: {  	[sflag:s19] =	ssyncset.done $0x0  }
0x86: {  	[sflag:s19] =	ssyncadd.s32 $0xFFFFC000  }
0x87: {  	[spmem:s2] =	stream.indirect.scatter.add.f32 [tilespmem:s15], [sflag:$0x5], $0x80, s22, s14, $0x2000b8;
	[tilespmem:$0x1E400] =	vst v63  }
0x88: {  	_ =	swait.ge [sflag:s20], $0x4000  }
0x89: {  	[sflag:s20] =	ssyncset.done $0x0  }
0x8a: {  	[sflag:s20] =	ssyncadd.s32 $0xFFFFC000  }
0x8b: {  	_ =	swait.ge [sflag:s21], $0x4000  }
0x8c: {  	[sflag:s21] =	ssyncset.done $0x0  }
0x8d: {  	[sflag:s21] =	ssyncadd.s32 $0xFFFFC000  }
0x8e: {  	[spmem:s2] =	stream.indirect.scatter.add.f32 [tilespmem:s17], [sflag:$0x5], $0x80, s24, s14, $0x2000b8;
	[tilespmem:$0x1E400] =	vst v63  }
0x8f: {  	_ =	swait.ge [sflag:s20], $0x4000  }
0x90: {  	[sflag:s20] =	ssyncset.done $0x0  }
0x91: {  	[sflag:s20] =	ssyncadd.s32 $0xFFFFC000  }
0x92: {  	_ =	strace $0x90000053  }
0x93: {  	s26 =	sadd.s32 $0x1, s26;
	[bflag:$0x0] =	sbarrier.arrive $0xFFFF  }
0x94: {  	p0 =	sne.s32 s26, s8;
	_ =	strace $0x80000054  }
0x95: {  	[hbm:s23], [sflag:s25] =	dma.local [spmem:s10], $0x2780  }
.Ltmp2:
0x96: {  	_ = 	snop;
	(pc) =	sbr.rel @p0 .LBB2_1-.Ltmp2, $4  }
0x97: {  	_ =	swait.ge [sflag:s20], $0x2780  }
0x98: {  	[sflag:s20] =	ssyncset.done $0x0  }
0x99: {  	[sflag:s20] =	ssyncadd.s32 $0xFFFFD880  }
0x9a: {  	_ =	strace $0x90000054  }
0x9b: {  	_ =	sfence.sel $0x180000  }
0x9c: {  	[bflag:$0x0] =	sbarrier.arrive $0xFFFF  }
0x9d: {  	p0 =	sne.s32 s1, $0x0;
	_ =	strace $0x9000004F  }
0x9e: {  	s0 =	sadd.s32 @!p0 $0x100000, s0;
	[bflag:$0x2] =	sbarrier.arrive $0xFFFF  }
0x9f: {  	[sflag:s0] =	ssyncadd.tile.s32 @!p0 $0x1;
	_ =	shalt  }
.Lfunc_end2:
_tile_overlayer_lowered:
.L_overlay_start_2:
0xa0: {  	(tag) =	ssettag $0x2  }
0xa1: {  	s0 =	rddreg [dreg:$0x0];
	s2 =	stileid.u32  }
0xa2: {  	s1 =	rddreg [dreg:$0x1];
	p0 =	sne.s32 s2, $0x0  }
0xa3: {  	s3 =	rddreg [dreg:$0x2];
	[bflag:$0x3] =	sbarrier.arrive $0xFFFF;
	s2 =	simm.s32 @!p0 $0x1C05  }
0xa4: {  	[timem:s3], [sflag:s2] =	dma.local @!p0 [hbm:s0], s1  }
0xa5: {  	s0 =	simm.s32 @!p0 $0x5  }
0xa6: {  	_ =	swait.ge @!p0 [sflag:s0], s1  }
0xa7: {  	s1 =	ssub.s32 @!p0 $0x0, s1;
	[sflag:s0] =	ssyncset.done @!p0 $0x0  }
0xa8: {  	[sflag:s0] =	ssyncadd.s32 @!p0 s1  }
0xa9: {  	[bflag:$0x3] =	sbarrier.arrive $0xFFFF  }
0xaa: {  	_ =	shalt  }

// kernel: kernel.16.cloned.1.call-start
scs
__scs_entry_jumppad:
0x0: {  	(pc) =	sbr.rel $0x88, $3  }
0x1: {  	(tag) =	ssettag $0x0;
	lr =	simm.s32 $0x1  }
0x2: {  	[smem:$0x3F83] =	sst lr;
	_ =	strace $0xD0000000  }
0x3: {  	_ = 	snop  }
0x4: {  	_ = 	snop  }
0x5: {  	_ = 	snop  }
0x6: {  	_ = 	snop  }
0x7: {  	_ = 	snop  }
__scs_overlays_trampoline_lowered:
0x8: {  	[smem:$0x3F92] =	sst s0  }
0x9: {  	[smem:$0x3F93] =	sst s1  }
0xa: {  	[smem:$0x3F94] =	sst s2  }
0xb: {  	[smem:$0x3F95] =	sst s3  }
0xc: {  	[smem:$0x3F96] =	sst s4  }
0xd: {  	[smem:$0x3F97] =	sst s5  }
0xe: {  	[smem:$0x3F98] =	sst s6  }
0xf: {  	[smem:$0x3F99] =	sst s7  }
0x10: {  	[smem:$0x3F9A] =	sst s8  }
0x11: {  	[smem:$0x3F9B] =	sst s9;
	s0 =	simm.s32 @!p0 $0x0  }
0x12: {  	s1 =	sld [smem:$0x3F81];
	s0 =	simm.s32 @p0 $0x1  }
0x13: {  	[smem:$0x3F9C] =	sst s0;
	s0 =	simm.s32 @!p1 $0x0  }
0x14: {  	s2 =	sld [smem:$0x3F80];
	s0 =	simm.s32 @p1 $0x1  }
0x15: {  	[smem:$0x3F9D] =	sst s0;
	s0 =	simm.s32 @!p2 $0x0  }
0x16: {  	s3 =	sld [smem:$0x3FDB];
	s0 =	simm.s32 @p2 $0x1  }
0x17: {  	s4 =	simm.s32 $0x1BF5;
	[smem:$0x3F9F] =	sst s0  }
0x18: {  	s0 =	sld [smem:$0x3F82];
	_ =	swait.ge [sflag:s4], $0x0  }
0x19: {  	s7 =	sld [smem:$0x3F83]  }
0x1a: {  	s8 =	sadd.s32 $0xFFFFE003, lr  }
0x1b: {  	s9 =	sadd.s32 $0xFFFFFEF7, lr;
	s5 =	simm.s32 $0xFFFFFFFF;
	p2 =	slt.u32 s8, $0xFFFFF086  }
0x1c: {  	p1 =	slt.u32 s9, $0xF7A;
	s5 =	simm.s32 @!p2 $0x0  }
0x1d: {  	s5 =	simm.s32 @p1 $0x1;
	p0 =	seq.s32 s7, s2  }
0x1e: {  	s7 =	smul.u32 @!p0 $0xF7A, s2;
	p2 =	seq.s32 @!p0 s5, $0x0  }
0x1f: {  	s9 =	smul.u32 $0xF7A, s1;
	s8 =	simm.s32 @!p0 $0x1BF5;
	p2 =	por !p2, p0  }
0x20: {  	[sflag:s8] =	ssyncset.s32 @!p0 $0xFFFFF086;
	s6 =	sadd.s32 @!p0 s3, s7;
	s7 =	simm.s32 @!p0 $0x108  }
0x21: {  	s3 =	sadd.s32 s3, s9;
	s6 =	sadd.s32 @!p0 $0x88, s6;
	s7 =	simm.s32 @p2 $0x1082  }
0x22: {  	[simem:s7], [sflag:s8] =	dma.local @!p0 [hbm:s6], $0xF7A  }
0x23: {  	s9 =	sor.u32 $0xD0000000, s2;
	s6 =	simm.s32 $0x108;
	_ =	swait.ge @!p0 [sflag:s8], $0x0  }
0x24: {  	s3 =	sadd.s32 $0x88, s3;
	s6 =	simm.s32 @!p1 $0x1082;
	[sflag:s4] =	ssyncset.s32 $0xFFFFF086  }
0x25: {  	[simem:s6], [sflag:s4] =	dma.local [hbm:s3], $0xF7A  }
0x26: {  	[smem:$0x3F83] =	sst s1;
	(tag) =	ssettag s2;
	_ =	strace s9  }
0x27: {  	s1 =	sld [smem:$0x3F93]  }
0x28: {  	s2 =	sld [smem:$0x3F94]  }
0x29: {  	s4 =	sld [smem:$0x3F96]  }
0x2a: {  	p0 =	seq.s32 s5, $0x0;
	s5 =	sld [smem:$0x3F97]  }
0x2b: {  	s6 =	sld [smem:$0x3F98]  }
0x2c: {  	s7 =	sld [smem:$0x3F99]  }
0x2d: {  	s3 =	simm.s32 $0x108;
	s8 =	sld [smem:$0x3F9A]  }
0x2e: {  	s3 =	simm.s32 @!p0 $0x1082;
	s9 =	sld [smem:$0x3F9B]  }
0x2f: {  	lr =	sadd.s32 s0, s3;
	s0 =	sld [smem:$0x3F92]  }
0x30: {  	s3 =	sld [smem:$0x3F95]  }
0x31: {  	[smem:$0x3F9E] =	sst s10  }
0x32: {  	s10 =	sld [smem:$0x3F9C];
	_ =	sdelay $0x3  }
0x33: {  	p0 =	seq.s32 s10, $0x1;
	s10 =	sld [smem:$0x3F9E];
	_ =	sdelay $0x3  }
0x34: {  	[smem:$0x3F9E] =	sst s10  }
0x35: {  	s10 =	sld [smem:$0x3F9D];
	_ =	sdelay $0x3  }
0x36: {  	p1 =	seq.s32 s10, $0x1;
	s10 =	sld [smem:$0x3F9E];
	_ =	sdelay $0x3  }
0x37: {  	[smem:$0x3F9E] =	sst s10  }
0x38: {  	s10 =	sld [smem:$0x3F9F]  }
0x39: {  	_ = 	snop;
	(pc) =	sbr.ind lr, $3  }
0x3a: {  	_ = 	snop  }
0x3b: {  	_ = 	snop  }
0x3c: {  	p2 =	seq.s32 s10, $0x1;
	s10 =	sld [smem:$0x3F9E]  }
0x3d: {  	_ =	shalt  }
0x3e: {  	_ =	shalt  }
0x3f: {  	_ =	shalt  }
0x40: {  	_ =	shalt  }
0x41: {  	_ =	shalt  }
0x42: {  	_ =	shalt  }
0x43: {  	_ =	shalt  }
0x44: {  	_ =	shalt  }
0x45: {  	_ =	shalt  }
0x46: {  	_ =	shalt  }
0x47: {  	_ =	shalt  }
0x48: {  	_ =	shalt  }
0x49: {  	_ =	shalt  }
0x4a: {  	_ =	shalt  }
0x4b: {  	_ =	shalt  }
0x4c: {  	_ =	shalt  }
0x4d: {  	_ =	shalt  }
0x4e: {  	_ =	shalt  }
0x4f: {  	_ =	shalt  }
0x50: {  	_ =	shalt  }
0x51: {  	_ =	shalt  }
0x52: {  	_ =	shalt  }
0x53: {  	_ =	shalt  }
0x54: {  	_ =	shalt  }
0x55: {  	_ =	shalt  }
0x56: {  	_ =	shalt  }
0x57: {  	_ =	shalt  }
0x58: {  	_ =	shalt  }
0x59: {  	_ =	shalt  }
0x5a: {  	_ =	shalt  }
0x5b: {  	_ =	shalt  }
0x5c: {  	_ =	shalt  }
0x5d: {  	_ =	shalt  }
0x5e: {  	_ =	shalt  }
0x5f: {  	_ =	shalt  }
0x60: {  	_ =	shalt  }
0x61: {  	_ =	shalt  }
0x62: {  	_ =	shalt  }
0x63: {  	_ =	shalt  }
0x64: {  	_ =	shalt  }
0x65: {  	_ =	shalt  }
0x66: {  	_ =	shalt  }
0x67: {  	_ =	shalt  }
0x68: {  	_ =	shalt  }
0x69: {  	_ =	shalt  }
0x6a: {  	_ =	shalt  }
0x6b: {  	_ =	shalt  }
0x6c: {  	_ =	shalt  }
0x6d: {  	_ =	shalt  }
0x6e: {  	_ =	shalt  }
0x6f: {  	_ =	shalt  }
0x70: {  	_ =	shalt  }
0x71: {  	_ =	shalt  }
0x72: {  	_ =	shalt  }
0x73: {  	_ =	shalt  }
0x74: {  	_ =	shalt  }
0x75: {  	_ =	shalt  }
0x76: {  	_ =	shalt  }
0x77: {  	_ =	shalt  }
0x78: {  	_ =	shalt  }
0x79: {  	_ =	shalt  }
0x7a: {  	_ =	shalt  }
0x7b: {  	_ =	shalt  }
0x7c: {  	_ =	shalt  }
0x7d: {  	_ =	shalt  }
0x7e: {  	_ =	shalt  }
0x7f: {  	_ =	shalt  }
0x80: {  	_ =	shalt  }
0x81: {  	_ =	shalt  }
0x82: {  	_ =	shalt  }
0x83: {  	_ =	shalt  }
0x84: {  	_ =	shalt  }
0x85: {  	_ =	shalt  }
0x86: {  	_ =	shalt  }
0x87: {  	_ =	shalt  }
.Lfunc_end0:
.L_simem_size_0:
called_computation.2_lowered:
.L_overlay_start_0:
0x88: {  	s2 =	sld [smem:$0x3FD9]  }
0x89: {  	s3 =	sld [smem:$0x3FFE];
	_ =	sdelay $0x1  }
0x8a: {  	s1 =	srdreg.scid  }
0x8b: {  	s0 =	sand.u32 $0x1, s1  }
0x8c: {  	s16 =	sshll.u32 s0, $0xA;
	s2 =	sadd.s32 s3, s2  }
0x8d: {  	s2 =	sadd.s32 s2, s16  }
0x8e: {  	[smem:$0x3FAA] =	sst s2  }
0x8f: {  	_ = 	snop  }
0x90: {  	(tm) =	ssettm $0x1  }
0x91: {  	s17 =	sld [smem:$0x3FFB];
	_ =	sdelay $0x3  }
0x92: {  	_ =	strace s17  }
0x93: {  	s2 =	sld [smem:$0x3FFC];
	_ =	sdelay $0x3  }
0x94: {  	_ =	strace s2  }
0x95: {  	s2 =	sld [smem:$0x3FFD];
	_ =	sdelay $0x3  }
0x96: {  	_ =	strace s2  }
0x97: {  	_ =	strace $0x8FFFFFFF  }
0x98: {  	s18 =	sld [smem:$0x3FDB];
	_ =	sdelay $0x1  }
0x99: {  	s19 =	simm.s32 $_scs_section_size  }
0x9a: {  	s4 =	simm.s32 $_size__tile_overlayer_lowered;
	s5 =	simm.s32 $_tile_overlayer_lowered  }
0x9b: {  	s22 =	simm.s32 $0x1BFF;
	s21 =	sshll.u32 s5, $0x1;
	s2 =	sadd.s32 s19, s18  }
0x9c: {  	s6 =	simm.s32 $0x0;
	s20 =	sshll.u32 s4, $0x1;
	s4 =	sadd.s32 s21, s2  }
0x9d: {  	[timem:s6], [sflag:s22] =	dma.local [hbm:s4], s20  }
0x9e: {  	_ =	swait.ge [sflag:s22], s20  }
0x9f: {  	s3 =	ssub.s32 $0x0, s20;
	[sflag:s22] =	ssyncset.done $0x0  }
0xa0: {  	[sflag:s22] =	ssyncadd.s32 s3;
	_ =	sdelay $0x1  }
0xa1: {  	s23 =	simm.s32 $0x1B8B  }
0xa2: {  	_ =	swait.ge [sflag:s23], $0x1  }
0xa3: {  	[sflag:s23] =	ssyncset.done $0x0  }
0xa4: {  	s25 =	simm.s32 $0x1B8E;
	s24 =	sld [smem:$0x3FFE];
	[sflag:s23] =	ssyncadd.s32 $0xFFFFFFFF  }
0xa5: {  	s26 =	simm.s32 $execute0_lowered;
	[smem:$0x3FD2] =	sst s25  }
0xa6: {  	s4 =	sshll.u32 s26, $0x1;
	_ =	strace $0x80000056;
	[dreg:$0x1] =	wrdreg $0xFFFFFFFF  }
0xa7: {  	s28 =	simm.s32 $_size_execute0_lowered;
	s2 =	sadd.s32 s2, s4;
	[dreg:$0x0] =	wrdreg $0x0  }
0xa8: {  	s4 =	sshll.u32 s28, $0x1;
	[dreg:$0x2] =	wrdreg s2  }
0xa9: {  	[dreg:$0x3] =	wrdreg s4  }
0xaa: {  	[dreg:$0x4] =	wrdreg $0xC0  }
0xab: {  	_ =	task [dreg:s6], $0x5FFFF  }
0xac: {  	[dreg:$0x1] =	wrdreg $0xFFFFFFFF  }
0xad: {  	[dreg:$0x0] =	wrdreg $0x60  }
0xae: {  	[dreg:$0x2] =	wrdreg s24  }
0xaf: {  	[dreg:$0x3] =	wrdreg $0x0  }
0xb0: {  	[dreg:$0x4] =	wrdreg $0x9  }
0xb1: {  	_ =	task.clear_ibuf [dreg:s6], $0x5FFFF;
	_ =	strace $0x90000056  }
0xb2: {  	s29 =	simm.s32 $0x9;
	_ =	strace $0x8000005D  }
0xb3: {  	_ =	swait.ge [sflag:s29], $0x1  }
0xb4: {  	[sflag:s29] =	ssyncadd.s32 $0xFFFFFFFF  }
0xb5: {  	_ =	strace $0x9000005D  }
0xb6: {  	_ =	sfence  }
0xb7: {  	s30 =	sld [smem:$0x0];
	_ =	sdelay $0x2  }
0xb8: {  	s31 =	sshll.u32 s1, $0xD;
	s1 =	sshrl.u32 s1, $0x2  }
0xb9: {  	s3 =	sand.u32 $0x4000, s31;
	s1 =	sadd.s32 s1, s30  }
0xba: {  	s0 =	sor.u32 s3, s0;
	s1 =	sshll.u32 s1, $0x11  }
0xbb: {  	s0 =	sor.u32 s1, s0  }
0xbc: {  	s0 =	sadd.s32 $0x8F2B, s0  }
0xbd: {  	[sflag:s0] =	ssyncadd.remote.s32 $0x1  }
0xbe: {  	_ =	sfence.sel $0xFFFF  }
0xbf: {  	[dreg:$0x0] =	wrdreg $0xFFFFFFFF;
	(pc) =	sbr.abs _section_cstart, $3  }
0xc0: {  	[dreg:$0x1] =	wrdreg $0xFFFFFFFF  }
0xc1: {  	_ =	task.clear_ibuf [dreg:s6], $0x2FFFF;
	_ =	strace $0x9FFFFFFF  }
0xc2: {  	(tm) =	ssettm $0x7FFFFFFF  }
0xc3: {  	_ =	shalt  }
tec
execute0_lowered:
.L_overlay_start_1:
0x0: {  	(tag) =	ssettag $0x1  }
0x1: {  	s0 =	srdreg.scid;
	s6 =	rddreg [dreg:$0x0]  }
0x2: {  	s2 =	rddreg [dreg:$0x1];
	s1 =	stileid.u32;
	s3 =	simm.s32 $0x0  }
0x3: {  	s12 =	simm.s32 $0x15000;
	s13 =	simm.s32 $0x4;
	s14 =	simm.s32 $0x80  }
0x4: {  	s15 =	simm.s32 $0x16400;
	s16 =	simm.s32 $0x13C80;
	s17 =	simm.s32 $0x1A400  }
0x5: {  	s18 =	simm.s32 $0x3;
	s19 =	simm.s32 $0x1;
	s20 =	simm.s32 $0x5  }
0x6: {  	s21 =	simm.s32 $0x2;
	s22 =	simm.s32 $0x16300;
	s26 =	simm.s32 $0x0  }
0x7: {  	s5 =	sand.u32 $0x1, s0;
	s0 =	rddreg [dreg:$0x2];
	s8 =	smul.u32 $0x4F000, s1  }
0x8: {  	[smem:$0x7FF] =	sst s3;
	s24 =	smul.u32 $0x2780, s1;
	s25 =	sshll.u32 s1, $0x6  }
0x9: {  	s4 =	sshll.u32 s5, $0x4;
	_ =	strace $0x80000057;
	s9 =	smul.u32 $0x27800, s5  }
0xa: {  	s10 =	ssub.s32 $0x2, s5;
	s5 =	sadd.s32 $0x19600, s6;
	s4 =	sor.u32 s1, s4  }
0xb: {  	s11 =	sshrl.u32 s10, $0x1;
	s8 =	sshrl.u32 s8, $0x2;
	s7 =	smul.u32 $0x500, s4  }
0xc: {  	s4 =	sadd.s32 $0x1BE00, s6;
	s9 =	sadd.s32 s9, s6;
	s10 =	ssub.s32 s10, s11  }
0xd: {  	s31 =	sadd.s32 s8, s2;
	s11 =	simm.s32 $0x13C00;
	s23 =	sadd.s32 $0x43000, s9  }
0xe: {  	s8 =	smax.u32 s10, $0x1;
	s9 =	sor.u32 $0x1C03, s25;
	s10 =	sshrl.u32 s31, $0x3  }
0xf: {  	s25 =	sor.u32 $0x1C05, s25;
	s7 =	sadd.s32 s7, s6;
	s23 =	sadd.s32 s24, s23  }
0x10: {  	s24 =	simm.s32 $0x16380;
	s6 =	sadd.s32 $0x5600, s7;
	s7 =	sadd.s32 $0xF600, s7  }
.LBB2_1:
0x11: {  	_ =	strace $0x80000058  }
0x12: {  	[spmem:s10], [sflag:s9] =	dma.local [hbm:s5], $0x2780  }
0x13: {  	[tilespmem:s11], [sflag:$0x4] =	stream.linear.gather [hbm4b:s6+s3], $0x1400, $0x200038;
	[tilespmem:$0x1E400] =	vst v63  }
0x14: {  	_ = 	snop  }
0x15: {  	[tilespmem:s12], [sflag:$0x4] =	stream.linear.gather [hbm4b:s7+s3], $0x1400, $0x200038;
	[tilespmem:$0x1E400] =	vst v63  }
0x16: {  	_ =	swait.ge [sflag:s13], $0x1400  }
0x17: {  	[sflag:s13] =	ssyncset.done $0x0  }
0x18: {  	[sflag:s13] =	ssyncadd.s32 $0xFFFFEC00  }
0x19: {  	_ =	swait.ge [sflag:s13], $0x1400  }
0x1a: {  	[sflag:s13] =	ssyncset.done $0x0  }
0x1b: {  	[sflag:s13] =	ssyncadd.s32 $0xFFFFEC00  }
0x1c: {  	[tilespmem:s15], [sflag:$0x1] =	stream.indirect.gather [hbm4b:s4+s14], $0x80, s11, s14, $0x2000b8;
	[tilespmem:$0x1E400] =	vst v63  }
0x1d: {  	_ = 	snop  }
0x1e: {  	[tilespmem:s17], [sflag:$0x2] =	stream.indirect.gather [hbm4b:s4+s14], $0x80, s16, s14, $0x2000b8;
	[tilespmem:$0x1E400] =	vst v63  }
0x1f: {  	_ =	swait.ge [sflag:s18], $0x2780  }
0x20: {  	[sflag:s18] =	ssyncset.done $0x0  }
0x21: {  	[sflag:s18] =	ssyncadd.s32 $0xFFFFD880  }
0x22: {  	[bflag:$0x0] =	sbarrier.arrive $0xFFFF  }
0x23: {  	_ =	strace $0x90000058  }
0x24: {  	_ =	strace $0x80000059  }
0x25: {  	_ =	swait.ge [sflag:s19], $0x4000  }
0x26: {  	[sflag:s19] =	ssyncset.done $0x0  }
0x27: {  	s28 =	simm.s32 $0x15000;
	[sflag:s19] =	ssyncadd.s32 $0xFFFFC000  }
0x28: {  	[spmem:s2] =	stream.indirect.scatter.add.f32 [tilespmem:s15], [sflag:$0x5], $0x80, s28, s14, $0x2000b8;
	[tilespmem:$0x1E400] =	vst v63  }
0x29: {  	_ =	swait.ge [sflag:s20], $0x4000  }
0x2a: {  	[sflag:s20] =	ssyncset.done $0x0  }
0x2b: {  	s28 =	simm.s32 $0x13D00;
	[sflag:s20] =	ssyncadd.s32 $0xFFFFC000  }
0x2c: {  	[tilespmem:s15], [sflag:$0x1] =	stream.indirect.gather [hbm4b:s4+s14], $0x80, s28, s14, $0x2000b8;
	[tilespmem:$0x1E400] =	vst v63  }
0x2d: {  	_ =	swait.ge [sflag:s21], $0x4000  }
0x2e: {  	[sflag:s21] =	ssyncset.done $0x0  }
0x2f: {  	s28 =	simm.s32 $0x15080;
	[sflag:s21] =	ssyncadd.s32 $0xFFFFC000  }
0x30: {  	[spmem:s2] =	stream.indirect.scatter.add.f32 [tilespmem:s17], [sflag:$0x5], $0x80, s28, s14, $0x2000b8;
	[tilespmem:$0x1E400] =	vst v63  }
0x31: {  	_ =	swait.ge [sflag:s20], $0x4000  }
0x32: {  	[sflag:s20] =	ssyncset.done $0x0  }
0x33: {  	s29 =	simm.s32 $0x13D80;
	s28 =	simm.s32 $0x400;
	[sflag:s20] =	ssyncadd.s32 $0xFFFFC000  }
.LBB2_2:
0x34: {  	[tilespmem:s17], [sflag:$0x2] =	stream.indirect.gather [hbm4b:s4+s14], $0x80, s29, s14, $0x2000b8;
	[tilespmem:$0x1E400] =	vst v63  }
0x35: {  	s29 =	smov.u32 s28  }
0x36: {  	p0 =	sne.s32 s28, $0x4800;
	s28 =	sadd.s32 $0x400, s28;
	_ =	swait.ge [sflag:s19], $0x4000  }
0x37: {  	s29 =	sshra.s32 s29, $0x2;
	[sflag:s19] =	ssyncset.done $0x0  }
0x38: {  	s30 =	sadd.s32 $0x15000, s29;
	[sflag:s19] =	ssyncadd.s32 $0xFFFFC000  }
0x39: {  	[spmem:s2] =	stream.indirect.scatter.add.f32 [tilespmem:s15], [sflag:$0x5], $0x80, s30, s14, $0x2000b8;
	[tilespmem:$0x1E400] =	vst v63  }
0x3a: {  	_ =	swait.ge [sflag:s20], $0x4000  }
0x3b: {  	[sflag:s20] =	ssyncset.done $0x0  }
0x3c: {  	s30 =	sadd.s32 $0x13D00, s29;
	[sflag:s20] =	ssyncadd.s32 $0xFFFFC000  }
0x3d: {  	[tilespmem:s15], [sflag:$0x1] =	stream.indirect.gather [hbm4b:s4+s14], $0x80, s30, s14, $0x2000b8;
	[tilespmem:$0x1E400] =	vst v63  }
0x3e: {  	_ =	swait.ge [sflag:s21], $0x4000  }
0x3f: {  	[sflag:s21] =	ssyncset.done $0x0  }
.Ltmp0:
0x40: {  	s30 =	sadd.s32 $0x15080, s29;
	[sflag:s21] =	ssyncadd.s32 $0xFFFFC000;
	(pc) =	sbr.rel @p0 .LBB2_2-.Ltmp0, $4  }
0x41: {  	[spmem:s2] =	stream.indirect.scatter.add.f32 [tilespmem:s17], [sflag:$0x5], $0x80, s30, s14, $0x2000b8;
	[tilespmem:$0x1E400] =	vst v63  }
0x42: {  	_ =	swait.ge [sflag:s20], $0x4000  }
0x43: {  	[sflag:s20] =	ssyncset.done $0x0  }
0x44: {  	s29 =	sadd.s32 $0x13D80, s29;
	[sflag:s20] =	ssyncadd.s32 $0xFFFFC000  }
0x45: {  	[tilespmem:s17], [sflag:$0x2] =	stream.indirect.gather [hbm4b:s4+s14], $0x80, s29, s14, $0x2000b8;
	[tilespmem:$0x1E400] =	vst v63  }
0x46: {  	_ =	swait.ge [sflag:s19], $0x4000  }
0x47: {  	[sflag:s19] =	ssyncset.done $0x0  }
0x48: {  	[sflag:s19] =	ssyncadd.s32 $0xFFFFC000  }
0x49: {  	[spmem:s2] =	stream.indirect.scatter.add.f32 [tilespmem:s15], [sflag:$0x5], $0x80, s22, s14, $0x2000b8;
	[tilespmem:$0x1E400] =	vst v63  }
0x4a: {  	_ =	swait.ge [sflag:s20], $0x4000  }
0x4b: {  	[sflag:s20] =	ssyncset.done $0x0  }
0x4c: {  	[sflag:s20] =	ssyncadd.s32 $0xFFFFC000  }
0x4d: {  	_ =	swait.ge [sflag:s21], $0x4000  }
0x4e: {  	[sflag:s21] =	ssyncset.done $0x0  }
0x4f: {  	[sflag:s21] =	ssyncadd.s32 $0xFFFFC000  }
0x50: {  	[spmem:s2] =	stream.indirect.scatter.add.f32 [tilespmem:s17], [sflag:$0x5], $0x80, s24, s14, $0x2000b8;
	[tilespmem:$0x1E400] =	vst v63  }
0x51: {  	_ =	swait.ge [sflag:s20], $0x4000  }
0x52: {  	[sflag:s20] =	ssyncset.done $0x0  }
0x53: {  	[sflag:s20] =	ssyncadd.s32 $0xFFFFC000  }
0x54: {  	_ =	strace $0x90000059  }
0x55: {  	s28 =	sadd.s32 $0x280, s6;
	s29 =	simm.s32 $0x0;
	_ =	strace $0x8000005A  }
0x56: {  	[tilespmem:s11], [sflag:$0x5] =	stream.linear.gather [hbm4b:s28+s29], $0x1400, $0x200038;
	[tilespmem:$0x1E400] =	vst v63  }
0x57: {  	_ =	swait.ge [sflag:s20], $0x1400  }
0x58: {  	[sflag:s20] =	ssyncset.done $0x0  }
0x59: {  	s28 =	sadd.s32 $0x280, s7;
	[sflag:s20] =	ssyncadd.s32 $0xFFFFEC00  }
0x5a: {  	[tilespmem:s12], [sflag:$0x5] =	stream.linear.gather [hbm4b:s28+s29], $0x1400, $0x200038;
	[tilespmem:$0x1E400] =	vst v63  }
0x5b: {  	_ =	swait.ge [sflag:s20], $0x1400  }
0x5c: {  	[sflag:s20] =	ssyncset.done $0x0  }
0x5d: {  	[sflag:s20] =	ssyncadd.s32 $0xFFFFEC00  }
0x5e: {  	_ =	strace $0x9000005A  }
0x5f: {  	_ =	strace $0x8000005B  }
0x60: {  	[tilespmem:s15], [sflag:$0x1] =	stream.indirect.gather [hbm4b:s4+s14], $0x80, s11, s14, $0x2000b8;
	[tilespmem:$0x1E400] =	vst v63  }
0x61: {  	_ = 	snop  }
0x62: {  	[tilespmem:s17], [sflag:$0x2] =	stream.indirect.gather [hbm4b:s4+s14], $0x80, s16, s14, $0x2000b8;
	[tilespmem:$0x1E400] =	vst v63  }
0x63: {  	_ =	swait.ge [sflag:s19], $0x4000  }
0x64: {  	[sflag:s19] =	ssyncset.done $0x0  }
0x65: {  	s28 =	simm.s32 $0x15000;
	[sflag:s19] =	ssyncadd.s32 $0xFFFFC000  }
0x66: {  	[spmem:s2] =	stream.indirect.scatter.add.f32 [tilespmem:s15], [sflag:$0x5], $0x80, s28, s14, $0x2000b8;
	[tilespmem:$0x1E400] =	vst v63  }
0x67: {  	_ =	swait.ge [sflag:s20], $0x4000  }
0x68: {  	[sflag:s20] =	ssyncset.done $0x0  }
0x69: {  	s28 =	simm.s32 $0x13D00;
	[sflag:s20] =	ssyncadd.s32 $0xFFFFC000  }
0x6a: {  	[tilespmem:s15], [sflag:$0x1] =	stream.indirect.gather [hbm4b:s4+s14], $0x80, s28, s14, $0x2000b8;
	[tilespmem:$0x1E400] =	vst v63  }
0x6b: {  	_ =	swait.ge [sflag:s21], $0x4000  }
0x6c: {  	[sflag:s21] =	ssyncset.done $0x0  }
0x6d: {  	s28 =	simm.s32 $0x15080;
	[sflag:s21] =	ssyncadd.s32 $0xFFFFC000  }
0x6e: {  	[spmem:s2] =	stream.indirect.scatter.add.f32 [tilespmem:s17], [sflag:$0x5], $0x80, s28, s14, $0x2000b8;
	[tilespmem:$0x1E400] =	vst v63  }
0x6f: {  	_ =	swait.ge [sflag:s20], $0x4000  }
0x70: {  	[sflag:s20] =	ssyncset.done $0x0  }
0x71: {  	s29 =	simm.s32 $0x13D80;
	s28 =	simm.s32 $0x400;
	[sflag:s20] =	ssyncadd.s32 $0xFFFFC000  }
.LBB2_4:
0x72: {  	[tilespmem:s17], [sflag:$0x2] =	stream.indirect.gather [hbm4b:s4+s14], $0x80, s29, s14, $0x2000b8;
	[tilespmem:$0x1E400] =	vst v63  }
0x73: {  	s29 =	smov.u32 s28  }
0x74: {  	p0 =	sne.s32 s28, $0x4800;
	s28 =	sadd.s32 $0x400, s28;
	_ =	swait.ge [sflag:s19], $0x4000  }
0x75: {  	s29 =	sshra.s32 s29, $0x2;
	[sflag:s19] =	ssyncset.done $0x0  }
0x76: {  	s30 =	sadd.s32 $0x15000, s29;
	[sflag:s19] =	ssyncadd.s32 $0xFFFFC000  }
0x77: {  	[spmem:s2] =	stream.indirect.scatter.add.f32 [tilespmem:s15], [sflag:$0x5], $0x80, s30, s14, $0x2000b8;
	[tilespmem:$0x1E400] =	vst v63  }
0x78: {  	_ =	swait.ge [sflag:s20], $0x4000  }
0x79: {  	[sflag:s20] =	ssyncset.done $0x0  }
0x7a: {  	s30 =	sadd.s32 $0x13D00, s29;
	[sflag:s20] =	ssyncadd.s32 $0xFFFFC000  }
0x7b: {  	[tilespmem:s15], [sflag:$0x1] =	stream.indirect.gather [hbm4b:s4+s14], $0x80, s30, s14, $0x2000b8;
	[tilespmem:$0x1E400] =	vst v63  }
0x7c: {  	_ =	swait.ge [sflag:s21], $0x4000  }
0x7d: {  	[sflag:s21] =	ssyncset.done $0x0  }
.Ltmp1:
0x7e: {  	s30 =	sadd.s32 $0x15080, s29;
	[sflag:s21] =	ssyncadd.s32 $0xFFFFC000;
	(pc) =	sbr.rel @p0 .LBB2_4-.Ltmp1, $4  }
0x7f: {  	[spmem:s2] =	stream.indirect.scatter.add.f32 [tilespmem:s17], [sflag:$0x5], $0x80, s30, s14, $0x2000b8;
	[tilespmem:$0x1E400] =	vst v63  }
0x80: {  	_ =	swait.ge [sflag:s20], $0x4000  }
0x81: {  	[sflag:s20] =	ssyncset.done $0x0  }
0x82: {  	s29 =	sadd.s32 $0x13D80, s29;
	[sflag:s20] =	ssyncadd.s32 $0xFFFFC000  }
0x83: {  	[tilespmem:s17], [sflag:$0x2] =	stream.indirect.gather [hbm4b:s4+s14], $0x80, s29, s14, $0x2000b8;
	[tilespmem:$0x1E400] =	vst v63  }
0x84: {  	_ =	swait.ge [sflag:s19], $0x4000  }
0x85: {  	[sflag:s19] =	ssyncset.done $0x0  }
0x86: {  	[sflag:s19] =	ssyncadd.s32 $0xFFFFC000  }
0x87: {  	[spmem:s2] =	stream.indirect.scatter.add.f32 [tilespmem:s15], [sflag:$0x5], $0x80, s22, s14, $0x2000b8;
	[tilespmem:$0x1E400] =	vst v63  }
0x88: {  	_ =	swait.ge [sflag:s20], $0x4000  }
0x89: {  	[sflag:s20] =	ssyncset.done $0x0  }
0x8a: {  	[sflag:s20] =	ssyncadd.s32 $0xFFFFC000  }
0x8b: {  	_ =	swait.ge [sflag:s21], $0x4000  }
0x8c: {  	[sflag:s21] =	ssyncset.done $0x0  }
0x8d: {  	[sflag:s21] =	ssyncadd.s32 $0xFFFFC000  }
0x8e: {  	[spmem:s2] =	stream.indirect.scatter.add.f32 [tilespmem:s17], [sflag:$0x5], $0x80, s24, s14, $0x2000b8;
	[tilespmem:$0x1E400] =	vst v63  }
0x8f: {  	_ =	swait.ge [sflag:s20], $0x4000  }
0x90: {  	[sflag:s20] =	ssyncset.done $0x0  }
0x91: {  	[sflag:s20] =	ssyncadd.s32 $0xFFFFC000  }
0x92: {  	_ =	strace $0x9000005B  }
0x93: {  	s26 =	sadd.s32 $0x1, s26;
	[bflag:$0x0] =	sbarrier.arrive $0xFFFF  }
0x94: {  	p0 =	sne.s32 s26, s8;
	_ =	strace $0x8000005C  }
0x95: {  	[hbm:s23], [sflag:s25] =	dma.local [spmem:s10], $0x2780  }
.Ltmp2:
0x96: {  	_ = 	snop;
	(pc) =	sbr.rel @p0 .LBB2_1-.Ltmp2, $4  }
0x97: {  	_ =	swait.ge [sflag:s20], $0x2780  }
0x98: {  	[sflag:s20] =	ssyncset.done $0x0  }
0x99: {  	[sflag:s20] =	ssyncadd.s32 $0xFFFFD880  }
0x9a: {  	_ =	strace $0x9000005C  }
0x9b: {  	_ =	sfence.sel $0x180000  }
0x9c: {  	[bflag:$0x0] =	sbarrier.arrive $0xFFFF  }
0x9d: {  	p0 =	sne.s32 s1, $0x0;
	_ =	strace $0x90000057  }
0x9e: {  	s0 =	sadd.s32 @!p0 $0x100000, s0;
	[bflag:$0x2] =	sbarrier.arrive $0xFFFF  }
0x9f: {  	[sflag:s0] =	ssyncadd.tile.s32 @!p0 $0x1;
	_ =	shalt  }
.Lfunc_end2:
_tile_overlayer_lowered:
.L_overlay_start_2:
0xa0: {  	(tag) =	ssettag $0x2  }
0xa1: {  	s0 =	rddreg [dreg:$0x0];
	s2 =	stileid.u32  }
0xa2: {  	s1 =	rddreg [dreg:$0x1];
	p0 =	sne.s32 s2, $0x0  }
0xa3: {  	s3 =	rddreg [dreg:$0x2];
	[bflag:$0x3] =	sbarrier.arrive $0xFFFF;
	s2 =	simm.s32 @!p0 $0x1C05  }
0xa4: {  	[timem:s3], [sflag:s2] =	dma.local @!p0 [hbm:s0], s1  }
0xa5: {  	s0 =	simm.s32 @!p0 $0x5  }
0xa6: {  	_ =	swait.ge @!p0 [sflag:s0], s1  }
0xa7: {  	s1 =	ssub.s32 @!p0 $0x0, s1;
	[sflag:s0] =	ssyncset.done @!p0 $0x0  }
0xa8: {  	[sflag:s0] =	ssyncadd.s32 @!p0 s1  }
0xa9: {  	[bflag:$0x3] =	sbarrier.arrive $0xFFFF  }
0xaa: {  	_ =	shalt  }

</sc_bundles>
